<compile_context>
chip_gen: v7x
topology: tpu7x:2x2x1
jax: 0.10.2.dev20260603
libtpu: 0.0.44.dev20260713+nightly
codegen_flags: <defaults>
</compile_context>

<pallas_src>
import functools

import jax
import jax.numpy as jnp
from jax.experimental import pallas as pl
from jax.experimental.pallas import tpu as pltpu

B, S, DIM = 8, 576, 256
K = 1024
NQ = 8
N = B * S
COMMIT_W = 0.25

ROW_BLK = 512
N_BLKS = N // ROW_BLK


def _level_body(r_ref, rsq_ref, cb_ref, cbsq_ref, idx_ref, minv_ref):
    r = r_ref[...]
    cb = cb_ref[...]
    rsq = rsq_ref[...].reshape(ROW_BLK, 1)
    cbsq = cbsq_ref[...]
    sc = jax.lax.dot_general(
        r, cb, (((1,), (1,)), ((), ())),
        preferred_element_type=jnp.float32)
    d = (rsq - 2.0 * sc) + cbsq
    minv = jnp.min(d, axis=1)
    iota = jax.lax.broadcasted_iota(jnp.int32, (ROW_BLK, K), 1)
    idx = jnp.min(jnp.where(d == minv[:, None], iota, K), axis=1)
    idx_ref[...] = idx.astype(jnp.int32)
    minv_ref[...] = minv


def _level_argmin(residual, rsq, cb, cbsq):
    return pl.pallas_call(
        _level_body,
        grid=(N_BLKS,),
        in_specs=[
            pl.BlockSpec((ROW_BLK, DIM), lambda i: (i, 0)),
            pl.BlockSpec((ROW_BLK,), lambda i: (i,)),
            pl.BlockSpec((K, DIM), lambda i: (0, 0)),
            pl.BlockSpec((1, K), lambda i: (0, 0)),
        ],
        out_specs=[
            pl.BlockSpec((ROW_BLK,), lambda i: (i,)),
            pl.BlockSpec((ROW_BLK,), lambda i: (i,)),
        ],
        out_shape=[
            jax.ShapeDtypeStruct((N,), jnp.int32),
            jax.ShapeDtypeStruct((N,), jnp.float32),
        ],
    )(residual, rsq, cb, cbsq)


def kernel(x, codebooks):
    x_flat = x.reshape(N, DIM)
    cbsq_all = jnp.sum(codebooks ** 2, axis=-1)
    residual = x_flat
    quantized_sum = jnp.zeros_like(x_flat)
    all_indices = []
    total_commit = jnp.float32(0.0)
    total_perp = jnp.float32(0.0)
    for level in range(NQ):
        cb = codebooks[level]
        rsq = jnp.sum(residual ** 2, axis=-1)
        idx, _minv = _level_argmin(residual, rsq, cb, cbsq_all[level][None, :])
        quantized = jnp.take(cb, idx, axis=0)
        commit = jnp.mean((residual - quantized) ** 2)
        total_commit = total_commit + commit
        counts = jnp.bincount(idx, length=K).astype(jnp.float32)
        avg_probs = counts / N
        perp = jnp.exp(-jnp.sum(avg_probs * jnp.log(avg_probs + 1e-10)))
        total_perp = total_perp + perp
        quantized_sum = quantized_sum + quantized
        residual = residual - quantized
        all_indices.append(idx)
    indices_out = jnp.stack(all_indices, axis=-1).reshape(B, S, NQ)
    q_out = quantized_sum.reshape(B, S, DIM)
    quantized_out = x + jax.lax.stop_gradient(q_out - x)
    return (quantized_out, indices_out, total_commit * COMMIT_W,
            total_perp / NQ)

# --- scband reference (transcript-rebuilt; emitter-appended) ---
"""Pipeline reference for scband-residual-quantizer-80367428043180 (READ-ONLY COPY).

The authoritative reference and input builder live on the scoring server;
editing this copy changes nothing except your own understanding.
"""

import jax, jax.numpy as jnp
import numpy as np

B, S, DIM = 8, 576, 256
K = 1024
NQ = 8
COMMIT_W = 0.25

def setup_inputs(seed: int = 0) -> dict:
    key = jax.random.key(seed)
    k1, k2 = jax.random.split(key)
    x = jax.random.normal(k1, (B, S, DIM), dtype=jnp.float32)
    codebooks = jax.random.normal(k2, (NQ, K, DIM), dtype=jnp.float32) * 0.02
    return {"x": x, "codebooks": codebooks}

def reference(x, codebooks):
    b, s, d = x.shape
    nq, kk, _ = codebooks.shape
    x_flat = x.reshape(b * s, d)
    n = x_flat.shape[0]
    residual = x_flat
    quantized_sum = jnp.zeros_like(x_flat)
    all_indices = []
    total_commit = jnp.float32(0.0)
    total_perp = jnp.float32(0.0)
    for level in range(nq):
        cb = codebooks[level]
        distances = (jnp.sum(residual ** 2, axis=-1, keepdims=True)
                     - 2.0 * (residual @ cb.T)
                     + jnp.sum(cb ** 2, axis=-1)[None, :])
        indices = jnp.argmin(distances, axis=-1)
        quantized = jnp.take(cb, indices, axis=0)
        commit = jnp.mean((residual - jax.lax.stop_gradient(quantized)) ** 2)
        total_commit = total_commit + commit
        counts = jnp.bincount(indices, length=kk).astype(jnp.float32)
        avg_probs = jax.lax.stop_gradient(counts / n)
        perp = jnp.exp(-jnp.sum(avg_probs * jnp.log(avg_probs + 1e-10)))
        total_perp = total_perp + perp
        quantized_sum = quantized_sum + quantized
        residual = residual - quantized
        all_indices.append(indices)
    indices_out = jnp.stack(all_indices, axis=-1).reshape(b, s, nq)
    q_out = quantized_sum.reshape(b, s, d)
    quantized_out = x + jax.lax.stop_gradient(q_out - x)
    return (quantized_out, indices_out, total_commit * COMMIT_W, total_perp / nq)

if __name__ == "__main__":
    import jax
    _d = setup_inputs()
    print(jax.jit(kernel)(*tuple(_d.values())))

</pallas_src>

<mosaic_0001>
module attributes {stable_mosaic.version = 14 : i64} {
  func.func @_level_body(%arg0: i32, %arg1: memref<512x256xf32, #tpu.memory_space<vmem>>, %arg2: memref<512xf32, #tpu.memory_space<vmem>>, %arg3: memref<1024x256xf32, #tpu.memory_space<vmem>>, %arg4: memref<1x1024xf32, #tpu.memory_space<vmem>>, %arg5: memref<512xi32, #tpu.memory_space<vmem>>, %arg6: memref<512xf32, #tpu.memory_space<vmem>>) attributes {dimension_semantics = [#tpu.dimension_semantics<arbitrary>], iteration_bounds = array<i64: 9>, scalar_prefetch = 0 : i64, scratch_operands = 0 : i64, tpu.core_type = #tpu.core_type<tc>, window_params = [{transform_indices = @transform_0, window_bounds = array<i64: 512, 256>}, {transform_indices = @transform_1, window_bounds = array<i64: 512>}, {pipeline_mode = #tpu.pipeline_mode<synchronous>, transform_indices = @transform_2, window_bounds = array<i64: 1024, 256>}, {pipeline_mode = #tpu.pipeline_mode<synchronous>, transform_indices = @transform_3, window_bounds = array<i64: 1, 1024>}, {transform_indices = @transform_4, window_bounds = array<i64: 512>}, {transform_indices = @transform_5, window_bounds = array<i64: 512>}]} {
    %get3A = arith.constant 0 : index
    %get3A_0 = arith.constant 0 : index
    %get3A_1 = vector.load %arg1[%get3A, %get3A_0] : memref<512x256xf32, #tpu.memory_space<vmem>>, vector<512x256xf32>
    %get3A_2 = arith.constant 0 : index
    %get3A_3 = arith.constant 0 : index
    %get3A_4 = vector.load %arg3[%get3A_2, %get3A_3] : memref<1024x256xf32, #tpu.memory_space<vmem>>, vector<1024x256xf32>
    %get3A_5 = arith.constant 0 : index
    %get3A_6 = vector.load %arg2[%get3A_5] : memref<512xf32, #tpu.memory_space<vmem>>, vector<512xf32>
    %reshape3A = vector.shape_cast %get3A_6 : vector<512xf32> to vector<512x1xf32>
    %get3A_7 = arith.constant 0 : index
    %get3A_8 = arith.constant 0 : index
    %get3A_9 = vector.load %arg4[%get3A_7, %get3A_8] : memref<1x1024xf32, #tpu.memory_space<vmem>>, vector<1x1024xf32>
    %dot_general3A = arith.constant dense<0.000000e+00> : vector<512x1024xf32>
    %dot_general3A_10 = tpu.matmul %get3A_1, %get3A_4, %dot_general3A {dimension_numbers = #tpu.dot_dimension_numbers<[1], [1], [0], [0], [0, 0, 1, 0], [], []>, transpose_lhs_hint = false} : vector<512x256xf32>, vector<1024x256xf32>, vector<512x1024xf32> -> vector<512x1024xf32>
    %mul3A = arith.constant 2.000000e+00 : f32
    %mul3A_11 = vector.broadcast %mul3A : f32 to vector<512x1024xf32>
    %mul3A_12 = arith.mulf %mul3A_11, %dot_general3A_10 : vector<512x1024xf32>
    %sub3A = vector.broadcast %reshape3A : vector<512x1xf32> to vector<512x1024xf32>
    %sub3A_13 = arith.subf %sub3A, %mul3A_12 : vector<512x1024xf32>
    %add3A = vector.broadcast %get3A_9 : vector<1x1024xf32> to vector<512x1024xf32>
    %add3A_14 = arith.addf %sub3A_13, %add3A : vector<512x1024xf32>
    %reduce_min3A = arith.constant dense<0x7F800000> : vector<512xf32>
    %reduce_min3A_15 = vector.multi_reduction <minimumf>, %add3A_14, %reduce_min3A [1] : vector<512x1024xf32> to vector<512xf32>
    %iota3A = tpu.iota {dimensions = array<i32: 1>} : vector<512x1024xi32>
    %broadcast_in_dim3A = vector.shape_cast %reduce_min3A_15 : vector<512xf32> to vector<512x1xf32>
    %eq3A = vector.broadcast %broadcast_in_dim3A : vector<512x1xf32> to vector<512x1024xf32>
    %eq3A_16 = arith.cmpf oeq, %add3A_14, %eq3A : vector<512x1024xf32>
    %jit3A = arith.constant 1024 : i32
    %broadcast_in_dim3A_17 = vector.broadcast %jit3A : i32 to vector<512x1024xi32>
    %select_n3A = arith.select %eq3A_16, %iota3A, %broadcast_in_dim3A_17 : vector<512x1024xi1>, vector<512x1024xi32>
    %reduce_min3A_18 = arith.constant dense<2147483647> : vector<512xi32>
    %reduce_min3A_19 = vector.multi_reduction <minsi>, %select_n3A, %reduce_min3A_18 [1] : vector<512x1024xi32> to vector<512xi32>
    %swap3A = arith.constant 0 : index
    %swap3A_20 = vector.load %arg5[%swap3A] : memref<512xi32, #tpu.memory_space<vmem>>, vector<512xi32>
    tpu.vector_store %arg5[%swap3A], %reduce_min3A_19 {strides = array<i32>} : memref<512xi32, #tpu.memory_space<vmem>>, vector<512xi32>,
    %swap3A_21 = arith.constant 0 : index
    %swap3A_22 = vector.load %arg6[%swap3A_21] : memref<512xf32, #tpu.memory_space<vmem>>, vector<512xf32>
    tpu.vector_store %arg6[%swap3A_21], %reduce_min3A_15 {strides = array<i32>} : memref<512xf32, #tpu.memory_space<vmem>>, vector<512xf32>,
    return
  }
  func.func @transform_0(%arg0: i32) -> (i32, i32) {
    %c0_i32 = arith.constant 0 : i32
    %c0_i32_0 = arith.constant 0 : i32
    return %arg0, %c0_i32 : i32, i32
  }
  func.func @transform_1(%arg0: i32) -> i32 {
    %c0_i32 = arith.constant 0 : i32
    return %arg0 : i32
  }
  func.func @transform_2(%arg0: i32) -> (i32, i32) {
    %c0_i32 = arith.constant 0 : i32
    %c0_i32_0 = arith.constant 0 : i32
    %c0_i32_1 = arith.constant 0 : i32
    return %c0_i32, %c0_i32_0 : i32, i32
  }
  func.func @transform_3(%arg0: i32) -> (i32, i32) {
    %c0_i32 = arith.constant 0 : i32
    %c0_i32_0 = arith.constant 0 : i32
    %c0_i32_1 = arith.constant 0 : i32
    return %c0_i32, %c0_i32_0 : i32, i32
  }
  func.func @transform_4(%arg0: i32) -> i32 {
    %c0_i32 = arith.constant 0 : i32
    return %arg0 : i32
  }
  func.func @transform_5(%arg0: i32) -> i32 {
    %c0_i32 = arith.constant 0 : i32
    return %arg0 : i32
  }
}

</mosaic_0001>

<sc_bundles>
// kernel: scatter_offload_async_start.1
scs
__scs_entry_jumppad:
0x0: {  	(pc) =	sbr.rel $0x88, $3  }
0x1: {  	(tag) =	ssettag $0x0;
	lr =	simm.s32 $0x1  }
0x2: {  	[smem:$0x3F9F] =	sst lr;
	_ =	strace $0xD0000000  }
0x3: {  	_ = 	snop  }
0x4: {  	_ = 	snop  }
0x5: {  	_ = 	snop  }
0x6: {  	_ = 	snop  }
0x7: {  	_ = 	snop  }
__scs_overlays_trampoline_lowered:
0x8: {  	[smem:$0x3FAE] =	sst s0  }
0x9: {  	[smem:$0x3FAF] =	sst s1  }
0xa: {  	[smem:$0x3FB0] =	sst s2  }
0xb: {  	[smem:$0x3FB1] =	sst s3  }
0xc: {  	[smem:$0x3FB2] =	sst s4  }
0xd: {  	[smem:$0x3FB3] =	sst s5  }
0xe: {  	[smem:$0x3FB4] =	sst s6  }
0xf: {  	[smem:$0x3FB5] =	sst s7  }
0x10: {  	[smem:$0x3FB6] =	sst s8  }
0x11: {  	[smem:$0x3FB7] =	sst s9;
	s0 =	simm.s32 @!p0 $0x0  }
0x12: {  	s1 =	sld [smem:$0x3F9D];
	s0 =	simm.s32 @p0 $0x1  }
0x13: {  	[smem:$0x3FB8] =	sst s0;
	s0 =	simm.s32 @!p1 $0x0  }
0x14: {  	s2 =	sld [smem:$0x3F9C];
	s0 =	simm.s32 @p1 $0x1  }
0x15: {  	[smem:$0x3FB9] =	sst s0;
	s0 =	simm.s32 @!p2 $0x0  }
0x16: {  	s3 =	sld [smem:$0x3FDB];
	s0 =	simm.s32 @p2 $0x1  }
0x17: {  	s4 =	simm.s32 $0x1BF5;
	[smem:$0x3FBB] =	sst s0  }
0x18: {  	s0 =	sld [smem:$0x3F9E];
	_ =	swait.ge [sflag:s4], $0x0  }
0x19: {  	s7 =	sld [smem:$0x3F9F]  }
0x1a: {  	s8 =	sadd.s32 $0xFFFFE003, lr  }
0x1b: {  	s9 =	sadd.s32 $0xFFFFFEF7, lr;
	s5 =	simm.s32 $0xFFFFFFFF;
	p2 =	slt.u32 s8, $0xFFFFF086  }
0x1c: {  	p1 =	slt.u32 s9, $0xF7A;
	s5 =	simm.s32 @!p2 $0x0  }
0x1d: {  	s5 =	simm.s32 @p1 $0x1;
	p0 =	seq.s32 s7, s2  }
0x1e: {  	s7 =	smul.u32 @!p0 $0xF7A, s2;
	p2 =	seq.s32 @!p0 s5, $0x0  }
0x1f: {  	s9 =	smul.u32 $0xF7A, s1;
	s8 =	simm.s32 @!p0 $0x1BF5;
	p2 =	por !p2, p0  }
0x20: {  	[sflag:s8] =	ssyncset.s32 @!p0 $0xFFFFF086;
	s6 =	sadd.s32 @!p0 s3, s7;
	s7 =	simm.s32 @!p0 $0x108  }
0x21: {  	s3 =	sadd.s32 s3, s9;
	s6 =	sadd.s32 @!p0 $0x88, s6;
	s7 =	simm.s32 @p2 $0x1082  }
0x22: {  	[simem:s7], [sflag:s8] =	dma.local @!p0 [hbm:s6], $0xF7A  }
0x23: {  	s9 =	sor.u32 $0xD0000000, s2;
	s6 =	simm.s32 $0x108;
	_ =	swait.ge @!p0 [sflag:s8], $0x0  }
0x24: {  	s3 =	sadd.s32 $0x88, s3;
	s6 =	simm.s32 @!p1 $0x1082;
	[sflag:s4] =	ssyncset.s32 $0xFFFFF086  }
0x25: {  	[simem:s6], [sflag:s4] =	dma.local [hbm:s3], $0xF7A  }
0x26: {  	[smem:$0x3F9F] =	sst s1;
	(tag) =	ssettag s2;
	_ =	strace s9  }
0x27: {  	s1 =	sld [smem:$0x3FAF]  }
0x28: {  	s2 =	sld [smem:$0x3FB0]  }
0x29: {  	s4 =	sld [smem:$0x3FB2]  }
0x2a: {  	p0 =	seq.s32 s5, $0x0;
	s5 =	sld [smem:$0x3FB3]  }
0x2b: {  	s6 =	sld [smem:$0x3FB4]  }
0x2c: {  	s7 =	sld [smem:$0x3FB5]  }
0x2d: {  	s3 =	simm.s32 $0x108;
	s8 =	sld [smem:$0x3FB6]  }
0x2e: {  	s3 =	simm.s32 @!p0 $0x1082;
	s9 =	sld [smem:$0x3FB7]  }
0x2f: {  	lr =	sadd.s32 s0, s3;
	s0 =	sld [smem:$0x3FAE]  }
0x30: {  	s3 =	sld [smem:$0x3FB1]  }
0x31: {  	[smem:$0x3FBA] =	sst s10  }
0x32: {  	s10 =	sld [smem:$0x3FB8];
	_ =	sdelay $0x3  }
0x33: {  	p0 =	seq.s32 s10, $0x1;
	s10 =	sld [smem:$0x3FBA];
	_ =	sdelay $0x3  }
0x34: {  	[smem:$0x3FBA] =	sst s10  }
0x35: {  	s10 =	sld [smem:$0x3FB9];
	_ =	sdelay $0x3  }
0x36: {  	p1 =	seq.s32 s10, $0x1;
	s10 =	sld [smem:$0x3FBA];
	_ =	sdelay $0x3  }
0x37: {  	[smem:$0x3FBA] =	sst s10  }
0x38: {  	s10 =	sld [smem:$0x3FBB]  }
0x39: {  	_ = 	snop;
	(pc) =	sbr.ind lr, $3  }
0x3a: {  	_ = 	snop  }
0x3b: {  	_ = 	snop  }
0x3c: {  	p2 =	seq.s32 s10, $0x1;
	s10 =	sld [smem:$0x3FBA]  }
0x3d: {  	_ =	shalt  }
0x3e: {  	_ =	shalt  }
0x3f: {  	_ =	shalt  }
0x40: {  	_ =	shalt  }
0x41: {  	_ =	shalt  }
0x42: {  	_ =	shalt  }
0x43: {  	_ =	shalt  }
0x44: {  	_ =	shalt  }
0x45: {  	_ =	shalt  }
0x46: {  	_ =	shalt  }
0x47: {  	_ =	shalt  }
0x48: {  	_ =	shalt  }
0x49: {  	_ =	shalt  }
0x4a: {  	_ =	shalt  }
0x4b: {  	_ =	shalt  }
0x4c: {  	_ =	shalt  }
0x4d: {  	_ =	shalt  }
0x4e: {  	_ =	shalt  }
0x4f: {  	_ =	shalt  }
0x50: {  	_ =	shalt  }
0x51: {  	_ =	shalt  }
0x52: {  	_ =	shalt  }
0x53: {  	_ =	shalt  }
0x54: {  	_ =	shalt  }
0x55: {  	_ =	shalt  }
0x56: {  	_ =	shalt  }
0x57: {  	_ =	shalt  }
0x58: {  	_ =	shalt  }
0x59: {  	_ =	shalt  }
0x5a: {  	_ =	shalt  }
0x5b: {  	_ =	shalt  }
0x5c: {  	_ =	shalt  }
0x5d: {  	_ =	shalt  }
0x5e: {  	_ =	shalt  }
0x5f: {  	_ =	shalt  }
0x60: {  	_ =	shalt  }
0x61: {  	_ =	shalt  }
0x62: {  	_ =	shalt  }
0x63: {  	_ =	shalt  }
0x64: {  	_ =	shalt  }
0x65: {  	_ =	shalt  }
0x66: {  	_ =	shalt  }
0x67: {  	_ =	shalt  }
0x68: {  	_ =	shalt  }
0x69: {  	_ =	shalt  }
0x6a: {  	_ =	shalt  }
0x6b: {  	_ =	shalt  }
0x6c: {  	_ =	shalt  }
0x6d: {  	_ =	shalt  }
0x6e: {  	_ =	shalt  }
0x6f: {  	_ =	shalt  }
0x70: {  	_ =	shalt  }
0x71: {  	_ =	shalt  }
0x72: {  	_ =	shalt  }
0x73: {  	_ =	shalt  }
0x74: {  	_ =	shalt  }
0x75: {  	_ =	shalt  }
0x76: {  	_ =	shalt  }
0x77: {  	_ =	shalt  }
0x78: {  	_ =	shalt  }
0x79: {  	_ =	shalt  }
0x7a: {  	_ =	shalt  }
0x7b: {  	_ =	shalt  }
0x7c: {  	_ =	shalt  }
0x7d: {  	_ =	shalt  }
0x7e: {  	_ =	shalt  }
0x7f: {  	_ =	shalt  }
0x80: {  	_ =	shalt  }
0x81: {  	_ =	shalt  }
0x82: {  	_ =	shalt  }
0x83: {  	_ =	shalt  }
0x84: {  	_ =	shalt  }
0x85: {  	_ =	shalt  }
0x86: {  	_ =	shalt  }
0x87: {  	_ =	shalt  }
.Lfunc_end0:
.L_simem_size_0:
called_computation.1_lowered:
.L_overlay_start_0:
0x88: {  	s0 =	sld [smem:$0x3FD9]  }
0x89: {  	s1 =	sld [smem:$0x3FFE];
	_ =	sdelay $0x3  }
0x8a: {  	s0 =	sadd.s32 s1, s0  }
0x8b: {  	[smem:$0x3FC6] =	sst s0  }
0x8c: {  	_ = 	snop  }
0x8d: {  	(tm) =	ssettm $0x1  }
0x8e: {  	s14 =	sld [smem:$0x3FFB];
	_ =	sdelay $0x3  }
0x8f: {  	_ =	strace s14  }
0x90: {  	s0 =	sld [smem:$0x3FFC];
	_ =	sdelay $0x3  }
0x91: {  	_ =	strace s0  }
0x92: {  	s0 =	sld [smem:$0x3FFD];
	_ =	sdelay $0x3  }
0x93: {  	_ =	strace s0  }
0x94: {  	_ =	strace $0x8FFFFFFF  }
0x95: {  	s15 =	sld [smem:$0x3FDB];
	_ =	sdelay $0x1  }
0x96: {  	s16 =	simm.s32 $_scs_section_size  }
0x97: {  	s2 =	simm.s32 $_size__tile_overlayer_lowered;
	s3 =	simm.s32 $_tile_overlayer_lowered  }
0x98: {  	s4 =	simm.s32 $0x1BFF;
	s17 =	sshll.u32 s3, $0x1;
	s1 =	sadd.s32 s16, s15  }
0x99: {  	s18 =	simm.s32 $0x0;
	s2 =	sshll.u32 s2, $0x1;
	s3 =	sadd.s32 s17, s1  }
0x9a: {  	[timem:s18], [sflag:s4] =	dma.local [hbm:s3], s2  }
0x9b: {  	_ =	swait.ge [sflag:s4], s2  }
0x9c: {  	s2 =	ssub.s32 $0x0, s2;
	[sflag:s4] =	ssyncset.done $0x0  }
0x9d: {  	[sflag:s4] =	ssyncadd.s32 s2;
	_ =	sdelay $0x1  }
0x9e: {  	s19 =	simm.s32 $0x1B8B  }
0x9f: {  	_ =	swait.ge [sflag:s19], $0x1  }
0xa0: {  	[sflag:s19] =	ssyncset.done $0x0  }
0xa1: {  	s21 =	simm.s32 $0x1B8E;
	s20 =	sld [smem:$0x3FFE];
	[sflag:s19] =	ssyncadd.s32 $0xFFFFFFFF  }
0xa2: {  	s22 =	simm.s32 $execute0_lowered;
	[smem:$0x3FD2] =	sst s21  }
0xa3: {  	s3 =	sshll.u32 s22, $0x1;
	_ =	strace $0x8000004C;
	[dreg:$0x1] =	wrdreg $0xFFFFFFFF  }
0xa4: {  	s23 =	simm.s32 $_size_execute0_lowered;
	s3 =	sadd.s32 s1, s3;
	[dreg:$0x0] =	wrdreg $0x0  }
0xa5: {  	s4 =	sshll.u32 s23, $0x1;
	[dreg:$0x2] =	wrdreg s3  }
0xa6: {  	[dreg:$0x3] =	wrdreg s4  }
0xa7: {  	[dreg:$0x4] =	wrdreg $0xC0  }
0xa8: {  	s24 =	simm.s32 $execute1_lowered;
	_ =	task [dreg:s18], $0x5FFFF  }
0xa9: {  	s3 =	sshll.u32 s24, $0x1;
	[dreg:$0x1] =	wrdreg $0xFFFFFFFF  }
0xaa: {  	s1 =	sadd.s32 s1, s3;
	[dreg:$0x0] =	wrdreg $0x60  }
0xab: {  	[dreg:$0x2] =	wrdreg s1  }
0xac: {  	[dreg:$0x3] =	wrdreg s20  }
0xad: {  	[dreg:$0x4] =	wrdreg $0xB  }
0xae: {  	_ =	task.clear_ibuf [dreg:s18], $0x5FFFF;
	_ =	strace $0x9000004C  }
0xaf: {  	s25 =	simm.s32 $0xB;
	_ =	strace $0x8000004E  }
0xb0: {  	_ =	swait.ge [sflag:s25], $0x1  }
0xb1: {  	[sflag:s25] =	ssyncadd.s32 $0xFFFFFFFF  }
0xb2: {  	_ =	strace $0x9000004E  }
0xb3: {  	_ =	strace $0x8000004F;
	[dreg:$0x1] =	wrdreg $0xFFFFFFFF  }
0xb4: {  	[dreg:$0x0] =	wrdreg $0x2030  }
0xb5: {  	[dreg:$0x2] =	wrdreg s20  }
0xb6: {  	[dreg:$0x3] =	wrdreg $0xC  }
0xb7: {  	_ =	task.clear_ibuf [dreg:s18], $0x4FFFF;
	_ =	strace $0x9000004F  }
0xb8: {  	s26 =	simm.s32 $0xC;
	_ =	strace $0x80000051  }
0xb9: {  	_ =	swait.ge [sflag:s26], $0x1  }
0xba: {  	[sflag:s26] =	ssyncadd.s32 $0xFFFFFFFF  }
0xbb: {  	_ =	strace $0x90000051  }
0xbc: {  	_ =	sfence  }
0xbd: {  	s28 =	sld [smem:$0x0];
	_ =	sdelay $0x1  }
0xbe: {  	s29 =	srdreg.scid  }
0xbf: {  	s30 =	sshll.u32 s29, $0xD;
	s31 =	sshrl.u32 s29, $0x2  }
0xc0: {  	s2 =	sand.u32 $0x1, s29;
	s3 =	sand.u32 $0x4000, s30;
	s1 =	sadd.s32 s31, s28  }
0xc1: {  	s2 =	sor.u32 s3, s2;
	s1 =	sshll.u32 s1, $0x11  }
0xc2: {  	s1 =	sor.u32 s1, s2  }
0xc3: {  	s1 =	sadd.s32 $0x8F2B, s1  }
0xc4: {  	[sflag:s1] =	ssyncadd.remote.s32 $0x1  }
0xc5: {  	_ =	sfence.sel $0xFFFF  }
0xc6: {  	[dreg:$0x0] =	wrdreg $0xFFFFFFFF;
	(pc) =	sbr.abs _section_cstart, $3  }
0xc7: {  	[dreg:$0x1] =	wrdreg $0xFFFFFFFF  }
0xc8: {  	_ =	task.clear_ibuf [dreg:s18], $0x2FFFF;
	_ =	strace $0x9FFFFFFF  }
0xc9: {  	(tm) =	ssettm $0x7FFFFFFF  }
tec
execute0_lowered:
.L_overlay_start_1:
0x0: {  	(tag) =	ssettag $0x1  }
0x1: {  	s2 =	rddreg [dreg:$0x0]  }
0x2: {  	s8 =	rddreg [dreg:$0x1]  }
0x3: {  	s0 =	rddreg [dreg:$0x2];
	s3 =	stileid.u32  }
0x4: {  	[bflag:$0x3] =	sbarrier.arrive $0xFFFF;
	s1 =	simm.s32 $_size_execute1_lowered;
	p0 =	sne.s32 s3, $0x0  }
0x5: {  	s1 =	sshll.u32 s1, $0x1;
	s4 =	simm.s32 @!p0 $0x1C3F;
	s5 =	simm.s32 @!p0 $0x4060  }
0x6: {  	[timem:s5], [sflag:s4] =	dma.local @!p0 [hbm:s2], s1  }
0x7: {  	s4 =	sshll.u32 s3, $0x6  }
0x8: {  	s29 =	ssub.s32 $0x400, s4  }
0x9: {  	s6 =	simm.s32 $0x1;
	s30 =	sshll.u32 s3, $0x3;
	s31 =	sand.u32 $0x3C0, s29  }
0xa: {  	s7 =	sadd.s32 s30, s8;
	s2 =	simm.s32 $0x1;
	p1 =	sne.s32 s31, $0x0  }
0xb: {  	s3 =	simm.s32 $0x2;
	s5 =	sshrl.u32 s29, $0xA;
	s6 =	simm.s32 @!p1 $0x0  }
0xc: {  	s7 =	sadd.s32 $0x6E800, s7;
	_ =	strace $0x8000004D;
	s5 =	sadd.s32 s6, s5  }
0xd: {  	[sflag:s2] =	ssyncpa.u1 $0x0;
	s6 =	simm.s32 $0x0;
	p2 =	sle.u32 s5, $0x0  }
0xe: {  	[sflag:s3] =	ssyncpa.u1 $0x0;
	p1 =	sle.u32 s5, $0xFFFFFFFF;
	s9 =	sxor.u32 @!p2 $0xFFFFFFFF, s6  }
0xf: {  	s10 =	simm.s32 @!p1 $0x1;
	s11 =	simm.s32 @!p2 $0x0;
	s9 =	sand.u32 @!p2 $0x40, s9  }
0x10: {  	[tilespmem:s9], [sflag:$0x1] =	stream.linear.gather @!p2 [hbm4b:s7+s11], $0x40, $0x38;
	[tilespmem:$0x100] =	vst v63  }
0x11: {  	_ =	swait.ge @!p1 [sflag:s10], $0x40  }
0x12: {  	[sflag:s10] =	ssyncset.done @!p1 $0x0  }
0x13: {  	s12 =	sand.u32 @!p1 $0x40, s6;
	s9 =	sadd.s32 $0x1, s5;
	[sflag:s10] =	ssyncadd.s32 @!p1 $0xFFFFFFC0  }
0x14: {  	p3 =	sne.s32 s9, $0x0;
	v3 =	vld @!p1 [tilespmem:s12+$0x30]  }
.Ltmp0:
0x15: {  	_ = 	snop;
	(pc) =	sbr.rel @!p3 .LBB2_2-.Ltmp0, $4  }
0x16: {  	v2 =	vld @!p1 [tilespmem:s12+$0x20]  }
0x17: {  	p6 =	por $0x1, $0x1;
	v1 =	vld @!p1 [tilespmem:s12+$0x0]  }
0x18: {  	s8 =	sadd.s32 $0x6EC00, s8;
	s14 =	sor.u32 @!p1 $0x80, s12;
	p2 =	por p6, p6;
	v0 =	vld @!p1 [tilespmem:s12+$0x10]  }
0x19: {  	s11 =	sadd.s32 @!p1 $0x0, s8;
	s13 =	simm.s32 @!p2 $0x2;
	s10 =	simm.s32 $0x1;
	[tilespmem:s12+$0xB0] =	vst @!p1 v3  }
.LBB2_1:
0x1a: {  	p4 =	slt.u32 s10, $0x2  }
0x1b: {  	p3 =	sne.s32 s10, s9;
	[tilespmem:s12+$0xA0] =	vst @!p1 v2;
	s6 =	sadd.s32 $0x40, s6;
	s15 =	smov.u32 s10  }
0x1c: {  	s10 =	sadd.s32 $0x1, s10;
	s16 =	simm.s32 @!p1 $0x0;
	p5 =	sge.u32 s15, s5;
	[tilespmem:s12+$0x80] =	vst @!p1 v1  }
0x1d: {  	s15 =	sadd.s32 $0xFFFFFFFF, s15;
	s17 =	sxor.u32 @!p5 $0xFFFFFFFF, s6;
	[tilespmem:s12+$0x90] =	vst @!p1 v0  }
0x1e: {  	[hbm4b:s11+s16] =	stream.linear.scatter @!p1 [tilespmem:s14], [sflag:$0x2], $0x40, $0x38;
	[tilespmem:$0x100] =	vst v63  }
0x1f: {  	s12 =	sand.u32 @!p5 $0x40, s17;
	p1 =	sge.u32 s15, s5;
	_ =	swait.ge @!p2 [sflag:s13], $0x40  }
0x20: {  	s14 =	simm.s32 @!p1 $0x1;
	s11 =	sshrl.u32 @!p1 s4, $0x3;
	[sflag:s13] =	ssyncset.done @!p2 $0x0  }
0x21: {  	s15 =	simm.s32 @!p5 $0x0;
	s11 =	sadd.s32 @!p1 s8, s11;
	[sflag:s13] =	ssyncadd.s32 @!p2 $0xFFFFFFC0  }
0x22: {  	[tilespmem:s12], [sflag:$0x1] =	stream.linear.gather @!p5 [hbm4b:s7+s15], $0x40, $0x38;
	[tilespmem:$0x100] =	vst v63  }
0x23: {  	p2 =	por p4, p4;
	_ =	swait.ge @!p1 [sflag:s14], $0x40  }
0x24: {  	[sflag:s14] =	ssyncset.done @!p1 $0x0  }
0x25: {  	s12 =	sand.u32 @!p1 $0x40, s6;
	[sflag:s14] =	ssyncadd.s32 @!p1 $0xFFFFFFC0  }
0x26: {  	s14 =	sor.u32 @!p1 $0x80, s12;
	v3 =	vld @!p1 [tilespmem:s12+$0x30]  }
.Ltmp1:
0x27: {  	v2 =	vld @!p1 [tilespmem:s12+$0x20];
	(pc) =	sbr.rel @p3 .LBB2_1-.Ltmp1, $3  }
0x28: {  	v1 =	vld @!p1 [tilespmem:s12+$0x0]  }
0x29: {  	v0 =	vld @!p1 [tilespmem:s12+$0x10];
	_ =	sdelay $0x1  }
0x2a: {  	s13 =	simm.s32 @!p2 $0x2;
	[tilespmem:s12+$0xB0] =	vst @!p1 v3  }
.LBB2_2:
0x2b: {  	_ = 	snop  }
0x2c: {  	[tilespmem:s12+$0xA0] =	vst @!p1 v2  }
0x2d: {  	[tilespmem:s12+$0x80] =	vst @!p1 v1  }
0x2e: {  	s4 =	simm.s32 @!p1 $0x0;
	[tilespmem:s12+$0x90] =	vst @!p1 v0  }
0x2f: {  	[hbm4b:s11+s4] =	stream.linear.scatter @!p1 [tilespmem:s14], [sflag:$0x2], $0x40, $0x38;
	[tilespmem:$0x100] =	vst v63  }
0x30: {  	_ =	swait.ge @!p2 [sflag:s13], $0x40  }
0x31: {  	[sflag:s13] =	ssyncset.done @!p2 $0x0  }
0x32: {  	[sflag:s13] =	ssyncadd.s32 @!p2 $0xFFFFFFC0  }
0x33: {  	_ =	sfence.sel $0x180000  }
0x34: {  	[bflag:$0x0] =	sbarrier.arrive $0xFFFF  }
0x35: {  	[sflag:s2] =	ssyncpa.u1 $0x1  }
0x36: {  	[sflag:s3] =	ssyncpa.u1 $0x1  }
0x37: {  	_ =	strace $0x9000004D  }
0x38: {  	s0 =	sadd.s32 @!p0 $0x100000, s0;
	[bflag:$0x2] =	sbarrier.arrive $0xFFFF  }
0x39: {  	[sflag:s0] =	ssyncadd.tile.s32 @!p0 $0x1;
	s0 =	simm.s32 @!p0 $0x3F  }
0x3a: {  	_ =	swait.ge @!p0 [sflag:s0], s1  }
0x3b: {  	s1 =	ssub.s32 @!p0 $0x0, s1;
	[sflag:s0] =	ssyncset.done @!p0 $0x0  }
0x3c: {  	[sflag:s0] =	ssyncadd.s32 @!p0 s1  }
0x3d: {  	[bflag:$0x3] =	sbarrier.arrive $0xFFFF  }
0x3e: {  	_ =	shalt  }
.Lfunc_end2:
execute1_lowered:
.L_overlay_start_2:
0x3f: {  	(tag) =	ssettag $0x2  }
0x40: {  	s5 =	rddreg [dreg:$0x0]  }
0x41: {  	s0 =	rddreg [dreg:$0x1];
	_ =	strace $0x80000050;
	s6 =	stileid.u32  }
0x42: {  	s3 =	simm.s32 $0x3E;
	s1 =	sadd.s32 $0x6EC00, s5;
	p0 =	sne.s32 s6, $0x0  }
0x43: {  	[sflag:s3] =	ssyncpa.u1 $0x0;
	s4 =	simm.s32 @!p0 $0x1C3E;
	s2 =	simm.s32 @!p0 $0x0  }
0x44: {  	[spmem:s2], [sflag:s4] =	dma.local @!p0 [hbm:s1], $0x80  }
0x45: {  	s4 =	simm.s32 @!p0 $0x3E  }
0x46: {  	_ =	swait.ge @!p0 [sflag:s4], $0x80  }
0x47: {  	[sflag:s4] =	ssyncset.done @!p0 $0x0  }
0x48: {  	s9 =	simm.s32 $0x160;
	[sflag:s4] =	ssyncadd.s32 @!p0 $0xFFFFFF80  }
0x49: {  	s6 =	smul.u32 $0x24, s6;
	s7 =	sadd.s32 $0x400, s5;
	[bflag:$0x0] =	sbarrier.arrive $0xFFFF  }
0x4a: {  	s8 =	sadd.s32 $0x6E400, s5;
	[sflag:s3] =	ssyncpa.u1 $0x1;
	s3 =	simm.s32 $0x1  }
0x4b: {  	s5 =	simm.s32 $0x0;
	s4 =	simm.s32 $0x2;
	[sflag:s3] =	ssyncpa.u1 $0x0  }
0x4c: {  	s7 =	sadd.s32 s7, s6;
	(ifvalue) =	ssetifvalue $0x400;
	[sflag:s4] =	ssyncpa.u1 $0x0  }
0x4d: {  	[tilespmem:s9], [sflag:$0x2] =	stream.linear.gather [hbm4b:s7+s5], $0x120, $0x38;
	[tilespmem:$0x4C0] =	vst v63  }
0x4e: {  	s19 =	simm.s32 $0x3A0;
	s6 =	sadd.s32 s8, s6  }
0x4f: {  	[tilespmem:s19], [sflag:$0x2] =	stream.linear.gather [hbm4b:s6+s5], $0x120, $0x38;
	[tilespmem:$0x4C0] =	vst v63  }
0x50: {  	_ =	swait.ge [sflag:s4], $0x240  }
0x51: {  	[sflag:s4] =	ssyncset.done $0x0  }
0x52: {  	[sflag:s4] =	ssyncadd.s32 $0xFFFFFDC0  }
0x53: {  	v0 =	vld.msk [tilespmem:s9+$0x0 ss:$0x1], $0xffff;
	_ =	sdelay $0x4  }
0x54: {  	v0 =	vmin.u32 v0, $0x400;
	_ =	sdelay $0x3  }
0x55: {  	vm0 =	vmmov $0xffff;
	s20 =	simm.s32 $0x170  }
0x56: {  	[spmem:s5] =	stream.indirect_vreg.scatter.add.s32 [tilespmem:s19], [sflag:$0x1], $0x1, v0, vm0, $0x4038;
	[tilespmem:$0x4C0] =	vst v63  }
0x57: {  	v0 =	vld.msk [tilespmem:s20+$0x0 ss:$0x1], $0xffff;
	_ =	sdelay $0x4  }
0x58: {  	v0 =	vmin.u32 v0, $0x400;
	_ =	sdelay $0x3  }
0x59: {  	s21 =	simm.s32 $0x3B0;
	s22 =	simm.s32 $0x180  }
0x5a: {  	[spmem:s5] =	stream.indirect_vreg.scatter.add.s32 [tilespmem:s21], [sflag:$0x1], $0x1, v0, vm0, $0x4038;
	[tilespmem:$0x4C0] =	vst v63  }
0x5b: {  	v0 =	vld.msk [tilespmem:s22+$0x0 ss:$0x1], $0xffff;
	_ =	sdelay $0x4  }
0x5c: {  	v0 =	vmin.u32 v0, $0x400;
	_ =	sdelay $0x3  }
0x5d: {  	s23 =	simm.s32 $0x3C0;
	s24 =	simm.s32 $0x190  }
0x5e: {  	[spmem:s5] =	stream.indirect_vreg.scatter.add.s32 [tilespmem:s23], [sflag:$0x1], $0x1, v0, vm0, $0x4038;
	[tilespmem:$0x4C0] =	vst v63  }
0x5f: {  	v0 =	vld.msk [tilespmem:s24+$0x0 ss:$0x1], $0xffff;
	_ =	sdelay $0x4  }
0x60: {  	v0 =	vmin.u32 v0, $0x400;
	_ =	sdelay $0x3  }
0x61: {  	s25 =	simm.s32 $0x3D0;
	s26 =	simm.s32 $0x1A0  }
0x62: {  	[spmem:s5] =	stream.indirect_vreg.scatter.add.s32 [tilespmem:s25], [sflag:$0x1], $0x1, v0, vm0, $0x4038;
	[tilespmem:$0x4C0] =	vst v63  }
0x63: {  	v0 =	vld.msk [tilespmem:s26+$0x0 ss:$0x1], $0xffff;
	_ =	sdelay $0x4  }
0x64: {  	v0 =	vmin.u32 v0, $0x400;
	_ =	sdelay $0x3  }
0x65: {  	s28 =	simm.s32 $0x3E0;
	s29 =	simm.s32 $0x1B0  }
0x66: {  	[spmem:s5] =	stream.indirect_vreg.scatter.add.s32 [tilespmem:s28], [sflag:$0x1], $0x1, v0, vm0, $0x4038;
	[tilespmem:$0x4C0] =	vst v63  }
0x67: {  	v0 =	vld.msk [tilespmem:s29+$0x0 ss:$0x1], $0xffff;
	_ =	sdelay $0x4  }
0x68: {  	v0 =	vmin.u32 v0, $0x400;
	_ =	sdelay $0x3  }
0x69: {  	s30 =	simm.s32 $0x3F0;
	s31 =	simm.s32 $0x1C0  }
0x6a: {  	[spmem:s5] =	stream.indirect_vreg.scatter.add.s32 [tilespmem:s30], [sflag:$0x1], $0x1, v0, vm0, $0x4038;
	[tilespmem:$0x4C0] =	vst v63  }
0x6b: {  	v0 =	vld.msk [tilespmem:s31+$0x0 ss:$0x1], $0xffff;
	_ =	sdelay $0x4  }
0x6c: {  	v0 =	vmin.u32 v0, $0x400;
	_ =	sdelay $0x3  }
0x6d: {  	s8 =	simm.s32 $0x1D0;
	s7 =	simm.s32 $0x400  }
0x6e: {  	[spmem:s5] =	stream.indirect_vreg.scatter.add.s32 [tilespmem:s7], [sflag:$0x1], $0x1, v0, vm0, $0x4038;
	[tilespmem:$0x4C0] =	vst v63  }
0x6f: {  	v0 =	vld.msk [tilespmem:s8+$0x0 ss:$0x1], $0xffff;
	_ =	sdelay $0x4  }
0x70: {  	v0 =	vmin.u32 v0, $0x400;
	_ =	sdelay $0x3  }
0x71: {  	s10 =	simm.s32 $0x1E0;
	s9 =	simm.s32 $0x410  }
0x72: {  	[spmem:s5] =	stream.indirect_vreg.scatter.add.s32 [tilespmem:s9], [sflag:$0x1], $0x1, v0, vm0, $0x4038;
	[tilespmem:$0x4C0] =	vst v63  }
0x73: {  	v0 =	vld.msk [tilespmem:s10+$0x0 ss:$0x1], $0xffff;
	_ =	sdelay $0x4  }
0x74: {  	v0 =	vmin.u32 v0, $0x400;
	_ =	sdelay $0x3  }
0x75: {  	s11 =	simm.s32 $0x420;
	s12 =	simm.s32 $0x1F0  }
0x76: {  	[spmem:s5] =	stream.indirect_vreg.scatter.add.s32 [tilespmem:s11], [sflag:$0x1], $0x1, v0, vm0, $0x4038;
	[tilespmem:$0x4C0] =	vst v63  }
0x77: {  	v0 =	vld.msk [tilespmem:s12+$0x0 ss:$0x1], $0xffff;
	_ =	sdelay $0x4  }
0x78: {  	v0 =	vmin.u32 v0, $0x400;
	_ =	sdelay $0x3  }
0x79: {  	s13 =	simm.s32 $0x430;
	s14 =	simm.s32 $0x200  }
0x7a: {  	[spmem:s5] =	stream.indirect_vreg.scatter.add.s32 [tilespmem:s13], [sflag:$0x1], $0x1, v0, vm0, $0x4038;
	[tilespmem:$0x4C0] =	vst v63  }
0x7b: {  	v0 =	vld.msk [tilespmem:s14+$0x0 ss:$0x1], $0xffff;
	_ =	sdelay $0x4  }
0x7c: {  	v0 =	vmin.u32 v0, $0x400;
	_ =	sdelay $0x3  }
0x7d: {  	s15 =	simm.s32 $0x440;
	s16 =	simm.s32 $0x210  }
0x7e: {  	[spmem:s5] =	stream.indirect_vreg.scatter.add.s32 [tilespmem:s15], [sflag:$0x1], $0x1, v0, vm0, $0x4038;
	[tilespmem:$0x4C0] =	vst v63  }
0x7f: {  	v0 =	vld.msk [tilespmem:s16+$0x0 ss:$0x1], $0xffff;
	_ =	sdelay $0x4  }
0x80: {  	v0 =	vmin.u32 v0, $0x400;
	_ =	sdelay $0x3  }
0x81: {  	s17 =	simm.s32 $0x450;
	s18 =	simm.s32 $0x220  }
0x82: {  	[spmem:s5] =	stream.indirect_vreg.scatter.add.s32 [tilespmem:s17], [sflag:$0x1], $0x1, v0, vm0, $0x4038;
	[tilespmem:$0x4C0] =	vst v63  }
0x83: {  	v0 =	vld.msk [tilespmem:s18+$0x0 ss:$0x1], $0xffff;
	_ =	sdelay $0x4  }
0x84: {  	v0 =	vmin.u32 v0, $0x400;
	_ =	sdelay $0x3  }
0x85: {  	s19 =	simm.s32 $0x460;
	s20 =	simm.s32 $0x230  }
0x86: {  	[spmem:s5] =	stream.indirect_vreg.scatter.add.s32 [tilespmem:s19], [sflag:$0x1], $0x1, v0, vm0, $0x4038;
	[tilespmem:$0x4C0] =	vst v63  }
0x87: {  	v0 =	vld.msk [tilespmem:s20+$0x0 ss:$0x1], $0xffff;
	_ =	sdelay $0x4  }
0x88: {  	v0 =	vmin.u32 v0, $0x400;
	_ =	sdelay $0x3  }
0x89: {  	s21 =	simm.s32 $0x470;
	s22 =	simm.s32 $0x240  }
0x8a: {  	[spmem:s5] =	stream.indirect_vreg.scatter.add.s32 [tilespmem:s21], [sflag:$0x1], $0x1, v0, vm0, $0x4038;
	[tilespmem:$0x4C0] =	vst v63  }
0x8b: {  	v0 =	vld.msk [tilespmem:s22+$0x0 ss:$0x1], $0xffff;
	_ =	sdelay $0x4  }
0x8c: {  	v0 =	vmin.u32 v0, $0x400;
	_ =	sdelay $0x3  }
0x8d: {  	s23 =	simm.s32 $0x480;
	s24 =	simm.s32 $0x250  }
0x8e: {  	[spmem:s5] =	stream.indirect_vreg.scatter.add.s32 [tilespmem:s23], [sflag:$0x1], $0x1, v0, vm0, $0x4038;
	[tilespmem:$0x4C0] =	vst v63  }
0x8f: {  	v0 =	vld.msk [tilespmem:s24+$0x0 ss:$0x1], $0xffff;
	_ =	sdelay $0x4  }
0x90: {  	v0 =	vmin.u32 v0, $0x400;
	_ =	sdelay $0x3  }
0x91: {  	s25 =	simm.s32 $0x490;
	s26 =	simm.s32 $0x260  }
0x92: {  	[spmem:s5] =	stream.indirect_vreg.scatter.add.s32 [tilespmem:s25], [sflag:$0x1], $0x1, v0, vm0, $0x4038;
	[tilespmem:$0x4C0] =	vst v63  }
0x93: {  	v0 =	vld.msk [tilespmem:s26+$0x0 ss:$0x1], $0xffff;
	_ =	sdelay $0x4  }
0x94: {  	v0 =	vmin.u32 v0, $0x400;
	_ =	sdelay $0x3  }
0x95: {  	s28 =	simm.s32 $0x4A0;
	s29 =	simm.s32 $0x270  }
0x96: {  	[spmem:s5] =	stream.indirect_vreg.scatter.add.s32 [tilespmem:s28], [sflag:$0x1], $0x1, v0, vm0, $0x4038;
	[tilespmem:$0x4C0] =	vst v63  }
0x97: {  	v0 =	vld.msk [tilespmem:s29+$0x0 ss:$0x1], $0xffff;
	_ =	sdelay $0x4  }
0x98: {  	v0 =	vmin.u32 v0, $0x400;
	_ =	sdelay $0x3  }
0x99: {  	s30 =	simm.s32 $0x4B0  }
0x9a: {  	[spmem:s5] =	stream.indirect_vreg.scatter.add.s32 [tilespmem:s30], [sflag:$0x1], $0x1, v0, vm0, $0x4038;
	[tilespmem:$0x4C0] =	vst v63  }
0x9b: {  	_ =	swait.ge [sflag:s3], $0x120  }
0x9c: {  	[sflag:s3] =	ssyncset.done $0x0  }
0x9d: {  	[sflag:s3] =	ssyncadd.s32 $0xFFFFFEE0  }
0x9e: {  	_ =	sfence.sel $0x180000  }
0x9f: {  	[bflag:$0x0] =	sbarrier.arrive $0xFFFF  }
0xa0: {  	[sflag:s4] =	ssyncpa.u1 $0x1  }
0xa1: {  	[sflag:s3] =	ssyncpa.u1 $0x1  }
0xa2: {  	_ =	sfence.stream.spmem  }
0xa3: {  	s31 =	simm.s32 $0x3D;
	[bflag:$0x0] =	sbarrier.arrive $0xFFFF  }
0xa4: {  	s3 =	simm.s32 @p0 $0x3D;
	[sflag:s31] =	ssyncpa.u1 $0x0  }
0xa5: {  	[sflag:s3] =	ssyncpa.u1 @p0 $0x1  }
0xa6: {  	[bflag:$0x0] =	sbarrier.arrive @p0 $0xFFFF  }
0xa7: {  	_ =	strace @p0 $0x90000050  }
0xa8: {  	s3 =	simm.s32 @!p0 $0x1C3D;
	[bflag:$0x2] =	sbarrier.arrive @p0 $0xFFFF  }
0xa9: {  	[hbm:s1], [sflag:s3] =	dma.local @!p0 [spmem:s2], $0x80  }
0xaa: {  	s1 =	simm.s32 @!p0 $0x3D  }
0xab: {  	_ =	swait.ge @!p0 [sflag:s1], $0x80  }
0xac: {  	[sflag:s1] =	ssyncset.done @!p0 $0x0  }
0xad: {  	[sflag:s1] =	ssyncadd.s32 @!p0 $0xFFFFFF80  }
0xae: {  	[sflag:s1] =	ssyncpa.u1 @!p0 $0x1  }
0xaf: {  	[bflag:$0x0] =	sbarrier.arrive @!p0 $0xFFFF  }
0xb0: {  	_ =	strace @!p0 $0x90000050  }
0xb1: {  	s0 =	sadd.s32 @!p0 $0x100000, s0;
	[bflag:$0x2] =	sbarrier.arrive @!p0 $0xFFFF  }
0xb2: {  	[sflag:s0] =	ssyncadd.tile.s32 @!p0 $0x1;
	_ =	shalt  }
.Lfunc_end3:
_tile_overlayer_lowered:
.L_overlay_start_3:
0xb3: {  	(tag) =	ssettag $0x3  }
0xb4: {  	s0 =	rddreg [dreg:$0x0];
	s2 =	stileid.u32  }
0xb5: {  	s1 =	rddreg [dreg:$0x1];
	p0 =	sne.s32 s2, $0x0  }
0xb6: {  	s3 =	rddreg [dreg:$0x2];
	[bflag:$0x3] =	sbarrier.arrive $0xFFFF;
	s2 =	simm.s32 @!p0 $0x1C01  }
0xb7: {  	[timem:s3], [sflag:s2] =	dma.local @!p0 [hbm:s0], s1  }
0xb8: {  	s0 =	simm.s32 @!p0 $0x1  }
0xb9: {  	_ =	swait.ge @!p0 [sflag:s0], s1  }
0xba: {  	s1 =	ssub.s32 @!p0 $0x0, s1;
	[sflag:s0] =	ssyncset.done @!p0 $0x0  }
0xbb: {  	[sflag:s0] =	ssyncadd.s32 @!p0 s1  }
0xbc: {  	[bflag:$0x3] =	sbarrier.arrive $0xFFFF  }
0xbd: {  	_ =	shalt  }

// kernel: scatter_offload_async_start.2
scs
__scs_entry_jumppad:
0x0: {  	(pc) =	sbr.rel $0x88, $3  }
0x1: {  	(tag) =	ssettag $0x0;
	lr =	simm.s32 $0x1  }
0x2: {  	[smem:$0x3F9F] =	sst lr;
	_ =	strace $0xD0000000  }
0x3: {  	_ = 	snop  }
0x4: {  	_ = 	snop  }
0x5: {  	_ = 	snop  }
0x6: {  	_ = 	snop  }
0x7: {  	_ = 	snop  }
__scs_overlays_trampoline_lowered:
0x8: {  	[smem:$0x3FAE] =	sst s0  }
0x9: {  	[smem:$0x3FAF] =	sst s1  }
0xa: {  	[smem:$0x3FB0] =	sst s2  }
0xb: {  	[smem:$0x3FB1] =	sst s3  }
0xc: {  	[smem:$0x3FB2] =	sst s4  }
0xd: {  	[smem:$0x3FB3] =	sst s5  }
0xe: {  	[smem:$0x3FB4] =	sst s6  }
0xf: {  	[smem:$0x3FB5] =	sst s7  }
0x10: {  	[smem:$0x3FB6] =	sst s8  }
0x11: {  	[smem:$0x3FB7] =	sst s9;
	s0 =	simm.s32 @!p0 $0x0  }
0x12: {  	s1 =	sld [smem:$0x3F9D];
	s0 =	simm.s32 @p0 $0x1  }
0x13: {  	[smem:$0x3FB8] =	sst s0;
	s0 =	simm.s32 @!p1 $0x0  }
0x14: {  	s2 =	sld [smem:$0x3F9C];
	s0 =	simm.s32 @p1 $0x1  }
0x15: {  	[smem:$0x3FB9] =	sst s0;
	s0 =	simm.s32 @!p2 $0x0  }
0x16: {  	s3 =	sld [smem:$0x3FDB];
	s0 =	simm.s32 @p2 $0x1  }
0x17: {  	s4 =	simm.s32 $0x1BF5;
	[smem:$0x3FBB] =	sst s0  }
0x18: {  	s0 =	sld [smem:$0x3F9E];
	_ =	swait.ge [sflag:s4], $0x0  }
0x19: {  	s7 =	sld [smem:$0x3F9F]  }
0x1a: {  	s8 =	sadd.s32 $0xFFFFE003, lr  }
0x1b: {  	s9 =	sadd.s32 $0xFFFFFEF7, lr;
	s5 =	simm.s32 $0xFFFFFFFF;
	p2 =	slt.u32 s8, $0xFFFFF086  }
0x1c: {  	p1 =	slt.u32 s9, $0xF7A;
	s5 =	simm.s32 @!p2 $0x0  }
0x1d: {  	s5 =	simm.s32 @p1 $0x1;
	p0 =	seq.s32 s7, s2  }
0x1e: {  	s7 =	smul.u32 @!p0 $0xF7A, s2;
	p2 =	seq.s32 @!p0 s5, $0x0  }
0x1f: {  	s9 =	smul.u32 $0xF7A, s1;
	s8 =	simm.s32 @!p0 $0x1BF5;
	p2 =	por !p2, p0  }
0x20: {  	[sflag:s8] =	ssyncset.s32 @!p0 $0xFFFFF086;
	s6 =	sadd.s32 @!p0 s3, s7;
	s7 =	simm.s32 @!p0 $0x108  }
0x21: {  	s3 =	sadd.s32 s3, s9;
	s6 =	sadd.s32 @!p0 $0x88, s6;
	s7 =	simm.s32 @p2 $0x1082  }
0x22: {  	[simem:s7], [sflag:s8] =	dma.local @!p0 [hbm:s6], $0xF7A  }
0x23: {  	s9 =	sor.u32 $0xD0000000, s2;
	s6 =	simm.s32 $0x108;
	_ =	swait.ge @!p0 [sflag:s8], $0x0  }
0x24: {  	s3 =	sadd.s32 $0x88, s3;
	s6 =	simm.s32 @!p1 $0x1082;
	[sflag:s4] =	ssyncset.s32 $0xFFFFF086  }
0x25: {  	[simem:s6], [sflag:s4] =	dma.local [hbm:s3], $0xF7A  }
0x26: {  	[smem:$0x3F9F] =	sst s1;
	(tag) =	ssettag s2;
	_ =	strace s9  }
0x27: {  	s1 =	sld [smem:$0x3FAF]  }
0x28: {  	s2 =	sld [smem:$0x3FB0]  }
0x29: {  	s4 =	sld [smem:$0x3FB2]  }
0x2a: {  	p0 =	seq.s32 s5, $0x0;
	s5 =	sld [smem:$0x3FB3]  }
0x2b: {  	s6 =	sld [smem:$0x3FB4]  }
0x2c: {  	s7 =	sld [smem:$0x3FB5]  }
0x2d: {  	s3 =	simm.s32 $0x108;
	s8 =	sld [smem:$0x3FB6]  }
0x2e: {  	s3 =	simm.s32 @!p0 $0x1082;
	s9 =	sld [smem:$0x3FB7]  }
0x2f: {  	lr =	sadd.s32 s0, s3;
	s0 =	sld [smem:$0x3FAE]  }
0x30: {  	s3 =	sld [smem:$0x3FB1]  }
0x31: {  	[smem:$0x3FBA] =	sst s10  }
0x32: {  	s10 =	sld [smem:$0x3FB8];
	_ =	sdelay $0x3  }
0x33: {  	p0 =	seq.s32 s10, $0x1;
	s10 =	sld [smem:$0x3FBA];
	_ =	sdelay $0x3  }
0x34: {  	[smem:$0x3FBA] =	sst s10  }
0x35: {  	s10 =	sld [smem:$0x3FB9];
	_ =	sdelay $0x3  }
0x36: {  	p1 =	seq.s32 s10, $0x1;
	s10 =	sld [smem:$0x3FBA];
	_ =	sdelay $0x3  }
0x37: {  	[smem:$0x3FBA] =	sst s10  }
0x38: {  	s10 =	sld [smem:$0x3FBB]  }
0x39: {  	_ = 	snop;
	(pc) =	sbr.ind lr, $3  }
0x3a: {  	_ = 	snop  }
0x3b: {  	_ = 	snop  }
0x3c: {  	p2 =	seq.s32 s10, $0x1;
	s10 =	sld [smem:$0x3FBA]  }
0x3d: {  	_ =	shalt  }
0x3e: {  	_ =	shalt  }
0x3f: {  	_ =	shalt  }
0x40: {  	_ =	shalt  }
0x41: {  	_ =	shalt  }
0x42: {  	_ =	shalt  }
0x43: {  	_ =	shalt  }
0x44: {  	_ =	shalt  }
0x45: {  	_ =	shalt  }
0x46: {  	_ =	shalt  }
0x47: {  	_ =	shalt  }
0x48: {  	_ =	shalt  }
0x49: {  	_ =	shalt  }
0x4a: {  	_ =	shalt  }
0x4b: {  	_ =	shalt  }
0x4c: {  	_ =	shalt  }
0x4d: {  	_ =	shalt  }
0x4e: {  	_ =	shalt  }
0x4f: {  	_ =	shalt  }
0x50: {  	_ =	shalt  }
0x51: {  	_ =	shalt  }
0x52: {  	_ =	shalt  }
0x53: {  	_ =	shalt  }
0x54: {  	_ =	shalt  }
0x55: {  	_ =	shalt  }
0x56: {  	_ =	shalt  }
0x57: {  	_ =	shalt  }
0x58: {  	_ =	shalt  }
0x59: {  	_ =	shalt  }
0x5a: {  	_ =	shalt  }
0x5b: {  	_ =	shalt  }
0x5c: {  	_ =	shalt  }
0x5d: {  	_ =	shalt  }
0x5e: {  	_ =	shalt  }
0x5f: {  	_ =	shalt  }
0x60: {  	_ =	shalt  }
0x61: {  	_ =	shalt  }
0x62: {  	_ =	shalt  }
0x63: {  	_ =	shalt  }
0x64: {  	_ =	shalt  }
0x65: {  	_ =	shalt  }
0x66: {  	_ =	shalt  }
0x67: {  	_ =	shalt  }
0x68: {  	_ =	shalt  }
0x69: {  	_ =	shalt  }
0x6a: {  	_ =	shalt  }
0x6b: {  	_ =	shalt  }
0x6c: {  	_ =	shalt  }
0x6d: {  	_ =	shalt  }
0x6e: {  	_ =	shalt  }
0x6f: {  	_ =	shalt  }
0x70: {  	_ =	shalt  }
0x71: {  	_ =	shalt  }
0x72: {  	_ =	shalt  }
0x73: {  	_ =	shalt  }
0x74: {  	_ =	shalt  }
0x75: {  	_ =	shalt  }
0x76: {  	_ =	shalt  }
0x77: {  	_ =	shalt  }
0x78: {  	_ =	shalt  }
0x79: {  	_ =	shalt  }
0x7a: {  	_ =	shalt  }
0x7b: {  	_ =	shalt  }
0x7c: {  	_ =	shalt  }
0x7d: {  	_ =	shalt  }
0x7e: {  	_ =	shalt  }
0x7f: {  	_ =	shalt  }
0x80: {  	_ =	shalt  }
0x81: {  	_ =	shalt  }
0x82: {  	_ =	shalt  }
0x83: {  	_ =	shalt  }
0x84: {  	_ =	shalt  }
0x85: {  	_ =	shalt  }
0x86: {  	_ =	shalt  }
0x87: {  	_ =	shalt  }
.Lfunc_end0:
.L_simem_size_0:
called_computation.2_lowered:
.L_overlay_start_0:
0x88: {  	s0 =	sld [smem:$0x3FD9]  }
0x89: {  	s1 =	sld [smem:$0x3FFE];
	_ =	sdelay $0x3  }
0x8a: {  	s0 =	sadd.s32 s1, s0  }
0x8b: {  	[smem:$0x3FC6] =	sst s0  }
0x8c: {  	_ = 	snop  }
0x8d: {  	(tm) =	ssettm $0x1  }
0x8e: {  	s14 =	sld [smem:$0x3FFB];
	_ =	sdelay $0x3  }
0x8f: {  	_ =	strace s14  }
0x90: {  	s0 =	sld [smem:$0x3FFC];
	_ =	sdelay $0x3  }
0x91: {  	_ =	strace s0  }
0x92: {  	s0 =	sld [smem:$0x3FFD];
	_ =	sdelay $0x3  }
0x93: {  	_ =	strace s0  }
0x94: {  	_ =	strace $0x8FFFFFFF  }
0x95: {  	s15 =	sld [smem:$0x3FDB];
	_ =	sdelay $0x1  }
0x96: {  	s16 =	simm.s32 $_scs_section_size  }
0x97: {  	s2 =	simm.s32 $_size__tile_overlayer_lowered;
	s3 =	simm.s32 $_tile_overlayer_lowered  }
0x98: {  	s4 =	simm.s32 $0x1BFF;
	s17 =	sshll.u32 s3, $0x1;
	s1 =	sadd.s32 s16, s15  }
0x99: {  	s18 =	simm.s32 $0x0;
	s2 =	sshll.u32 s2, $0x1;
	s3 =	sadd.s32 s17, s1  }
0x9a: {  	[timem:s18], [sflag:s4] =	dma.local [hbm:s3], s2  }
0x9b: {  	_ =	swait.ge [sflag:s4], s2  }
0x9c: {  	s2 =	ssub.s32 $0x0, s2;
	[sflag:s4] =	ssyncset.done $0x0  }
0x9d: {  	[sflag:s4] =	ssyncadd.s32 s2;
	_ =	sdelay $0x1  }
0x9e: {  	s19 =	simm.s32 $0x1B8B  }
0x9f: {  	_ =	swait.ge [sflag:s19], $0x1  }
0xa0: {  	[sflag:s19] =	ssyncset.done $0x0  }
0xa1: {  	s21 =	simm.s32 $0x1B8E;
	s20 =	sld [smem:$0x3FFE];
	[sflag:s19] =	ssyncadd.s32 $0xFFFFFFFF  }
0xa2: {  	s22 =	simm.s32 $execute0_lowered;
	[smem:$0x3FD2] =	sst s21  }
0xa3: {  	s3 =	sshll.u32 s22, $0x1;
	_ =	strace $0x80000046;
	[dreg:$0x1] =	wrdreg $0xFFFFFFFF  }
0xa4: {  	s23 =	simm.s32 $_size_execute0_lowered;
	s3 =	sadd.s32 s1, s3;
	[dreg:$0x0] =	wrdreg $0x0  }
0xa5: {  	s4 =	sshll.u32 s23, $0x1;
	[dreg:$0x2] =	wrdreg s3  }
0xa6: {  	[dreg:$0x3] =	wrdreg s4  }
0xa7: {  	[dreg:$0x4] =	wrdreg $0xC0  }
0xa8: {  	s24 =	simm.s32 $execute1_lowered;
	_ =	task [dreg:s18], $0x5FFFF  }
0xa9: {  	s3 =	sshll.u32 s24, $0x1;
	[dreg:$0x1] =	wrdreg $0xFFFFFFFF  }
0xaa: {  	s1 =	sadd.s32 s1, s3;
	[dreg:$0x0] =	wrdreg $0x60  }
0xab: {  	[dreg:$0x2] =	wrdreg s1  }
0xac: {  	[dreg:$0x3] =	wrdreg s20  }
0xad: {  	[dreg:$0x4] =	wrdreg $0x9  }
0xae: {  	_ =	task.clear_ibuf [dreg:s18], $0x5FFFF;
	_ =	strace $0x90000046  }
0xaf: {  	s25 =	simm.s32 $0x9;
	_ =	strace $0x80000048  }
0xb0: {  	_ =	swait.ge [sflag:s25], $0x1  }
0xb1: {  	[sflag:s25] =	ssyncadd.s32 $0xFFFFFFFF  }
0xb2: {  	_ =	strace $0x90000048  }
0xb3: {  	_ =	strace $0x80000049;
	[dreg:$0x1] =	wrdreg $0xFFFFFFFF  }
0xb4: {  	[dreg:$0x0] =	wrdreg $0x2030  }
0xb5: {  	[dreg:$0x2] =	wrdreg s20  }
0xb6: {  	[dreg:$0x3] =	wrdreg $0xA  }
0xb7: {  	_ =	task.clear_ibuf [dreg:s18], $0x4FFFF;
	_ =	strace $0x90000049  }
0xb8: {  	s26 =	simm.s32 $0xA;
	_ =	strace $0x8000004B  }
0xb9: {  	_ =	swait.ge [sflag:s26], $0x1  }
0xba: {  	[sflag:s26] =	ssyncadd.s32 $0xFFFFFFFF  }
0xbb: {  	_ =	strace $0x9000004B  }
0xbc: {  	_ =	sfence  }
0xbd: {  	s28 =	sld [smem:$0x0];
	_ =	sdelay $0x1  }
0xbe: {  	s29 =	srdreg.scid  }
0xbf: {  	s30 =	sshll.u32 s29, $0xD;
	s31 =	sshrl.u32 s29, $0x2  }
0xc0: {  	s2 =	sand.u32 $0x1, s29;
	s3 =	sand.u32 $0x4000, s30;
	s1 =	sadd.s32 s31, s28  }
0xc1: {  	s2 =	sor.u32 s3, s2;
	s1 =	sshll.u32 s1, $0x11  }
0xc2: {  	s1 =	sor.u32 s1, s2  }
0xc3: {  	s1 =	sadd.s32 $0x8F2B, s1  }
0xc4: {  	[sflag:s1] =	ssyncadd.remote.s32 $0x1  }
0xc5: {  	_ =	sfence.sel $0xFFFF  }
0xc6: {  	[dreg:$0x0] =	wrdreg $0xFFFFFFFF;
	(pc) =	sbr.abs _section_cstart, $3  }
0xc7: {  	[dreg:$0x1] =	wrdreg $0xFFFFFFFF  }
0xc8: {  	_ =	task.clear_ibuf [dreg:s18], $0x2FFFF;
	_ =	strace $0x9FFFFFFF  }
0xc9: {  	(tm) =	ssettm $0x7FFFFFFF  }
tec
execute0_lowered:
.L_overlay_start_1:
0x0: {  	(tag) =	ssettag $0x1  }
0x1: {  	s2 =	rddreg [dreg:$0x0]  }
0x2: {  	s8 =	rddreg [dreg:$0x1]  }
0x3: {  	s0 =	rddreg [dreg:$0x2];
	s3 =	stileid.u32  }
0x4: {  	[bflag:$0x3] =	sbarrier.arrive $0xFFFF;
	s1 =	simm.s32 $_size_execute1_lowered;
	p0 =	sne.s32 s3, $0x0  }
0x5: {  	s1 =	sshll.u32 s1, $0x1;
	s4 =	simm.s32 @!p0 $0x1C3F;
	s5 =	simm.s32 @!p0 $0x4060  }
0x6: {  	[timem:s5], [sflag:s4] =	dma.local @!p0 [hbm:s2], s1  }
0x7: {  	s4 =	sshll.u32 s3, $0x6  }
0x8: {  	s29 =	ssub.s32 $0x400, s4  }
0x9: {  	s6 =	simm.s32 $0x1;
	s30 =	sshll.u32 s3, $0x3;
	s31 =	sand.u32 $0x3C0, s29  }
0xa: {  	s7 =	sadd.s32 s30, s8;
	s2 =	simm.s32 $0x1;
	p1 =	sne.s32 s31, $0x0  }
0xb: {  	s3 =	simm.s32 $0x2;
	s5 =	sshrl.u32 s29, $0xA;
	s6 =	simm.s32 @!p1 $0x0  }
0xc: {  	s7 =	sadd.s32 $0x6E800, s7;
	_ =	strace $0x80000047;
	s5 =	sadd.s32 s6, s5  }
0xd: {  	[sflag:s2] =	ssyncpa.u1 $0x0;
	s6 =	simm.s32 $0x0;
	p2 =	sle.u32 s5, $0x0  }
0xe: {  	[sflag:s3] =	ssyncpa.u1 $0x0;
	p1 =	sle.u32 s5, $0xFFFFFFFF;
	s9 =	sxor.u32 @!p2 $0xFFFFFFFF, s6  }
0xf: {  	s10 =	simm.s32 @!p1 $0x1;
	s11 =	simm.s32 @!p2 $0x0;
	s9 =	sand.u32 @!p2 $0x40, s9  }
0x10: {  	[tilespmem:s9], [sflag:$0x1] =	stream.linear.gather @!p2 [hbm4b:s7+s11], $0x40, $0x38;
	[tilespmem:$0x100] =	vst v63  }
0x11: {  	_ =	swait.ge @!p1 [sflag:s10], $0x40  }
0x12: {  	[sflag:s10] =	ssyncset.done @!p1 $0x0  }
0x13: {  	s12 =	sand.u32 @!p1 $0x40, s6;
	s9 =	sadd.s32 $0x1, s5;
	[sflag:s10] =	ssyncadd.s32 @!p1 $0xFFFFFFC0  }
0x14: {  	p3 =	sne.s32 s9, $0x0;
	v3 =	vld @!p1 [tilespmem:s12+$0x30]  }
.Ltmp0:
0x15: {  	_ = 	snop;
	(pc) =	sbr.rel @!p3 .LBB2_2-.Ltmp0, $4  }
0x16: {  	v2 =	vld @!p1 [tilespmem:s12+$0x20]  }
0x17: {  	p6 =	por $0x1, $0x1;
	v1 =	vld @!p1 [tilespmem:s12+$0x0]  }
0x18: {  	s8 =	sadd.s32 $0x6EA00, s8;
	s14 =	sor.u32 @!p1 $0x80, s12;
	p2 =	por p6, p6;
	v0 =	vld @!p1 [tilespmem:s12+$0x10]  }
0x19: {  	s11 =	sadd.s32 @!p1 $0x0, s8;
	s13 =	simm.s32 @!p2 $0x2;
	s10 =	simm.s32 $0x1;
	[tilespmem:s12+$0xB0] =	vst @!p1 v3  }
.LBB2_1:
0x1a: {  	p4 =	slt.u32 s10, $0x2  }
0x1b: {  	p3 =	sne.s32 s10, s9;
	[tilespmem:s12+$0xA0] =	vst @!p1 v2;
	s6 =	sadd.s32 $0x40, s6;
	s15 =	smov.u32 s10  }
0x1c: {  	s10 =	sadd.s32 $0x1, s10;
	s16 =	simm.s32 @!p1 $0x0;
	p5 =	sge.u32 s15, s5;
	[tilespmem:s12+$0x80] =	vst @!p1 v1  }
0x1d: {  	s15 =	sadd.s32 $0xFFFFFFFF, s15;
	s17 =	sxor.u32 @!p5 $0xFFFFFFFF, s6;
	[tilespmem:s12+$0x90] =	vst @!p1 v0  }
0x1e: {  	[hbm4b:s11+s16] =	stream.linear.scatter @!p1 [tilespmem:s14], [sflag:$0x2], $0x40, $0x38;
	[tilespmem:$0x100] =	vst v63  }
0x1f: {  	s12 =	sand.u32 @!p5 $0x40, s17;
	p1 =	sge.u32 s15, s5;
	_ =	swait.ge @!p2 [sflag:s13], $0x40  }
0x20: {  	s14 =	simm.s32 @!p1 $0x1;
	s11 =	sshrl.u32 @!p1 s4, $0x3;
	[sflag:s13] =	ssyncset.done @!p2 $0x0  }
0x21: {  	s15 =	simm.s32 @!p5 $0x0;
	s11 =	sadd.s32 @!p1 s8, s11;
	[sflag:s13] =	ssyncadd.s32 @!p2 $0xFFFFFFC0  }
0x22: {  	[tilespmem:s12], [sflag:$0x1] =	stream.linear.gather @!p5 [hbm4b:s7+s15], $0x40, $0x38;
	[tilespmem:$0x100] =	vst v63  }
0x23: {  	p2 =	por p4, p4;
	_ =	swait.ge @!p1 [sflag:s14], $0x40  }
0x24: {  	[sflag:s14] =	ssyncset.done @!p1 $0x0  }
0x25: {  	s12 =	sand.u32 @!p1 $0x40, s6;
	[sflag:s14] =	ssyncadd.s32 @!p1 $0xFFFFFFC0  }
0x26: {  	s14 =	sor.u32 @!p1 $0x80, s12;
	v3 =	vld @!p1 [tilespmem:s12+$0x30]  }
.Ltmp1:
0x27: {  	v2 =	vld @!p1 [tilespmem:s12+$0x20];
	(pc) =	sbr.rel @p3 .LBB2_1-.Ltmp1, $3  }
0x28: {  	v1 =	vld @!p1 [tilespmem:s12+$0x0]  }
0x29: {  	v0 =	vld @!p1 [tilespmem:s12+$0x10];
	_ =	sdelay $0x1  }
0x2a: {  	s13 =	simm.s32 @!p2 $0x2;
	[tilespmem:s12+$0xB0] =	vst @!p1 v3  }
.LBB2_2:
0x2b: {  	_ = 	snop  }
0x2c: {  	[tilespmem:s12+$0xA0] =	vst @!p1 v2  }
0x2d: {  	[tilespmem:s12+$0x80] =	vst @!p1 v1  }
0x2e: {  	s4 =	simm.s32 @!p1 $0x0;
	[tilespmem:s12+$0x90] =	vst @!p1 v0  }
0x2f: {  	[hbm4b:s11+s4] =	stream.linear.scatter @!p1 [tilespmem:s14], [sflag:$0x2], $0x40, $0x38;
	[tilespmem:$0x100] =	vst v63  }
0x30: {  	_ =	swait.ge @!p2 [sflag:s13], $0x40  }
0x31: {  	[sflag:s13] =	ssyncset.done @!p2 $0x0  }
0x32: {  	[sflag:s13] =	ssyncadd.s32 @!p2 $0xFFFFFFC0  }
0x33: {  	_ =	sfence.sel $0x180000  }
0x34: {  	[bflag:$0x0] =	sbarrier.arrive $0xFFFF  }
0x35: {  	[sflag:s2] =	ssyncpa.u1 $0x1  }
0x36: {  	[sflag:s3] =	ssyncpa.u1 $0x1  }
0x37: {  	_ =	strace $0x90000047  }
0x38: {  	s0 =	sadd.s32 @!p0 $0x100000, s0;
	[bflag:$0x2] =	sbarrier.arrive $0xFFFF  }
0x39: {  	[sflag:s0] =	ssyncadd.tile.s32 @!p0 $0x1;
	s0 =	simm.s32 @!p0 $0x3F  }
0x3a: {  	_ =	swait.ge @!p0 [sflag:s0], s1  }
0x3b: {  	s1 =	ssub.s32 @!p0 $0x0, s1;
	[sflag:s0] =	ssyncset.done @!p0 $0x0  }
0x3c: {  	[sflag:s0] =	ssyncadd.s32 @!p0 s1  }
0x3d: {  	[bflag:$0x3] =	sbarrier.arrive $0xFFFF  }
0x3e: {  	_ =	shalt  }
.Lfunc_end2:
execute1_lowered:
.L_overlay_start_2:
0x3f: {  	(tag) =	ssettag $0x2  }
0x40: {  	s5 =	rddreg [dreg:$0x0]  }
0x41: {  	s0 =	rddreg [dreg:$0x1];
	_ =	strace $0x8000004A;
	s6 =	stileid.u32  }
0x42: {  	s3 =	simm.s32 $0x3E;
	s1 =	sadd.s32 $0x6EA00, s5;
	p0 =	sne.s32 s6, $0x0  }
0x43: {  	[sflag:s3] =	ssyncpa.u1 $0x0;
	s4 =	simm.s32 @!p0 $0x1C3E;
	s2 =	simm.s32 @!p0 $0x0  }
0x44: {  	[spmem:s2], [sflag:s4] =	dma.local @!p0 [hbm:s1], $0x80  }
0x45: {  	s4 =	simm.s32 @!p0 $0x3E  }
0x46: {  	_ =	swait.ge @!p0 [sflag:s4], $0x80  }
0x47: {  	[sflag:s4] =	ssyncset.done @!p0 $0x0  }
0x48: {  	s9 =	simm.s32 $0x160;
	[sflag:s4] =	ssyncadd.s32 @!p0 $0xFFFFFF80  }
0x49: {  	s6 =	smul.u32 $0x24, s6;
	s7 =	sadd.s32 $0x800, s5;
	[bflag:$0x0] =	sbarrier.arrive $0xFFFF  }
0x4a: {  	s8 =	sadd.s32 $0x6E400, s5;
	[sflag:s3] =	ssyncpa.u1 $0x1;
	s3 =	simm.s32 $0x1  }
0x4b: {  	s5 =	simm.s32 $0x0;
	s4 =	simm.s32 $0x2;
	[sflag:s3] =	ssyncpa.u1 $0x0  }
0x4c: {  	s7 =	sadd.s32 s7, s6;
	(ifvalue) =	ssetifvalue $0x400;
	[sflag:s4] =	ssyncpa.u1 $0x0  }
0x4d: {  	[tilespmem:s9], [sflag:$0x2] =	stream.linear.gather [hbm4b:s7+s5], $0x120, $0x38;
	[tilespmem:$0x4C0] =	vst v63  }
0x4e: {  	s19 =	simm.s32 $0x3A0;
	s6 =	sadd.s32 s8, s6  }
0x4f: {  	[tilespmem:s19], [sflag:$0x2] =	stream.linear.gather [hbm4b:s6+s5], $0x120, $0x38;
	[tilespmem:$0x4C0] =	vst v63  }
0x50: {  	_ =	swait.ge [sflag:s4], $0x240  }
0x51: {  	[sflag:s4] =	ssyncset.done $0x0  }
0x52: {  	[sflag:s4] =	ssyncadd.s32 $0xFFFFFDC0  }
0x53: {  	v0 =	vld.msk [tilespmem:s9+$0x0 ss:$0x1], $0xffff;
	_ =	sdelay $0x4  }
0x54: {  	v0 =	vmin.u32 v0, $0x400;
	_ =	sdelay $0x3  }
0x55: {  	vm0 =	vmmov $0xffff;
	s20 =	simm.s32 $0x170  }
0x56: {  	[spmem:s5] =	stream.indirect_vreg.scatter.add.s32 [tilespmem:s19], [sflag:$0x1], $0x1, v0, vm0, $0x4038;
	[tilespmem:$0x4C0] =	vst v63  }
0x57: {  	v0 =	vld.msk [tilespmem:s20+$0x0 ss:$0x1], $0xffff;
	_ =	sdelay $0x4  }
0x58: {  	v0 =	vmin.u32 v0, $0x400;
	_ =	sdelay $0x3  }
0x59: {  	s21 =	simm.s32 $0x3B0;
	s22 =	simm.s32 $0x180  }
0x5a: {  	[spmem:s5] =	stream.indirect_vreg.scatter.add.s32 [tilespmem:s21], [sflag:$0x1], $0x1, v0, vm0, $0x4038;
	[tilespmem:$0x4C0] =	vst v63  }
0x5b: {  	v0 =	vld.msk [tilespmem:s22+$0x0 ss:$0x1], $0xffff;
	_ =	sdelay $0x4  }
0x5c: {  	v0 =	vmin.u32 v0, $0x400;
	_ =	sdelay $0x3  }
0x5d: {  	s23 =	simm.s32 $0x3C0;
	s24 =	simm.s32 $0x190  }
0x5e: {  	[spmem:s5] =	stream.indirect_vreg.scatter.add.s32 [tilespmem:s23], [sflag:$0x1], $0x1, v0, vm0, $0x4038;
	[tilespmem:$0x4C0] =	vst v63  }
0x5f: {  	v0 =	vld.msk [tilespmem:s24+$0x0 ss:$0x1], $0xffff;
	_ =	sdelay $0x4  }
0x60: {  	v0 =	vmin.u32 v0, $0x400;
	_ =	sdelay $0x3  }
0x61: {  	s25 =	simm.s32 $0x3D0;
	s26 =	simm.s32 $0x1A0  }
0x62: {  	[spmem:s5] =	stream.indirect_vreg.scatter.add.s32 [tilespmem:s25], [sflag:$0x1], $0x1, v0, vm0, $0x4038;
	[tilespmem:$0x4C0] =	vst v63  }
0x63: {  	v0 =	vld.msk [tilespmem:s26+$0x0 ss:$0x1], $0xffff;
	_ =	sdelay $0x4  }
0x64: {  	v0 =	vmin.u32 v0, $0x400;
	_ =	sdelay $0x3  }
0x65: {  	s28 =	simm.s32 $0x3E0;
	s29 =	simm.s32 $0x1B0  }
0x66: {  	[spmem:s5] =	stream.indirect_vreg.scatter.add.s32 [tilespmem:s28], [sflag:$0x1], $0x1, v0, vm0, $0x4038;
	[tilespmem:$0x4C0] =	vst v63  }
0x67: {  	v0 =	vld.msk [tilespmem:s29+$0x0 ss:$0x1], $0xffff;
	_ =	sdelay $0x4  }
0x68: {  	v0 =	vmin.u32 v0, $0x400;
	_ =	sdelay $0x3  }
0x69: {  	s30 =	simm.s32 $0x3F0;
	s31 =	simm.s32 $0x1C0  }
0x6a: {  	[spmem:s5] =	stream.indirect_vreg.scatter.add.s32 [tilespmem:s30], [sflag:$0x1], $0x1, v0, vm0, $0x4038;
	[tilespmem:$0x4C0] =	vst v63  }
0x6b: {  	v0 =	vld.msk [tilespmem:s31+$0x0 ss:$0x1], $0xffff;
	_ =	sdelay $0x4  }
0x6c: {  	v0 =	vmin.u32 v0, $0x400;
	_ =	sdelay $0x3  }
0x6d: {  	s8 =	simm.s32 $0x1D0;
	s7 =	simm.s32 $0x400  }
0x6e: {  	[spmem:s5] =	stream.indirect_vreg.scatter.add.s32 [tilespmem:s7], [sflag:$0x1], $0x1, v0, vm0, $0x4038;
	[tilespmem:$0x4C0] =	vst v63  }
0x6f: {  	v0 =	vld.msk [tilespmem:s8+$0x0 ss:$0x1], $0xffff;
	_ =	sdelay $0x4  }
0x70: {  	v0 =	vmin.u32 v0, $0x400;
	_ =	sdelay $0x3  }
0x71: {  	s10 =	simm.s32 $0x1E0;
	s9 =	simm.s32 $0x410  }
0x72: {  	[spmem:s5] =	stream.indirect_vreg.scatter.add.s32 [tilespmem:s9], [sflag:$0x1], $0x1, v0, vm0, $0x4038;
	[tilespmem:$0x4C0] =	vst v63  }
0x73: {  	v0 =	vld.msk [tilespmem:s10+$0x0 ss:$0x1], $0xffff;
	_ =	sdelay $0x4  }
0x74: {  	v0 =	vmin.u32 v0, $0x400;
	_ =	sdelay $0x3  }
0x75: {  	s11 =	simm.s32 $0x420;
	s12 =	simm.s32 $0x1F0  }
0x76: {  	[spmem:s5] =	stream.indirect_vreg.scatter.add.s32 [tilespmem:s11], [sflag:$0x1], $0x1, v0, vm0, $0x4038;
	[tilespmem:$0x4C0] =	vst v63  }
0x77: {  	v0 =	vld.msk [tilespmem:s12+$0x0 ss:$0x1], $0xffff;
	_ =	sdelay $0x4  }
0x78: {  	v0 =	vmin.u32 v0, $0x400;
	_ =	sdelay $0x3  }
0x79: {  	s13 =	simm.s32 $0x430;
	s14 =	simm.s32 $0x200  }
0x7a: {  	[spmem:s5] =	stream.indirect_vreg.scatter.add.s32 [tilespmem:s13], [sflag:$0x1], $0x1, v0, vm0, $0x4038;
	[tilespmem:$0x4C0] =	vst v63  }
0x7b: {  	v0 =	vld.msk [tilespmem:s14+$0x0 ss:$0x1], $0xffff;
	_ =	sdelay $0x4  }
0x7c: {  	v0 =	vmin.u32 v0, $0x400;
	_ =	sdelay $0x3  }
0x7d: {  	s15 =	simm.s32 $0x440;
	s16 =	simm.s32 $0x210  }
0x7e: {  	[spmem:s5] =	stream.indirect_vreg.scatter.add.s32 [tilespmem:s15], [sflag:$0x1], $0x1, v0, vm0, $0x4038;
	[tilespmem:$0x4C0] =	vst v63  }
0x7f: {  	v0 =	vld.msk [tilespmem:s16+$0x0 ss:$0x1], $0xffff;
	_ =	sdelay $0x4  }
0x80: {  	v0 =	vmin.u32 v0, $0x400;
	_ =	sdelay $0x3  }
0x81: {  	s17 =	simm.s32 $0x450;
	s18 =	simm.s32 $0x220  }
0x82: {  	[spmem:s5] =	stream.indirect_vreg.scatter.add.s32 [tilespmem:s17], [sflag:$0x1], $0x1, v0, vm0, $0x4038;
	[tilespmem:$0x4C0] =	vst v63  }
0x83: {  	v0 =	vld.msk [tilespmem:s18+$0x0 ss:$0x1], $0xffff;
	_ =	sdelay $0x4  }
0x84: {  	v0 =	vmin.u32 v0, $0x400;
	_ =	sdelay $0x3  }
0x85: {  	s19 =	simm.s32 $0x460;
	s20 =	simm.s32 $0x230  }
0x86: {  	[spmem:s5] =	stream.indirect_vreg.scatter.add.s32 [tilespmem:s19], [sflag:$0x1], $0x1, v0, vm0, $0x4038;
	[tilespmem:$0x4C0] =	vst v63  }
0x87: {  	v0 =	vld.msk [tilespmem:s20+$0x0 ss:$0x1], $0xffff;
	_ =	sdelay $0x4  }
0x88: {  	v0 =	vmin.u32 v0, $0x400;
	_ =	sdelay $0x3  }
0x89: {  	s21 =	simm.s32 $0x470;
	s22 =	simm.s32 $0x240  }
0x8a: {  	[spmem:s5] =	stream.indirect_vreg.scatter.add.s32 [tilespmem:s21], [sflag:$0x1], $0x1, v0, vm0, $0x4038;
	[tilespmem:$0x4C0] =	vst v63  }
0x8b: {  	v0 =	vld.msk [tilespmem:s22+$0x0 ss:$0x1], $0xffff;
	_ =	sdelay $0x4  }
0x8c: {  	v0 =	vmin.u32 v0, $0x400;
	_ =	sdelay $0x3  }
0x8d: {  	s23 =	simm.s32 $0x480;
	s24 =	simm.s32 $0x250  }
0x8e: {  	[spmem:s5] =	stream.indirect_vreg.scatter.add.s32 [tilespmem:s23], [sflag:$0x1], $0x1, v0, vm0, $0x4038;
	[tilespmem:$0x4C0] =	vst v63  }
0x8f: {  	v0 =	vld.msk [tilespmem:s24+$0x0 ss:$0x1], $0xffff;
	_ =	sdelay $0x4  }
0x90: {  	v0 =	vmin.u32 v0, $0x400;
	_ =	sdelay $0x3  }
0x91: {  	s25 =	simm.s32 $0x490;
	s26 =	simm.s32 $0x260  }
0x92: {  	[spmem:s5] =	stream.indirect_vreg.scatter.add.s32 [tilespmem:s25], [sflag:$0x1], $0x1, v0, vm0, $0x4038;
	[tilespmem:$0x4C0] =	vst v63  }
0x93: {  	v0 =	vld.msk [tilespmem:s26+$0x0 ss:$0x1], $0xffff;
	_ =	sdelay $0x4  }
0x94: {  	v0 =	vmin.u32 v0, $0x400;
	_ =	sdelay $0x3  }
0x95: {  	s28 =	simm.s32 $0x4A0;
	s29 =	simm.s32 $0x270  }
0x96: {  	[spmem:s5] =	stream.indirect_vreg.scatter.add.s32 [tilespmem:s28], [sflag:$0x1], $0x1, v0, vm0, $0x4038;
	[tilespmem:$0x4C0] =	vst v63  }
0x97: {  	v0 =	vld.msk [tilespmem:s29+$0x0 ss:$0x1], $0xffff;
	_ =	sdelay $0x4  }
0x98: {  	v0 =	vmin.u32 v0, $0x400;
	_ =	sdelay $0x3  }
0x99: {  	s30 =	simm.s32 $0x4B0  }
0x9a: {  	[spmem:s5] =	stream.indirect_vreg.scatter.add.s32 [tilespmem:s30], [sflag:$0x1], $0x1, v0, vm0, $0x4038;
	[tilespmem:$0x4C0] =	vst v63  }
0x9b: {  	_ =	swait.ge [sflag:s3], $0x120  }
0x9c: {  	[sflag:s3] =	ssyncset.done $0x0  }
0x9d: {  	[sflag:s3] =	ssyncadd.s32 $0xFFFFFEE0  }
0x9e: {  	_ =	sfence.sel $0x180000  }
0x9f: {  	[bflag:$0x0] =	sbarrier.arrive $0xFFFF  }
0xa0: {  	[sflag:s4] =	ssyncpa.u1 $0x1  }
0xa1: {  	[sflag:s3] =	ssyncpa.u1 $0x1  }
0xa2: {  	_ =	sfence.stream.spmem  }
0xa3: {  	s31 =	simm.s32 $0x3D;
	[bflag:$0x0] =	sbarrier.arrive $0xFFFF  }
0xa4: {  	s3 =	simm.s32 @p0 $0x3D;
	[sflag:s31] =	ssyncpa.u1 $0x0  }
0xa5: {  	[sflag:s3] =	ssyncpa.u1 @p0 $0x1  }
0xa6: {  	[bflag:$0x0] =	sbarrier.arrive @p0 $0xFFFF  }
0xa7: {  	_ =	strace @p0 $0x9000004A  }
0xa8: {  	s3 =	simm.s32 @!p0 $0x1C3D;
	[bflag:$0x2] =	sbarrier.arrive @p0 $0xFFFF  }
0xa9: {  	[hbm:s1], [sflag:s3] =	dma.local @!p0 [spmem:s2], $0x80  }
0xaa: {  	s1 =	simm.s32 @!p0 $0x3D  }
0xab: {  	_ =	swait.ge @!p0 [sflag:s1], $0x80  }
0xac: {  	[sflag:s1] =	ssyncset.done @!p0 $0x0  }
0xad: {  	[sflag:s1] =	ssyncadd.s32 @!p0 $0xFFFFFF80  }
0xae: {  	[sflag:s1] =	ssyncpa.u1 @!p0 $0x1  }
0xaf: {  	[bflag:$0x0] =	sbarrier.arrive @!p0 $0xFFFF  }
0xb0: {  	_ =	strace @!p0 $0x9000004A  }
0xb1: {  	s0 =	sadd.s32 @!p0 $0x100000, s0;
	[bflag:$0x2] =	sbarrier.arrive @!p0 $0xFFFF  }
0xb2: {  	[sflag:s0] =	ssyncadd.tile.s32 @!p0 $0x1;
	_ =	shalt  }
.Lfunc_end3:
_tile_overlayer_lowered:
.L_overlay_start_3:
0xb3: {  	(tag) =	ssettag $0x3  }
0xb4: {  	s0 =	rddreg [dreg:$0x0];
	s2 =	stileid.u32  }
0xb5: {  	s1 =	rddreg [dreg:$0x1];
	p0 =	sne.s32 s2, $0x0  }
0xb6: {  	s3 =	rddreg [dreg:$0x2];
	[bflag:$0x3] =	sbarrier.arrive $0xFFFF;
	s2 =	simm.s32 @!p0 $0x1C01  }
0xb7: {  	[timem:s3], [sflag:s2] =	dma.local @!p0 [hbm:s0], s1  }
0xb8: {  	s0 =	simm.s32 @!p0 $0x1  }
0xb9: {  	_ =	swait.ge @!p0 [sflag:s0], s1  }
0xba: {  	s1 =	ssub.s32 @!p0 $0x0, s1;
	[sflag:s0] =	ssyncset.done @!p0 $0x0  }
0xbb: {  	[sflag:s0] =	ssyncadd.s32 @!p0 s1  }
0xbc: {  	[bflag:$0x3] =	sbarrier.arrive $0xFFFF  }
0xbd: {  	_ =	shalt  }

// kernel: scatter_offload_async_start.3
scs
__scs_entry_jumppad:
0x0: {  	(pc) =	sbr.rel $0x88, $3  }
0x1: {  	(tag) =	ssettag $0x0;
	lr =	simm.s32 $0x1  }
0x2: {  	[smem:$0x3F9F] =	sst lr;
	_ =	strace $0xD0000000  }
0x3: {  	_ = 	snop  }
0x4: {  	_ = 	snop  }
0x5: {  	_ = 	snop  }
0x6: {  	_ = 	snop  }
0x7: {  	_ = 	snop  }
__scs_overlays_trampoline_lowered:
0x8: {  	[smem:$0x3FAE] =	sst s0  }
0x9: {  	[smem:$0x3FAF] =	sst s1  }
0xa: {  	[smem:$0x3FB0] =	sst s2  }
0xb: {  	[smem:$0x3FB1] =	sst s3  }
0xc: {  	[smem:$0x3FB2] =	sst s4  }
0xd: {  	[smem:$0x3FB3] =	sst s5  }
0xe: {  	[smem:$0x3FB4] =	sst s6  }
0xf: {  	[smem:$0x3FB5] =	sst s7  }
0x10: {  	[smem:$0x3FB6] =	sst s8  }
0x11: {  	[smem:$0x3FB7] =	sst s9;
	s0 =	simm.s32 @!p0 $0x0  }
0x12: {  	s1 =	sld [smem:$0x3F9D];
	s0 =	simm.s32 @p0 $0x1  }
0x13: {  	[smem:$0x3FB8] =	sst s0;
	s0 =	simm.s32 @!p1 $0x0  }
0x14: {  	s2 =	sld [smem:$0x3F9C];
	s0 =	simm.s32 @p1 $0x1  }
0x15: {  	[smem:$0x3FB9] =	sst s0;
	s0 =	simm.s32 @!p2 $0x0  }
0x16: {  	s3 =	sld [smem:$0x3FDB];
	s0 =	simm.s32 @p2 $0x1  }
0x17: {  	s4 =	simm.s32 $0x1BF5;
	[smem:$0x3FBB] =	sst s0  }
0x18: {  	s0 =	sld [smem:$0x3F9E];
	_ =	swait.ge [sflag:s4], $0x0  }
0x19: {  	s7 =	sld [smem:$0x3F9F]  }
0x1a: {  	s8 =	sadd.s32 $0xFFFFE003, lr  }
0x1b: {  	s9 =	sadd.s32 $0xFFFFFEF7, lr;
	s5 =	simm.s32 $0xFFFFFFFF;
	p2 =	slt.u32 s8, $0xFFFFF086  }
0x1c: {  	p1 =	slt.u32 s9, $0xF7A;
	s5 =	simm.s32 @!p2 $0x0  }
0x1d: {  	s5 =	simm.s32 @p1 $0x1;
	p0 =	seq.s32 s7, s2  }
0x1e: {  	s7 =	smul.u32 @!p0 $0xF7A, s2;
	p2 =	seq.s32 @!p0 s5, $0x0  }
0x1f: {  	s9 =	smul.u32 $0xF7A, s1;
	s8 =	simm.s32 @!p0 $0x1BF5;
	p2 =	por !p2, p0  }
0x20: {  	[sflag:s8] =	ssyncset.s32 @!p0 $0xFFFFF086;
	s6 =	sadd.s32 @!p0 s3, s7;
	s7 =	simm.s32 @!p0 $0x108  }
0x21: {  	s3 =	sadd.s32 s3, s9;
	s6 =	sadd.s32 @!p0 $0x88, s6;
	s7 =	simm.s32 @p2 $0x1082  }
0x22: {  	[simem:s7], [sflag:s8] =	dma.local @!p0 [hbm:s6], $0xF7A  }
0x23: {  	s9 =	sor.u32 $0xD0000000, s2;
	s6 =	simm.s32 $0x108;
	_ =	swait.ge @!p0 [sflag:s8], $0x0  }
0x24: {  	s3 =	sadd.s32 $0x88, s3;
	s6 =	simm.s32 @!p1 $0x1082;
	[sflag:s4] =	ssyncset.s32 $0xFFFFF086  }
0x25: {  	[simem:s6], [sflag:s4] =	dma.local [hbm:s3], $0xF7A  }
0x26: {  	[smem:$0x3F9F] =	sst s1;
	(tag) =	ssettag s2;
	_ =	strace s9  }
0x27: {  	s1 =	sld [smem:$0x3FAF]  }
0x28: {  	s2 =	sld [smem:$0x3FB0]  }
0x29: {  	s4 =	sld [smem:$0x3FB2]  }
0x2a: {  	p0 =	seq.s32 s5, $0x0;
	s5 =	sld [smem:$0x3FB3]  }
0x2b: {  	s6 =	sld [smem:$0x3FB4]  }
0x2c: {  	s7 =	sld [smem:$0x3FB5]  }
0x2d: {  	s3 =	simm.s32 $0x108;
	s8 =	sld [smem:$0x3FB6]  }
0x2e: {  	s3 =	simm.s32 @!p0 $0x1082;
	s9 =	sld [smem:$0x3FB7]  }
0x2f: {  	lr =	sadd.s32 s0, s3;
	s0 =	sld [smem:$0x3FAE]  }
0x30: {  	s3 =	sld [smem:$0x3FB1]  }
0x31: {  	[smem:$0x3FBA] =	sst s10  }
0x32: {  	s10 =	sld [smem:$0x3FB8];
	_ =	sdelay $0x3  }
0x33: {  	p0 =	seq.s32 s10, $0x1;
	s10 =	sld [smem:$0x3FBA];
	_ =	sdelay $0x3  }
0x34: {  	[smem:$0x3FBA] =	sst s10  }
0x35: {  	s10 =	sld [smem:$0x3FB9];
	_ =	sdelay $0x3  }
0x36: {  	p1 =	seq.s32 s10, $0x1;
	s10 =	sld [smem:$0x3FBA];
	_ =	sdelay $0x3  }
0x37: {  	[smem:$0x3FBA] =	sst s10  }
0x38: {  	s10 =	sld [smem:$0x3FBB]  }
0x39: {  	_ = 	snop;
	(pc) =	sbr.ind lr, $3  }
0x3a: {  	_ = 	snop  }
0x3b: {  	_ = 	snop  }
0x3c: {  	p2 =	seq.s32 s10, $0x1;
	s10 =	sld [smem:$0x3FBA]  }
0x3d: {  	_ =	shalt  }
0x3e: {  	_ =	shalt  }
0x3f: {  	_ =	shalt  }
0x40: {  	_ =	shalt  }
0x41: {  	_ =	shalt  }
0x42: {  	_ =	shalt  }
0x43: {  	_ =	shalt  }
0x44: {  	_ =	shalt  }
0x45: {  	_ =	shalt  }
0x46: {  	_ =	shalt  }
0x47: {  	_ =	shalt  }
0x48: {  	_ =	shalt  }
0x49: {  	_ =	shalt  }
0x4a: {  	_ =	shalt  }
0x4b: {  	_ =	shalt  }
0x4c: {  	_ =	shalt  }
0x4d: {  	_ =	shalt  }
0x4e: {  	_ =	shalt  }
0x4f: {  	_ =	shalt  }
0x50: {  	_ =	shalt  }
0x51: {  	_ =	shalt  }
0x52: {  	_ =	shalt  }
0x53: {  	_ =	shalt  }
0x54: {  	_ =	shalt  }
0x55: {  	_ =	shalt  }
0x56: {  	_ =	shalt  }
0x57: {  	_ =	shalt  }
0x58: {  	_ =	shalt  }
0x59: {  	_ =	shalt  }
0x5a: {  	_ =	shalt  }
0x5b: {  	_ =	shalt  }
0x5c: {  	_ =	shalt  }
0x5d: {  	_ =	shalt  }
0x5e: {  	_ =	shalt  }
0x5f: {  	_ =	shalt  }
0x60: {  	_ =	shalt  }
0x61: {  	_ =	shalt  }
0x62: {  	_ =	shalt  }
0x63: {  	_ =	shalt  }
0x64: {  	_ =	shalt  }
0x65: {  	_ =	shalt  }
0x66: {  	_ =	shalt  }
0x67: {  	_ =	shalt  }
0x68: {  	_ =	shalt  }
0x69: {  	_ =	shalt  }
0x6a: {  	_ =	shalt  }
0x6b: {  	_ =	shalt  }
0x6c: {  	_ =	shalt  }
0x6d: {  	_ =	shalt  }
0x6e: {  	_ =	shalt  }
0x6f: {  	_ =	shalt  }
0x70: {  	_ =	shalt  }
0x71: {  	_ =	shalt  }
0x72: {  	_ =	shalt  }
0x73: {  	_ =	shalt  }
0x74: {  	_ =	shalt  }
0x75: {  	_ =	shalt  }
0x76: {  	_ =	shalt  }
0x77: {  	_ =	shalt  }
0x78: {  	_ =	shalt  }
0x79: {  	_ =	shalt  }
0x7a: {  	_ =	shalt  }
0x7b: {  	_ =	shalt  }
0x7c: {  	_ =	shalt  }
0x7d: {  	_ =	shalt  }
0x7e: {  	_ =	shalt  }
0x7f: {  	_ =	shalt  }
0x80: {  	_ =	shalt  }
0x81: {  	_ =	shalt  }
0x82: {  	_ =	shalt  }
0x83: {  	_ =	shalt  }
0x84: {  	_ =	shalt  }
0x85: {  	_ =	shalt  }
0x86: {  	_ =	shalt  }
0x87: {  	_ =	shalt  }
.Lfunc_end0:
.L_simem_size_0:
called_computation.3_lowered:
.L_overlay_start_0:
0x88: {  	s0 =	sld [smem:$0x3FD9]  }
0x89: {  	s1 =	sld [smem:$0x3FFE];
	_ =	sdelay $0x3  }
0x8a: {  	s0 =	sadd.s32 s1, s0  }
0x8b: {  	[smem:$0x3FC6] =	sst s0  }
0x8c: {  	_ = 	snop  }
0x8d: {  	(tm) =	ssettm $0x1  }
0x8e: {  	s14 =	sld [smem:$0x3FFB];
	_ =	sdelay $0x3  }
0x8f: {  	_ =	strace s14  }
0x90: {  	s0 =	sld [smem:$0x3FFC];
	_ =	sdelay $0x3  }
0x91: {  	_ =	strace s0  }
0x92: {  	s0 =	sld [smem:$0x3FFD];
	_ =	sdelay $0x3  }
0x93: {  	_ =	strace s0  }
0x94: {  	_ =	strace $0x8FFFFFFF  }
0x95: {  	s15 =	sld [smem:$0x3FDB];
	_ =	sdelay $0x1  }
0x96: {  	s16 =	simm.s32 $_scs_section_size  }
0x97: {  	s2 =	simm.s32 $_size__tile_overlayer_lowered;
	s3 =	simm.s32 $_tile_overlayer_lowered  }
0x98: {  	s4 =	simm.s32 $0x1BFF;
	s17 =	sshll.u32 s3, $0x1;
	s1 =	sadd.s32 s16, s15  }
0x99: {  	s18 =	simm.s32 $0x0;
	s2 =	sshll.u32 s2, $0x1;
	s3 =	sadd.s32 s17, s1  }
0x9a: {  	[timem:s18], [sflag:s4] =	dma.local [hbm:s3], s2  }
0x9b: {  	_ =	swait.ge [sflag:s4], s2  }
0x9c: {  	s2 =	ssub.s32 $0x0, s2;
	[sflag:s4] =	ssyncset.done $0x0  }
0x9d: {  	[sflag:s4] =	ssyncadd.s32 s2;
	_ =	sdelay $0x1  }
0x9e: {  	s19 =	simm.s32 $0x1B8B  }
0x9f: {  	_ =	swait.ge [sflag:s19], $0x1  }
0xa0: {  	[sflag:s19] =	ssyncset.done $0x0  }
0xa1: {  	s21 =	simm.s32 $0x1B8E;
	s20 =	sld [smem:$0x3FFE];
	[sflag:s19] =	ssyncadd.s32 $0xFFFFFFFF  }
0xa2: {  	s22 =	simm.s32 $execute0_lowered;
	[smem:$0x3FD2] =	sst s21  }
0xa3: {  	s3 =	sshll.u32 s22, $0x1;
	_ =	strace $0x80000058;
	[dreg:$0x1] =	wrdreg $0xFFFFFFFF  }
0xa4: {  	s23 =	simm.s32 $_size_execute0_lowered;
	s3 =	sadd.s32 s1, s3;
	[dreg:$0x0] =	wrdreg $0x0  }
0xa5: {  	s4 =	sshll.u32 s23, $0x1;
	[dreg:$0x2] =	wrdreg s3  }
0xa6: {  	[dreg:$0x3] =	wrdreg s4  }
0xa7: {  	[dreg:$0x4] =	wrdreg $0xC0  }
0xa8: {  	s24 =	simm.s32 $execute1_lowered;
	_ =	task [dreg:s18], $0x5FFFF  }
0xa9: {  	s3 =	sshll.u32 s24, $0x1;
	[dreg:$0x1] =	wrdreg $0xFFFFFFFF  }
0xaa: {  	s1 =	sadd.s32 s1, s3;
	[dreg:$0x0] =	wrdreg $0x60  }
0xab: {  	[dreg:$0x2] =	wrdreg s1  }
0xac: {  	[dreg:$0x3] =	wrdreg s20  }
0xad: {  	[dreg:$0x4] =	wrdreg $0xB  }
0xae: {  	_ =	task.clear_ibuf [dreg:s18], $0x5FFFF;
	_ =	strace $0x90000058  }
0xaf: {  	s25 =	simm.s32 $0xB;
	_ =	strace $0x8000005A  }
0xb0: {  	_ =	swait.ge [sflag:s25], $0x1  }
0xb1: {  	[sflag:s25] =	ssyncadd.s32 $0xFFFFFFFF  }
0xb2: {  	_ =	strace $0x9000005A  }
0xb3: {  	_ =	strace $0x8000005B;
	[dreg:$0x1] =	wrdreg $0xFFFFFFFF  }
0xb4: {  	[dreg:$0x0] =	wrdreg $0x2030  }
0xb5: {  	[dreg:$0x2] =	wrdreg s20  }
0xb6: {  	[dreg:$0x3] =	wrdreg $0xC  }
0xb7: {  	_ =	task.clear_ibuf [dreg:s18], $0x4FFFF;
	_ =	strace $0x9000005B  }
0xb8: {  	s26 =	simm.s32 $0xC;
	_ =	strace $0x8000005D  }
0xb9: {  	_ =	swait.ge [sflag:s26], $0x1  }
0xba: {  	[sflag:s26] =	ssyncadd.s32 $0xFFFFFFFF  }
0xbb: {  	_ =	strace $0x9000005D  }
0xbc: {  	_ =	sfence  }
0xbd: {  	s28 =	sld [smem:$0x0];
	_ =	sdelay $0x1  }
0xbe: {  	s29 =	srdreg.scid  }
0xbf: {  	s30 =	sshll.u32 s29, $0xD;
	s31 =	sshrl.u32 s29, $0x2  }
0xc0: {  	s2 =	sand.u32 $0x1, s29;
	s3 =	sand.u32 $0x4000, s30;
	s1 =	sadd.s32 s31, s28  }
0xc1: {  	s2 =	sor.u32 s3, s2;
	s1 =	sshll.u32 s1, $0x11  }
0xc2: {  	s1 =	sor.u32 s1, s2  }
0xc3: {  	s1 =	sadd.s32 $0x8F2B, s1  }
0xc4: {  	[sflag:s1] =	ssyncadd.remote.s32 $0x1  }
0xc5: {  	_ =	sfence.sel $0xFFFF  }
0xc6: {  	[dreg:$0x0] =	wrdreg $0xFFFFFFFF;
	(pc) =	sbr.abs _section_cstart, $3  }
0xc7: {  	[dreg:$0x1] =	wrdreg $0xFFFFFFFF  }
0xc8: {  	_ =	task.clear_ibuf [dreg:s18], $0x2FFFF;
	_ =	strace $0x9FFFFFFF  }
0xc9: {  	(tm) =	ssettm $0x7FFFFFFF  }
tec
execute0_lowered:
.L_overlay_start_1:
0x0: {  	(tag) =	ssettag $0x1  }
0x1: {  	s2 =	rddreg [dreg:$0x0]  }
0x2: {  	s8 =	rddreg [dreg:$0x1]  }
0x3: {  	s0 =	rddreg [dreg:$0x2];
	s3 =	stileid.u32  }
0x4: {  	[bflag:$0x3] =	sbarrier.arrive $0xFFFF;
	s1 =	simm.s32 $_size_execute1_lowered;
	p0 =	sne.s32 s3, $0x0  }
0x5: {  	s1 =	sshll.u32 s1, $0x1;
	s4 =	simm.s32 @!p0 $0x1C3F;
	s5 =	simm.s32 @!p0 $0x4060  }
0x6: {  	[timem:s5], [sflag:s4] =	dma.local @!p0 [hbm:s2], s1  }
0x7: {  	s4 =	sshll.u32 s3, $0x6  }
0x8: {  	s29 =	ssub.s32 $0x400, s4  }
0x9: {  	s6 =	simm.s32 $0x1;
	s30 =	sshll.u32 s3, $0x3;
	s31 =	sand.u32 $0x3C0, s29  }
0xa: {  	s7 =	sadd.s32 s30, s8;
	s2 =	simm.s32 $0x1;
	p1 =	sne.s32 s31, $0x0  }
0xb: {  	s3 =	simm.s32 $0x2;
	s5 =	sshrl.u32 s29, $0xA;
	s6 =	simm.s32 @!p1 $0x0  }
0xc: {  	s7 =	sadd.s32 $0x6E800, s7;
	_ =	strace $0x80000059;
	s5 =	sadd.s32 s6, s5  }
0xd: {  	[sflag:s2] =	ssyncpa.u1 $0x0;
	s6 =	simm.s32 $0x0;
	p2 =	sle.u32 s5, $0x0  }
0xe: {  	[sflag:s3] =	ssyncpa.u1 $0x0;
	p1 =	sle.u32 s5, $0xFFFFFFFF;
	s9 =	sxor.u32 @!p2 $0xFFFFFFFF, s6  }
0xf: {  	s10 =	simm.s32 @!p1 $0x1;
	s11 =	simm.s32 @!p2 $0x0;
	s9 =	sand.u32 @!p2 $0x40, s9  }
0x10: {  	[tilespmem:s9], [sflag:$0x1] =	stream.linear.gather @!p2 [hbm4b:s7+s11], $0x40, $0x38;
	[tilespmem:$0x100] =	vst v63  }
0x11: {  	_ =	swait.ge @!p1 [sflag:s10], $0x40  }
0x12: {  	[sflag:s10] =	ssyncset.done @!p1 $0x0  }
0x13: {  	s12 =	sand.u32 @!p1 $0x40, s6;
	s9 =	sadd.s32 $0x1, s5;
	[sflag:s10] =	ssyncadd.s32 @!p1 $0xFFFFFFC0  }
0x14: {  	p3 =	sne.s32 s9, $0x0;
	v3 =	vld @!p1 [tilespmem:s12+$0x30]  }
.Ltmp0:
0x15: {  	_ = 	snop;
	(pc) =	sbr.rel @!p3 .LBB2_2-.Ltmp0, $4  }
0x16: {  	v2 =	vld @!p1 [tilespmem:s12+$0x20]  }
0x17: {  	p6 =	por $0x1, $0x1;
	v1 =	vld @!p1 [tilespmem:s12+$0x0]  }
0x18: {  	s8 =	sadd.s32 $0x400, s8;
	s14 =	sor.u32 @!p1 $0x80, s12;
	p2 =	por p6, p6;
	v0 =	vld @!p1 [tilespmem:s12+$0x10]  }
0x19: {  	s11 =	sadd.s32 @!p1 $0x0, s8;
	s13 =	simm.s32 @!p2 $0x2;
	s10 =	simm.s32 $0x1;
	[tilespmem:s12+$0xB0] =	vst @!p1 v3  }
.LBB2_1:
0x1a: {  	p4 =	slt.u32 s10, $0x2  }
0x1b: {  	p3 =	sne.s32 s10, s9;
	[tilespmem:s12+$0xA0] =	vst @!p1 v2;
	s6 =	sadd.s32 $0x40, s6;
	s15 =	smov.u32 s10  }
0x1c: {  	s10 =	sadd.s32 $0x1, s10;
	s16 =	simm.s32 @!p1 $0x0;
	p5 =	sge.u32 s15, s5;
	[tilespmem:s12+$0x80] =	vst @!p1 v1  }
0x1d: {  	s15 =	sadd.s32 $0xFFFFFFFF, s15;
	s17 =	sxor.u32 @!p5 $0xFFFFFFFF, s6;
	[tilespmem:s12+$0x90] =	vst @!p1 v0  }
0x1e: {  	[hbm4b:s11+s16] =	stream.linear.scatter @!p1 [tilespmem:s14], [sflag:$0x2], $0x40, $0x38;
	[tilespmem:$0x100] =	vst v63  }
0x1f: {  	s12 =	sand.u32 @!p5 $0x40, s17;
	p1 =	sge.u32 s15, s5;
	_ =	swait.ge @!p2 [sflag:s13], $0x40  }
0x20: {  	s14 =	simm.s32 @!p1 $0x1;
	s11 =	sshrl.u32 @!p1 s4, $0x3;
	[sflag:s13] =	ssyncset.done @!p2 $0x0  }
0x21: {  	s15 =	simm.s32 @!p5 $0x0;
	s11 =	sadd.s32 @!p1 s8, s11;
	[sflag:s13] =	ssyncadd.s32 @!p2 $0xFFFFFFC0  }
0x22: {  	[tilespmem:s12], [sflag:$0x1] =	stream.linear.gather @!p5 [hbm4b:s7+s15], $0x40, $0x38;
	[tilespmem:$0x100] =	vst v63  }
0x23: {  	p2 =	por p4, p4;
	_ =	swait.ge @!p1 [sflag:s14], $0x40  }
0x24: {  	[sflag:s14] =	ssyncset.done @!p1 $0x0  }
0x25: {  	s12 =	sand.u32 @!p1 $0x40, s6;
	[sflag:s14] =	ssyncadd.s32 @!p1 $0xFFFFFFC0  }
0x26: {  	s14 =	sor.u32 @!p1 $0x80, s12;
	v3 =	vld @!p1 [tilespmem:s12+$0x30]  }
.Ltmp1:
0x27: {  	v2 =	vld @!p1 [tilespmem:s12+$0x20];
	(pc) =	sbr.rel @p3 .LBB2_1-.Ltmp1, $3  }
0x28: {  	v1 =	vld @!p1 [tilespmem:s12+$0x0]  }
0x29: {  	v0 =	vld @!p1 [tilespmem:s12+$0x10];
	_ =	sdelay $0x1  }
0x2a: {  	s13 =	simm.s32 @!p2 $0x2;
	[tilespmem:s12+$0xB0] =	vst @!p1 v3  }
.LBB2_2:
0x2b: {  	_ = 	snop  }
0x2c: {  	[tilespmem:s12+$0xA0] =	vst @!p1 v2  }
0x2d: {  	[tilespmem:s12+$0x80] =	vst @!p1 v1  }
0x2e: {  	s4 =	simm.s32 @!p1 $0x0;
	[tilespmem:s12+$0x90] =	vst @!p1 v0  }
0x2f: {  	[hbm4b:s11+s4] =	stream.linear.scatter @!p1 [tilespmem:s14], [sflag:$0x2], $0x40, $0x38;
	[tilespmem:$0x100] =	vst v63  }
0x30: {  	_ =	swait.ge @!p2 [sflag:s13], $0x40  }
0x31: {  	[sflag:s13] =	ssyncset.done @!p2 $0x0  }
0x32: {  	[sflag:s13] =	ssyncadd.s32 @!p2 $0xFFFFFFC0  }
0x33: {  	_ =	sfence.sel $0x180000  }
0x34: {  	[bflag:$0x0] =	sbarrier.arrive $0xFFFF  }
0x35: {  	[sflag:s2] =	ssyncpa.u1 $0x1  }
0x36: {  	[sflag:s3] =	ssyncpa.u1 $0x1  }
0x37: {  	_ =	strace $0x90000059  }
0x38: {  	s0 =	sadd.s32 @!p0 $0x100000, s0;
	[bflag:$0x2] =	sbarrier.arrive $0xFFFF  }
0x39: {  	[sflag:s0] =	ssyncadd.tile.s32 @!p0 $0x1;
	s0 =	simm.s32 @!p0 $0x3F  }
0x3a: {  	_ =	swait.ge @!p0 [sflag:s0], s1  }
0x3b: {  	s1 =	ssub.s32 @!p0 $0x0, s1;
	[sflag:s0] =	ssyncset.done @!p0 $0x0  }
0x3c: {  	[sflag:s0] =	ssyncadd.s32 @!p0 s1  }
0x3d: {  	[bflag:$0x3] =	sbarrier.arrive $0xFFFF  }
0x3e: {  	_ =	shalt  }
.Lfunc_end2:
execute1_lowered:
.L_overlay_start_2:
0x3f: {  	(tag) =	ssettag $0x2  }
0x40: {  	s5 =	rddreg [dreg:$0x0]  }
0x41: {  	s0 =	rddreg [dreg:$0x1];
	_ =	strace $0x8000005C;
	s6 =	stileid.u32  }
0x42: {  	s3 =	simm.s32 $0x3E;
	s1 =	sadd.s32 $0x400, s5;
	p0 =	sne.s32 s6, $0x0  }
0x43: {  	[sflag:s3] =	ssyncpa.u1 $0x0;
	s4 =	simm.s32 @!p0 $0x1C3E;
	s2 =	simm.s32 @!p0 $0x0  }
0x44: {  	[spmem:s2], [sflag:s4] =	dma.local @!p0 [hbm:s1], $0x80  }
0x45: {  	s4 =	simm.s32 @!p0 $0x3E  }
0x46: {  	_ =	swait.ge @!p0 [sflag:s4], $0x80  }
0x47: {  	[sflag:s4] =	ssyncset.done @!p0 $0x0  }
0x48: {  	s9 =	simm.s32 $0x160;
	[sflag:s4] =	ssyncadd.s32 @!p0 $0xFFFFFF80  }
0x49: {  	s6 =	smul.u32 $0x24, s6;
	s7 =	sadd.s32 $0xE00, s5;
	[bflag:$0x0] =	sbarrier.arrive $0xFFFF  }
0x4a: {  	s8 =	sadd.s32 $0x6E400, s5;
	[sflag:s3] =	ssyncpa.u1 $0x1;
	s3 =	simm.s32 $0x1  }
0x4b: {  	s5 =	simm.s32 $0x0;
	s4 =	simm.s32 $0x2;
	[sflag:s3] =	ssyncpa.u1 $0x0  }
0x4c: {  	s7 =	sadd.s32 s7, s6;
	(ifvalue) =	ssetifvalue $0x400;
	[sflag:s4] =	ssyncpa.u1 $0x0  }
0x4d: {  	[tilespmem:s9], [sflag:$0x2] =	stream.linear.gather [hbm4b:s7+s5], $0x120, $0x38;
	[tilespmem:$0x4C0] =	vst v63  }
0x4e: {  	s19 =	simm.s32 $0x3A0;
	s6 =	sadd.s32 s8, s6  }
0x4f: {  	[tilespmem:s19], [sflag:$0x2] =	stream.linear.gather [hbm4b:s6+s5], $0x120, $0x38;
	[tilespmem:$0x4C0] =	vst v63  }
0x50: {  	_ =	swait.ge [sflag:s4], $0x240  }
0x51: {  	[sflag:s4] =	ssyncset.done $0x0  }
0x52: {  	[sflag:s4] =	ssyncadd.s32 $0xFFFFFDC0  }
0x53: {  	v0 =	vld.msk [tilespmem:s9+$0x0 ss:$0x1], $0xffff;
	_ =	sdelay $0x4  }
0x54: {  	v0 =	vmin.u32 v0, $0x400;
	_ =	sdelay $0x3  }
0x55: {  	vm0 =	vmmov $0xffff;
	s20 =	simm.s32 $0x170  }
0x56: {  	[spmem:s5] =	stream.indirect_vreg.scatter.add.s32 [tilespmem:s19], [sflag:$0x1], $0x1, v0, vm0, $0x4038;
	[tilespmem:$0x4C0] =	vst v63  }
0x57: {  	v0 =	vld.msk [tilespmem:s20+$0x0 ss:$0x1], $0xffff;
	_ =	sdelay $0x4  }
0x58: {  	v0 =	vmin.u32 v0, $0x400;
	_ =	sdelay $0x3  }
0x59: {  	s21 =	simm.s32 $0x3B0;
	s22 =	simm.s32 $0x180  }
0x5a: {  	[spmem:s5] =	stream.indirect_vreg.scatter.add.s32 [tilespmem:s21], [sflag:$0x1], $0x1, v0, vm0, $0x4038;
	[tilespmem:$0x4C0] =	vst v63  }
0x5b: {  	v0 =	vld.msk [tilespmem:s22+$0x0 ss:$0x1], $0xffff;
	_ =	sdelay $0x4  }
0x5c: {  	v0 =	vmin.u32 v0, $0x400;
	_ =	sdelay $0x3  }
0x5d: {  	s23 =	simm.s32 $0x3C0;
	s24 =	simm.s32 $0x190  }
0x5e: {  	[spmem:s5] =	stream.indirect_vreg.scatter.add.s32 [tilespmem:s23], [sflag:$0x1], $0x1, v0, vm0, $0x4038;
	[tilespmem:$0x4C0] =	vst v63  }
0x5f: {  	v0 =	vld.msk [tilespmem:s24+$0x0 ss:$0x1], $0xffff;
	_ =	sdelay $0x4  }
0x60: {  	v0 =	vmin.u32 v0, $0x400;
	_ =	sdelay $0x3  }
0x61: {  	s25 =	simm.s32 $0x3D0;
	s26 =	simm.s32 $0x1A0  }
0x62: {  	[spmem:s5] =	stream.indirect_vreg.scatter.add.s32 [tilespmem:s25], [sflag:$0x1], $0x1, v0, vm0, $0x4038;
	[tilespmem:$0x4C0] =	vst v63  }
0x63: {  	v0 =	vld.msk [tilespmem:s26+$0x0 ss:$0x1], $0xffff;
	_ =	sdelay $0x4  }
0x64: {  	v0 =	vmin.u32 v0, $0x400;
	_ =	sdelay $0x3  }
0x65: {  	s28 =	simm.s32 $0x3E0;
	s29 =	simm.s32 $0x1B0  }
0x66: {  	[spmem:s5] =	stream.indirect_vreg.scatter.add.s32 [tilespmem:s28], [sflag:$0x1], $0x1, v0, vm0, $0x4038;
	[tilespmem:$0x4C0] =	vst v63  }
0x67: {  	v0 =	vld.msk [tilespmem:s29+$0x0 ss:$0x1], $0xffff;
	_ =	sdelay $0x4  }
0x68: {  	v0 =	vmin.u32 v0, $0x400;
	_ =	sdelay $0x3  }
0x69: {  	s30 =	simm.s32 $0x3F0;
	s31 =	simm.s32 $0x1C0  }
0x6a: {  	[spmem:s5] =	stream.indirect_vreg.scatter.add.s32 [tilespmem:s30], [sflag:$0x1], $0x1, v0, vm0, $0x4038;
	[tilespmem:$0x4C0] =	vst v63  }
0x6b: {  	v0 =	vld.msk [tilespmem:s31+$0x0 ss:$0x1], $0xffff;
	_ =	sdelay $0x4  }
0x6c: {  	v0 =	vmin.u32 v0, $0x400;
	_ =	sdelay $0x3  }
0x6d: {  	s8 =	simm.s32 $0x1D0;
	s7 =	simm.s32 $0x400  }
0x6e: {  	[spmem:s5] =	stream.indirect_vreg.scatter.add.s32 [tilespmem:s7], [sflag:$0x1], $0x1, v0, vm0, $0x4038;
	[tilespmem:$0x4C0] =	vst v63  }
0x6f: {  	v0 =	vld.msk [tilespmem:s8+$0x0 ss:$0x1], $0xffff;
	_ =	sdelay $0x4  }
0x70: {  	v0 =	vmin.u32 v0, $0x400;
	_ =	sdelay $0x3  }
0x71: {  	s10 =	simm.s32 $0x1E0;
	s9 =	simm.s32 $0x410  }
0x72: {  	[spmem:s5] =	stream.indirect_vreg.scatter.add.s32 [tilespmem:s9], [sflag:$0x1], $0x1, v0, vm0, $0x4038;
	[tilespmem:$0x4C0] =	vst v63  }
0x73: {  	v0 =	vld.msk [tilespmem:s10+$0x0 ss:$0x1], $0xffff;
	_ =	sdelay $0x4  }
0x74: {  	v0 =	vmin.u32 v0, $0x400;
	_ =	sdelay $0x3  }
0x75: {  	s11 =	simm.s32 $0x420;
	s12 =	simm.s32 $0x1F0  }
0x76: {  	[spmem:s5] =	stream.indirect_vreg.scatter.add.s32 [tilespmem:s11], [sflag:$0x1], $0x1, v0, vm0, $0x4038;
	[tilespmem:$0x4C0] =	vst v63  }
0x77: {  	v0 =	vld.msk [tilespmem:s12+$0x0 ss:$0x1], $0xffff;
	_ =	sdelay $0x4  }
0x78: {  	v0 =	vmin.u32 v0, $0x400;
	_ =	sdelay $0x3  }
0x79: {  	s13 =	simm.s32 $0x430;
	s14 =	simm.s32 $0x200  }
0x7a: {  	[spmem:s5] =	stream.indirect_vreg.scatter.add.s32 [tilespmem:s13], [sflag:$0x1], $0x1, v0, vm0, $0x4038;
	[tilespmem:$0x4C0] =	vst v63  }
0x7b: {  	v0 =	vld.msk [tilespmem:s14+$0x0 ss:$0x1], $0xffff;
	_ =	sdelay $0x4  }
0x7c: {  	v0 =	vmin.u32 v0, $0x400;
	_ =	sdelay $0x3  }
0x7d: {  	s15 =	simm.s32 $0x440;
	s16 =	simm.s32 $0x210  }
0x7e: {  	[spmem:s5] =	stream.indirect_vreg.scatter.add.s32 [tilespmem:s15], [sflag:$0x1], $0x1, v0, vm0, $0x4038;
	[tilespmem:$0x4C0] =	vst v63  }
0x7f: {  	v0 =	vld.msk [tilespmem:s16+$0x0 ss:$0x1], $0xffff;
	_ =	sdelay $0x4  }
0x80: {  	v0 =	vmin.u32 v0, $0x400;
	_ =	sdelay $0x3  }
0x81: {  	s17 =	simm.s32 $0x450;
	s18 =	simm.s32 $0x220  }
0x82: {  	[spmem:s5] =	stream.indirect_vreg.scatter.add.s32 [tilespmem:s17], [sflag:$0x1], $0x1, v0, vm0, $0x4038;
	[tilespmem:$0x4C0] =	vst v63  }
0x83: {  	v0 =	vld.msk [tilespmem:s18+$0x0 ss:$0x1], $0xffff;
	_ =	sdelay $0x4  }
0x84: {  	v0 =	vmin.u32 v0, $0x400;
	_ =	sdelay $0x3  }
0x85: {  	s19 =	simm.s32 $0x460;
	s20 =	simm.s32 $0x230  }
0x86: {  	[spmem:s5] =	stream.indirect_vreg.scatter.add.s32 [tilespmem:s19], [sflag:$0x1], $0x1, v0, vm0, $0x4038;
	[tilespmem:$0x4C0] =	vst v63  }
0x87: {  	v0 =	vld.msk [tilespmem:s20+$0x0 ss:$0x1], $0xffff;
	_ =	sdelay $0x4  }
0x88: {  	v0 =	vmin.u32 v0, $0x400;
	_ =	sdelay $0x3  }
0x89: {  	s21 =	simm.s32 $0x470;
	s22 =	simm.s32 $0x240  }
0x8a: {  	[spmem:s5] =	stream.indirect_vreg.scatter.add.s32 [tilespmem:s21], [sflag:$0x1], $0x1, v0, vm0, $0x4038;
	[tilespmem:$0x4C0] =	vst v63  }
0x8b: {  	v0 =	vld.msk [tilespmem:s22+$0x0 ss:$0x1], $0xffff;
	_ =	sdelay $0x4  }
0x8c: {  	v0 =	vmin.u32 v0, $0x400;
	_ =	sdelay $0x3  }
0x8d: {  	s23 =	simm.s32 $0x480;
	s24 =	simm.s32 $0x250  }
0x8e: {  	[spmem:s5] =	stream.indirect_vreg.scatter.add.s32 [tilespmem:s23], [sflag:$0x1], $0x1, v0, vm0, $0x4038;
	[tilespmem:$0x4C0] =	vst v63  }
0x8f: {  	v0 =	vld.msk [tilespmem:s24+$0x0 ss:$0x1], $0xffff;
	_ =	sdelay $0x4  }
0x90: {  	v0 =	vmin.u32 v0, $0x400;
	_ =	sdelay $0x3  }
0x91: {  	s25 =	simm.s32 $0x490;
	s26 =	simm.s32 $0x260  }
0x92: {  	[spmem:s5] =	stream.indirect_vreg.scatter.add.s32 [tilespmem:s25], [sflag:$0x1], $0x1, v0, vm0, $0x4038;
	[tilespmem:$0x4C0] =	vst v63  }
0x93: {  	v0 =	vld.msk [tilespmem:s26+$0x0 ss:$0x1], $0xffff;
	_ =	sdelay $0x4  }
0x94: {  	v0 =	vmin.u32 v0, $0x400;
	_ =	sdelay $0x3  }
0x95: {  	s28 =	simm.s32 $0x4A0;
	s29 =	simm.s32 $0x270  }
0x96: {  	[spmem:s5] =	stream.indirect_vreg.scatter.add.s32 [tilespmem:s28], [sflag:$0x1], $0x1, v0, vm0, $0x4038;
	[tilespmem:$0x4C0] =	vst v63  }
0x97: {  	v0 =	vld.msk [tilespmem:s29+$0x0 ss:$0x1], $0xffff;
	_ =	sdelay $0x4  }
0x98: {  	v0 =	vmin.u32 v0, $0x400;
	_ =	sdelay $0x3  }
0x99: {  	s30 =	simm.s32 $0x4B0  }
0x9a: {  	[spmem:s5] =	stream.indirect_vreg.scatter.add.s32 [tilespmem:s30], [sflag:$0x1], $0x1, v0, vm0, $0x4038;
	[tilespmem:$0x4C0] =	vst v63  }
0x9b: {  	_ =	swait.ge [sflag:s3], $0x120  }
0x9c: {  	[sflag:s3] =	ssyncset.done $0x0  }
0x9d: {  	[sflag:s3] =	ssyncadd.s32 $0xFFFFFEE0  }
0x9e: {  	_ =	sfence.sel $0x180000  }
0x9f: {  	[bflag:$0x0] =	sbarrier.arrive $0xFFFF  }
0xa0: {  	[sflag:s4] =	ssyncpa.u1 $0x1  }
0xa1: {  	[sflag:s3] =	ssyncpa.u1 $0x1  }
0xa2: {  	_ =	sfence.stream.spmem  }
0xa3: {  	s31 =	simm.s32 $0x3D;
	[bflag:$0x0] =	sbarrier.arrive $0xFFFF  }
0xa4: {  	s3 =	simm.s32 @p0 $0x3D;
	[sflag:s31] =	ssyncpa.u1 $0x0  }
0xa5: {  	[sflag:s3] =	ssyncpa.u1 @p0 $0x1  }
0xa6: {  	[bflag:$0x0] =	sbarrier.arrive @p0 $0xFFFF  }
0xa7: {  	_ =	strace @p0 $0x9000005C  }
0xa8: {  	s3 =	simm.s32 @!p0 $0x1C3D;
	[bflag:$0x2] =	sbarrier.arrive @p0 $0xFFFF  }
0xa9: {  	[hbm:s1], [sflag:s3] =	dma.local @!p0 [spmem:s2], $0x80  }
0xaa: {  	s1 =	simm.s32 @!p0 $0x3D  }
0xab: {  	_ =	swait.ge @!p0 [sflag:s1], $0x80  }
0xac: {  	[sflag:s1] =	ssyncset.done @!p0 $0x0  }
0xad: {  	[sflag:s1] =	ssyncadd.s32 @!p0 $0xFFFFFF80  }
0xae: {  	[sflag:s1] =	ssyncpa.u1 @!p0 $0x1  }
0xaf: {  	[bflag:$0x0] =	sbarrier.arrive @!p0 $0xFFFF  }
0xb0: {  	_ =	strace @!p0 $0x9000005C  }
0xb1: {  	s0 =	sadd.s32 @!p0 $0x100000, s0;
	[bflag:$0x2] =	sbarrier.arrive @!p0 $0xFFFF  }
0xb2: {  	[sflag:s0] =	ssyncadd.tile.s32 @!p0 $0x1;
	_ =	shalt  }
.Lfunc_end3:
_tile_overlayer_lowered:
.L_overlay_start_3:
0xb3: {  	(tag) =	ssettag $0x3  }
0xb4: {  	s0 =	rddreg [dreg:$0x0];
	s2 =	stileid.u32  }
0xb5: {  	s1 =	rddreg [dreg:$0x1];
	p0 =	sne.s32 s2, $0x0  }
0xb6: {  	s3 =	rddreg [dreg:$0x2];
	[bflag:$0x3] =	sbarrier.arrive $0xFFFF;
	s2 =	simm.s32 @!p0 $0x1C01  }
0xb7: {  	[timem:s3], [sflag:s2] =	dma.local @!p0 [hbm:s0], s1  }
0xb8: {  	s0 =	simm.s32 @!p0 $0x1  }
0xb9: {  	_ =	swait.ge @!p0 [sflag:s0], s1  }
0xba: {  	s1 =	ssub.s32 @!p0 $0x0, s1;
	[sflag:s0] =	ssyncset.done @!p0 $0x0  }
0xbb: {  	[sflag:s0] =	ssyncadd.s32 @!p0 s1  }
0xbc: {  	[bflag:$0x3] =	sbarrier.arrive $0xFFFF  }
0xbd: {  	_ =	shalt  }

// kernel: scatter_offload_async_start.4
scs
__scs_entry_jumppad:
0x0: {  	(pc) =	sbr.rel $0x88, $3  }
0x1: {  	(tag) =	ssettag $0x0;
	lr =	simm.s32 $0x1  }
0x2: {  	[smem:$0x3F9F] =	sst lr;
	_ =	strace $0xD0000000  }
0x3: {  	_ = 	snop  }
0x4: {  	_ = 	snop  }
0x5: {  	_ = 	snop  }
0x6: {  	_ = 	snop  }
0x7: {  	_ = 	snop  }
__scs_overlays_trampoline_lowered:
0x8: {  	[smem:$0x3FAE] =	sst s0  }
0x9: {  	[smem:$0x3FAF] =	sst s1  }
0xa: {  	[smem:$0x3FB0] =	sst s2  }
0xb: {  	[smem:$0x3FB1] =	sst s3  }
0xc: {  	[smem:$0x3FB2] =	sst s4  }
0xd: {  	[smem:$0x3FB3] =	sst s5  }
0xe: {  	[smem:$0x3FB4] =	sst s6  }
0xf: {  	[smem:$0x3FB5] =	sst s7  }
0x10: {  	[smem:$0x3FB6] =	sst s8  }
0x11: {  	[smem:$0x3FB7] =	sst s9;
	s0 =	simm.s32 @!p0 $0x0  }
0x12: {  	s1 =	sld [smem:$0x3F9D];
	s0 =	simm.s32 @p0 $0x1  }
0x13: {  	[smem:$0x3FB8] =	sst s0;
	s0 =	simm.s32 @!p1 $0x0  }
0x14: {  	s2 =	sld [smem:$0x3F9C];
	s0 =	simm.s32 @p1 $0x1  }
0x15: {  	[smem:$0x3FB9] =	sst s0;
	s0 =	simm.s32 @!p2 $0x0  }
0x16: {  	s3 =	sld [smem:$0x3FDB];
	s0 =	simm.s32 @p2 $0x1  }
0x17: {  	s4 =	simm.s32 $0x1BF5;
	[smem:$0x3FBB] =	sst s0  }
0x18: {  	s0 =	sld [smem:$0x3F9E];
	_ =	swait.ge [sflag:s4], $0x0  }
0x19: {  	s7 =	sld [smem:$0x3F9F]  }
0x1a: {  	s8 =	sadd.s32 $0xFFFFE003, lr  }
0x1b: {  	s9 =	sadd.s32 $0xFFFFFEF7, lr;
	s5 =	simm.s32 $0xFFFFFFFF;
	p2 =	slt.u32 s8, $0xFFFFF086  }
0x1c: {  	p1 =	slt.u32 s9, $0xF7A;
	s5 =	simm.s32 @!p2 $0x0  }
0x1d: {  	s5 =	simm.s32 @p1 $0x1;
	p0 =	seq.s32 s7, s2  }
0x1e: {  	s7 =	smul.u32 @!p0 $0xF7A, s2;
	p2 =	seq.s32 @!p0 s5, $0x0  }
0x1f: {  	s9 =	smul.u32 $0xF7A, s1;
	s8 =	simm.s32 @!p0 $0x1BF5;
	p2 =	por !p2, p0  }
0x20: {  	[sflag:s8] =	ssyncset.s32 @!p0 $0xFFFFF086;
	s6 =	sadd.s32 @!p0 s3, s7;
	s7 =	simm.s32 @!p0 $0x108  }
0x21: {  	s3 =	sadd.s32 s3, s9;
	s6 =	sadd.s32 @!p0 $0x88, s6;
	s7 =	simm.s32 @p2 $0x1082  }
0x22: {  	[simem:s7], [sflag:s8] =	dma.local @!p0 [hbm:s6], $0xF7A  }
0x23: {  	s9 =	sor.u32 $0xD0000000, s2;
	s6 =	simm.s32 $0x108;
	_ =	swait.ge @!p0 [sflag:s8], $0x0  }
0x24: {  	s3 =	sadd.s32 $0x88, s3;
	s6 =	simm.s32 @!p1 $0x1082;
	[sflag:s4] =	ssyncset.s32 $0xFFFFF086  }
0x25: {  	[simem:s6], [sflag:s4] =	dma.local [hbm:s3], $0xF7A  }
0x26: {  	[smem:$0x3F9F] =	sst s1;
	(tag) =	ssettag s2;
	_ =	strace s9  }
0x27: {  	s1 =	sld [smem:$0x3FAF]  }
0x28: {  	s2 =	sld [smem:$0x3FB0]  }
0x29: {  	s4 =	sld [smem:$0x3FB2]  }
0x2a: {  	p0 =	seq.s32 s5, $0x0;
	s5 =	sld [smem:$0x3FB3]  }
0x2b: {  	s6 =	sld [smem:$0x3FB4]  }
0x2c: {  	s7 =	sld [smem:$0x3FB5]  }
0x2d: {  	s3 =	simm.s32 $0x108;
	s8 =	sld [smem:$0x3FB6]  }
0x2e: {  	s3 =	simm.s32 @!p0 $0x1082;
	s9 =	sld [smem:$0x3FB7]  }
0x2f: {  	lr =	sadd.s32 s0, s3;
	s0 =	sld [smem:$0x3FAE]  }
0x30: {  	s3 =	sld [smem:$0x3FB1]  }
0x31: {  	[smem:$0x3FBA] =	sst s10  }
0x32: {  	s10 =	sld [smem:$0x3FB8];
	_ =	sdelay $0x3  }
0x33: {  	p0 =	seq.s32 s10, $0x1;
	s10 =	sld [smem:$0x3FBA];
	_ =	sdelay $0x3  }
0x34: {  	[smem:$0x3FBA] =	sst s10  }
0x35: {  	s10 =	sld [smem:$0x3FB9];
	_ =	sdelay $0x3  }
0x36: {  	p1 =	seq.s32 s10, $0x1;
	s10 =	sld [smem:$0x3FBA];
	_ =	sdelay $0x3  }
0x37: {  	[smem:$0x3FBA] =	sst s10  }
0x38: {  	s10 =	sld [smem:$0x3FBB]  }
0x39: {  	_ = 	snop;
	(pc) =	sbr.ind lr, $3  }
0x3a: {  	_ = 	snop  }
0x3b: {  	_ = 	snop  }
0x3c: {  	p2 =	seq.s32 s10, $0x1;
	s10 =	sld [smem:$0x3FBA]  }
0x3d: {  	_ =	shalt  }
0x3e: {  	_ =	shalt  }
0x3f: {  	_ =	shalt  }
0x40: {  	_ =	shalt  }
0x41: {  	_ =	shalt  }
0x42: {  	_ =	shalt  }
0x43: {  	_ =	shalt  }
0x44: {  	_ =	shalt  }
0x45: {  	_ =	shalt  }
0x46: {  	_ =	shalt  }
0x47: {  	_ =	shalt  }
0x48: {  	_ =	shalt  }
0x49: {  	_ =	shalt  }
0x4a: {  	_ =	shalt  }
0x4b: {  	_ =	shalt  }
0x4c: {  	_ =	shalt  }
0x4d: {  	_ =	shalt  }
0x4e: {  	_ =	shalt  }
0x4f: {  	_ =	shalt  }
0x50: {  	_ =	shalt  }
0x51: {  	_ =	shalt  }
0x52: {  	_ =	shalt  }
0x53: {  	_ =	shalt  }
0x54: {  	_ =	shalt  }
0x55: {  	_ =	shalt  }
0x56: {  	_ =	shalt  }
0x57: {  	_ =	shalt  }
0x58: {  	_ =	shalt  }
0x59: {  	_ =	shalt  }
0x5a: {  	_ =	shalt  }
0x5b: {  	_ =	shalt  }
0x5c: {  	_ =	shalt  }
0x5d: {  	_ =	shalt  }
0x5e: {  	_ =	shalt  }
0x5f: {  	_ =	shalt  }
0x60: {  	_ =	shalt  }
0x61: {  	_ =	shalt  }
0x62: {  	_ =	shalt  }
0x63: {  	_ =	shalt  }
0x64: {  	_ =	shalt  }
0x65: {  	_ =	shalt  }
0x66: {  	_ =	shalt  }
0x67: {  	_ =	shalt  }
0x68: {  	_ =	shalt  }
0x69: {  	_ =	shalt  }
0x6a: {  	_ =	shalt  }
0x6b: {  	_ =	shalt  }
0x6c: {  	_ =	shalt  }
0x6d: {  	_ =	shalt  }
0x6e: {  	_ =	shalt  }
0x6f: {  	_ =	shalt  }
0x70: {  	_ =	shalt  }
0x71: {  	_ =	shalt  }
0x72: {  	_ =	shalt  }
0x73: {  	_ =	shalt  }
0x74: {  	_ =	shalt  }
0x75: {  	_ =	shalt  }
0x76: {  	_ =	shalt  }
0x77: {  	_ =	shalt  }
0x78: {  	_ =	shalt  }
0x79: {  	_ =	shalt  }
0x7a: {  	_ =	shalt  }
0x7b: {  	_ =	shalt  }
0x7c: {  	_ =	shalt  }
0x7d: {  	_ =	shalt  }
0x7e: {  	_ =	shalt  }
0x7f: {  	_ =	shalt  }
0x80: {  	_ =	shalt  }
0x81: {  	_ =	shalt  }
0x82: {  	_ =	shalt  }
0x83: {  	_ =	shalt  }
0x84: {  	_ =	shalt  }
0x85: {  	_ =	shalt  }
0x86: {  	_ =	shalt  }
0x87: {  	_ =	shalt  }
.Lfunc_end0:
.L_simem_size_0:
called_computation.4_lowered:
.L_overlay_start_0:
0x88: {  	s0 =	sld [smem:$0x3FD9]  }
0x89: {  	s1 =	sld [smem:$0x3FFE];
	_ =	sdelay $0x3  }
0x8a: {  	s0 =	sadd.s32 s1, s0  }
0x8b: {  	[smem:$0x3FC6] =	sst s0  }
0x8c: {  	_ = 	snop  }
0x8d: {  	(tm) =	ssettm $0x1  }
0x8e: {  	s14 =	sld [smem:$0x3FFB];
	_ =	sdelay $0x3  }
0x8f: {  	_ =	strace s14  }
0x90: {  	s0 =	sld [smem:$0x3FFC];
	_ =	sdelay $0x3  }
0x91: {  	_ =	strace s0  }
0x92: {  	s0 =	sld [smem:$0x3FFD];
	_ =	sdelay $0x3  }
0x93: {  	_ =	strace s0  }
0x94: {  	_ =	strace $0x8FFFFFFF  }
0x95: {  	s15 =	sld [smem:$0x3FDB];
	_ =	sdelay $0x1  }
0x96: {  	s16 =	simm.s32 $_scs_section_size  }
0x97: {  	s2 =	simm.s32 $_size__tile_overlayer_lowered;
	s3 =	simm.s32 $_tile_overlayer_lowered  }
0x98: {  	s4 =	simm.s32 $0x1BFF;
	s17 =	sshll.u32 s3, $0x1;
	s1 =	sadd.s32 s16, s15  }
0x99: {  	s18 =	simm.s32 $0x0;
	s2 =	sshll.u32 s2, $0x1;
	s3 =	sadd.s32 s17, s1  }
0x9a: {  	[timem:s18], [sflag:s4] =	dma.local [hbm:s3], s2  }
0x9b: {  	_ =	swait.ge [sflag:s4], s2  }
0x9c: {  	s2 =	ssub.s32 $0x0, s2;
	[sflag:s4] =	ssyncset.done $0x0  }
0x9d: {  	[sflag:s4] =	ssyncadd.s32 s2;
	_ =	sdelay $0x1  }
0x9e: {  	s19 =	simm.s32 $0x1B8B  }
0x9f: {  	_ =	swait.ge [sflag:s19], $0x1  }
0xa0: {  	[sflag:s19] =	ssyncset.done $0x0  }
0xa1: {  	s21 =	simm.s32 $0x1B8E;
	s20 =	sld [smem:$0x3FFE];
	[sflag:s19] =	ssyncadd.s32 $0xFFFFFFFF  }
0xa2: {  	s22 =	simm.s32 $execute0_lowered;
	[smem:$0x3FD2] =	sst s21  }
0xa3: {  	s3 =	sshll.u32 s22, $0x1;
	_ =	strace $0x8000005E;
	[dreg:$0x1] =	wrdreg $0xFFFFFFFF  }
0xa4: {  	s23 =	simm.s32 $_size_execute0_lowered;
	s3 =	sadd.s32 s1, s3;
	[dreg:$0x0] =	wrdreg $0x0  }
0xa5: {  	s4 =	sshll.u32 s23, $0x1;
	[dreg:$0x2] =	wrdreg s3  }
0xa6: {  	[dreg:$0x3] =	wrdreg s4  }
0xa7: {  	[dreg:$0x4] =	wrdreg $0xC0  }
0xa8: {  	s24 =	simm.s32 $execute1_lowered;
	_ =	task [dreg:s18], $0x5FFFF  }
0xa9: {  	s3 =	sshll.u32 s24, $0x1;
	[dreg:$0x1] =	wrdreg $0xFFFFFFFF  }
0xaa: {  	s1 =	sadd.s32 s1, s3;
	[dreg:$0x0] =	wrdreg $0x60  }
0xab: {  	[dreg:$0x2] =	wrdreg s1  }
0xac: {  	[dreg:$0x3] =	wrdreg s20  }
0xad: {  	[dreg:$0x4] =	wrdreg $0x9  }
0xae: {  	_ =	task.clear_ibuf [dreg:s18], $0x5FFFF;
	_ =	strace $0x9000005E  }
0xaf: {  	s25 =	simm.s32 $0x9;
	_ =	strace $0x80000060  }
0xb0: {  	_ =	swait.ge [sflag:s25], $0x1  }
0xb1: {  	[sflag:s25] =	ssyncadd.s32 $0xFFFFFFFF  }
0xb2: {  	_ =	strace $0x90000060  }
0xb3: {  	_ =	strace $0x80000061;
	[dreg:$0x1] =	wrdreg $0xFFFFFFFF  }
0xb4: {  	[dreg:$0x0] =	wrdreg $0x2030  }
0xb5: {  	[dreg:$0x2] =	wrdreg s20  }
0xb6: {  	[dreg:$0x3] =	wrdreg $0xA  }
0xb7: {  	_ =	task.clear_ibuf [dreg:s18], $0x4FFFF;
	_ =	strace $0x90000061  }
0xb8: {  	s26 =	simm.s32 $0xA;
	_ =	strace $0x80000063  }
0xb9: {  	_ =	swait.ge [sflag:s26], $0x1  }
0xba: {  	[sflag:s26] =	ssyncadd.s32 $0xFFFFFFFF  }
0xbb: {  	_ =	strace $0x90000063  }
0xbc: {  	_ =	sfence  }
0xbd: {  	s28 =	sld [smem:$0x0];
	_ =	sdelay $0x1  }
0xbe: {  	s29 =	srdreg.scid  }
0xbf: {  	s30 =	sshll.u32 s29, $0xD;
	s31 =	sshrl.u32 s29, $0x2  }
0xc0: {  	s2 =	sand.u32 $0x1, s29;
	s3 =	sand.u32 $0x4000, s30;
	s1 =	sadd.s32 s31, s28  }
0xc1: {  	s2 =	sor.u32 s3, s2;
	s1 =	sshll.u32 s1, $0x11  }
0xc2: {  	s1 =	sor.u32 s1, s2  }
0xc3: {  	s1 =	sadd.s32 $0x8F2B, s1  }
0xc4: {  	[sflag:s1] =	ssyncadd.remote.s32 $0x1  }
0xc5: {  	_ =	sfence.sel $0xFFFF  }
0xc6: {  	[dreg:$0x0] =	wrdreg $0xFFFFFFFF;
	(pc) =	sbr.abs _section_cstart, $3  }
0xc7: {  	[dreg:$0x1] =	wrdreg $0xFFFFFFFF  }
0xc8: {  	_ =	task.clear_ibuf [dreg:s18], $0x2FFFF;
	_ =	strace $0x9FFFFFFF  }
0xc9: {  	(tm) =	ssettm $0x7FFFFFFF  }
tec
execute0_lowered:
.L_overlay_start_1:
0x0: {  	(tag) =	ssettag $0x1  }
0x1: {  	s2 =	rddreg [dreg:$0x0]  }
0x2: {  	s8 =	rddreg [dreg:$0x1]  }
0x3: {  	s0 =	rddreg [dreg:$0x2];
	s3 =	stileid.u32  }
0x4: {  	[bflag:$0x3] =	sbarrier.arrive $0xFFFF;
	s1 =	simm.s32 $_size_execute1_lowered;
	p0 =	sne.s32 s3, $0x0  }
0x5: {  	s1 =	sshll.u32 s1, $0x1;
	s4 =	simm.s32 @!p0 $0x1C3F;
	s5 =	simm.s32 @!p0 $0x4060  }
0x6: {  	[timem:s5], [sflag:s4] =	dma.local @!p0 [hbm:s2], s1  }
0x7: {  	s4 =	sshll.u32 s3, $0x6  }
0x8: {  	s29 =	ssub.s32 $0x400, s4  }
0x9: {  	s6 =	simm.s32 $0x1;
	s30 =	sshll.u32 s3, $0x3;
	s31 =	sand.u32 $0x3C0, s29  }
0xa: {  	s7 =	sadd.s32 s30, s8;
	s2 =	simm.s32 $0x1;
	p1 =	sne.s32 s31, $0x0  }
0xb: {  	s3 =	simm.s32 $0x2;
	s5 =	sshrl.u32 s29, $0xA;
	s6 =	simm.s32 @!p1 $0x0  }
0xc: {  	s7 =	sadd.s32 $0x6E800, s7;
	_ =	strace $0x8000005F;
	s5 =	sadd.s32 s6, s5  }
0xd: {  	[sflag:s2] =	ssyncpa.u1 $0x0;
	s6 =	simm.s32 $0x0;
	p2 =	sle.u32 s5, $0x0  }
0xe: {  	[sflag:s3] =	ssyncpa.u1 $0x0;
	p1 =	sle.u32 s5, $0xFFFFFFFF;
	s9 =	sxor.u32 @!p2 $0xFFFFFFFF, s6  }
0xf: {  	s10 =	simm.s32 @!p1 $0x1;
	s11 =	simm.s32 @!p2 $0x0;
	s9 =	sand.u32 @!p2 $0x40, s9  }
0x10: {  	[tilespmem:s9], [sflag:$0x1] =	stream.linear.gather @!p2 [hbm4b:s7+s11], $0x40, $0x38;
	[tilespmem:$0x100] =	vst v63  }
0x11: {  	_ =	swait.ge @!p1 [sflag:s10], $0x40  }
0x12: {  	[sflag:s10] =	ssyncset.done @!p1 $0x0  }
0x13: {  	s12 =	sand.u32 @!p1 $0x40, s6;
	s9 =	sadd.s32 $0x1, s5;
	[sflag:s10] =	ssyncadd.s32 @!p1 $0xFFFFFFC0  }
0x14: {  	p3 =	sne.s32 s9, $0x0;
	v3 =	vld @!p1 [tilespmem:s12+$0x30]  }
.Ltmp0:
0x15: {  	_ = 	snop;
	(pc) =	sbr.rel @!p3 .LBB2_2-.Ltmp0, $4  }
0x16: {  	v2 =	vld @!p1 [tilespmem:s12+$0x20]  }
0x17: {  	p6 =	por $0x1, $0x1;
	v1 =	vld @!p1 [tilespmem:s12+$0x0]  }
0x18: {  	s8 =	sadd.s32 $0x600, s8;
	s14 =	sor.u32 @!p1 $0x80, s12;
	p2 =	por p6, p6;
	v0 =	vld @!p1 [tilespmem:s12+$0x10]  }
0x19: {  	s11 =	sadd.s32 @!p1 $0x0, s8;
	s13 =	simm.s32 @!p2 $0x2;
	s10 =	simm.s32 $0x1;
	[tilespmem:s12+$0xB0] =	vst @!p1 v3  }
.LBB2_1:
0x1a: {  	p4 =	slt.u32 s10, $0x2  }
0x1b: {  	p3 =	sne.s32 s10, s9;
	[tilespmem:s12+$0xA0] =	vst @!p1 v2;
	s6 =	sadd.s32 $0x40, s6;
	s15 =	smov.u32 s10  }
0x1c: {  	s10 =	sadd.s32 $0x1, s10;
	s16 =	simm.s32 @!p1 $0x0;
	p5 =	sge.u32 s15, s5;
	[tilespmem:s12+$0x80] =	vst @!p1 v1  }
0x1d: {  	s15 =	sadd.s32 $0xFFFFFFFF, s15;
	s17 =	sxor.u32 @!p5 $0xFFFFFFFF, s6;
	[tilespmem:s12+$0x90] =	vst @!p1 v0  }
0x1e: {  	[hbm4b:s11+s16] =	stream.linear.scatter @!p1 [tilespmem:s14], [sflag:$0x2], $0x40, $0x38;
	[tilespmem:$0x100] =	vst v63  }
0x1f: {  	s12 =	sand.u32 @!p5 $0x40, s17;
	p1 =	sge.u32 s15, s5;
	_ =	swait.ge @!p2 [sflag:s13], $0x40  }
0x20: {  	s14 =	simm.s32 @!p1 $0x1;
	s11 =	sshrl.u32 @!p1 s4, $0x3;
	[sflag:s13] =	ssyncset.done @!p2 $0x0  }
0x21: {  	s15 =	simm.s32 @!p5 $0x0;
	s11 =	sadd.s32 @!p1 s8, s11;
	[sflag:s13] =	ssyncadd.s32 @!p2 $0xFFFFFFC0  }
0x22: {  	[tilespmem:s12], [sflag:$0x1] =	stream.linear.gather @!p5 [hbm4b:s7+s15], $0x40, $0x38;
	[tilespmem:$0x100] =	vst v63  }
0x23: {  	p2 =	por p4, p4;
	_ =	swait.ge @!p1 [sflag:s14], $0x40  }
0x24: {  	[sflag:s14] =	ssyncset.done @!p1 $0x0  }
0x25: {  	s12 =	sand.u32 @!p1 $0x40, s6;
	[sflag:s14] =	ssyncadd.s32 @!p1 $0xFFFFFFC0  }
0x26: {  	s14 =	sor.u32 @!p1 $0x80, s12;
	v3 =	vld @!p1 [tilespmem:s12+$0x30]  }
.Ltmp1:
0x27: {  	v2 =	vld @!p1 [tilespmem:s12+$0x20];
	(pc) =	sbr.rel @p3 .LBB2_1-.Ltmp1, $3  }
0x28: {  	v1 =	vld @!p1 [tilespmem:s12+$0x0]  }
0x29: {  	v0 =	vld @!p1 [tilespmem:s12+$0x10];
	_ =	sdelay $0x1  }
0x2a: {  	s13 =	simm.s32 @!p2 $0x2;
	[tilespmem:s12+$0xB0] =	vst @!p1 v3  }
.LBB2_2:
0x2b: {  	_ = 	snop  }
0x2c: {  	[tilespmem:s12+$0xA0] =	vst @!p1 v2  }
0x2d: {  	[tilespmem:s12+$0x80] =	vst @!p1 v1  }
0x2e: {  	s4 =	simm.s32 @!p1 $0x0;
	[tilespmem:s12+$0x90] =	vst @!p1 v0  }
0x2f: {  	[hbm4b:s11+s4] =	stream.linear.scatter @!p1 [tilespmem:s14], [sflag:$0x2], $0x40, $0x38;
	[tilespmem:$0x100] =	vst v63  }
0x30: {  	_ =	swait.ge @!p2 [sflag:s13], $0x40  }
0x31: {  	[sflag:s13] =	ssyncset.done @!p2 $0x0  }
0x32: {  	[sflag:s13] =	ssyncadd.s32 @!p2 $0xFFFFFFC0  }
0x33: {  	_ =	sfence.sel $0x180000  }
0x34: {  	[bflag:$0x0] =	sbarrier.arrive $0xFFFF  }
0x35: {  	[sflag:s2] =	ssyncpa.u1 $0x1  }
0x36: {  	[sflag:s3] =	ssyncpa.u1 $0x1  }
0x37: {  	_ =	strace $0x9000005F  }
0x38: {  	s0 =	sadd.s32 @!p0 $0x100000, s0;
	[bflag:$0x2] =	sbarrier.arrive $0xFFFF  }
0x39: {  	[sflag:s0] =	ssyncadd.tile.s32 @!p0 $0x1;
	s0 =	simm.s32 @!p0 $0x3F  }
0x3a: {  	_ =	swait.ge @!p0 [sflag:s0], s1  }
0x3b: {  	s1 =	ssub.s32 @!p0 $0x0, s1;
	[sflag:s0] =	ssyncset.done @!p0 $0x0  }
0x3c: {  	[sflag:s0] =	ssyncadd.s32 @!p0 s1  }
0x3d: {  	[bflag:$0x3] =	sbarrier.arrive $0xFFFF  }
0x3e: {  	_ =	shalt  }
.Lfunc_end2:
execute1_lowered:
.L_overlay_start_2:
0x3f: {  	(tag) =	ssettag $0x2  }
0x40: {  	s5 =	rddreg [dreg:$0x0]  }
0x41: {  	s0 =	rddreg [dreg:$0x1];
	_ =	strace $0x80000062;
	s6 =	stileid.u32  }
0x42: {  	s3 =	simm.s32 $0x3E;
	s1 =	sadd.s32 $0x600, s5;
	p0 =	sne.s32 s6, $0x0  }
0x43: {  	[sflag:s3] =	ssyncpa.u1 $0x0;
	s4 =	simm.s32 @!p0 $0x1C3E;
	s2 =	simm.s32 @!p0 $0x0  }
0x44: {  	[spmem:s2], [sflag:s4] =	dma.local @!p0 [hbm:s1], $0x80  }
0x45: {  	s4 =	simm.s32 @!p0 $0x3E  }
0x46: {  	_ =	swait.ge @!p0 [sflag:s4], $0x80  }
0x47: {  	[sflag:s4] =	ssyncset.done @!p0 $0x0  }
0x48: {  	s9 =	simm.s32 $0x160;
	[sflag:s4] =	ssyncadd.s32 @!p0 $0xFFFFFF80  }
0x49: {  	s6 =	smul.u32 $0x24, s6;
	s7 =	sadd.s32 $0x25400, s5;
	[bflag:$0x0] =	sbarrier.arrive $0xFFFF  }
0x4a: {  	s8 =	sadd.s32 $0x6E400, s5;
	[sflag:s3] =	ssyncpa.u1 $0x1;
	s3 =	simm.s32 $0x1  }
0x4b: {  	s5 =	simm.s32 $0x0;
	s4 =	simm.s32 $0x2;
	[sflag:s3] =	ssyncpa.u1 $0x0  }
0x4c: {  	s7 =	sadd.s32 s7, s6;
	(ifvalue) =	ssetifvalue $0x400;
	[sflag:s4] =	ssyncpa.u1 $0x0  }
0x4d: {  	[tilespmem:s9], [sflag:$0x2] =	stream.linear.gather [hbm4b:s7+s5], $0x120, $0x38;
	[tilespmem:$0x4C0] =	vst v63  }
0x4e: {  	s19 =	simm.s32 $0x3A0;
	s6 =	sadd.s32 s8, s6  }
0x4f: {  	[tilespmem:s19], [sflag:$0x2] =	stream.linear.gather [hbm4b:s6+s5], $0x120, $0x38;
	[tilespmem:$0x4C0] =	vst v63  }
0x50: {  	_ =	swait.ge [sflag:s4], $0x240  }
0x51: {  	[sflag:s4] =	ssyncset.done $0x0  }
0x52: {  	[sflag:s4] =	ssyncadd.s32 $0xFFFFFDC0  }
0x53: {  	v0 =	vld.msk [tilespmem:s9+$0x0 ss:$0x1], $0xffff;
	_ =	sdelay $0x4  }
0x54: {  	v0 =	vmin.u32 v0, $0x400;
	_ =	sdelay $0x3  }
0x55: {  	vm0 =	vmmov $0xffff;
	s20 =	simm.s32 $0x170  }
0x56: {  	[spmem:s5] =	stream.indirect_vreg.scatter.add.s32 [tilespmem:s19], [sflag:$0x1], $0x1, v0, vm0, $0x4038;
	[tilespmem:$0x4C0] =	vst v63  }
0x57: {  	v0 =	vld.msk [tilespmem:s20+$0x0 ss:$0x1], $0xffff;
	_ =	sdelay $0x4  }
0x58: {  	v0 =	vmin.u32 v0, $0x400;
	_ =	sdelay $0x3  }
0x59: {  	s21 =	simm.s32 $0x3B0;
	s22 =	simm.s32 $0x180  }
0x5a: {  	[spmem:s5] =	stream.indirect_vreg.scatter.add.s32 [tilespmem:s21], [sflag:$0x1], $0x1, v0, vm0, $0x4038;
	[tilespmem:$0x4C0] =	vst v63  }
0x5b: {  	v0 =	vld.msk [tilespmem:s22+$0x0 ss:$0x1], $0xffff;
	_ =	sdelay $0x4  }
0x5c: {  	v0 =	vmin.u32 v0, $0x400;
	_ =	sdelay $0x3  }
0x5d: {  	s23 =	simm.s32 $0x3C0;
	s24 =	simm.s32 $0x190  }
0x5e: {  	[spmem:s5] =	stream.indirect_vreg.scatter.add.s32 [tilespmem:s23], [sflag:$0x1], $0x1, v0, vm0, $0x4038;
	[tilespmem:$0x4C0] =	vst v63  }
0x5f: {  	v0 =	vld.msk [tilespmem:s24+$0x0 ss:$0x1], $0xffff;
	_ =	sdelay $0x4  }
0x60: {  	v0 =	vmin.u32 v0, $0x400;
	_ =	sdelay $0x3  }
0x61: {  	s25 =	simm.s32 $0x3D0;
	s26 =	simm.s32 $0x1A0  }
0x62: {  	[spmem:s5] =	stream.indirect_vreg.scatter.add.s32 [tilespmem:s25], [sflag:$0x1], $0x1, v0, vm0, $0x4038;
	[tilespmem:$0x4C0] =	vst v63  }
0x63: {  	v0 =	vld.msk [tilespmem:s26+$0x0 ss:$0x1], $0xffff;
	_ =	sdelay $0x4  }
0x64: {  	v0 =	vmin.u32 v0, $0x400;
	_ =	sdelay $0x3  }
0x65: {  	s28 =	simm.s32 $0x3E0;
	s29 =	simm.s32 $0x1B0  }
0x66: {  	[spmem:s5] =	stream.indirect_vreg.scatter.add.s32 [tilespmem:s28], [sflag:$0x1], $0x1, v0, vm0, $0x4038;
	[tilespmem:$0x4C0] =	vst v63  }
0x67: {  	v0 =	vld.msk [tilespmem:s29+$0x0 ss:$0x1], $0xffff;
	_ =	sdelay $0x4  }
0x68: {  	v0 =	vmin.u32 v0, $0x400;
	_ =	sdelay $0x3  }
0x69: {  	s30 =	simm.s32 $0x3F0;
	s31 =	simm.s32 $0x1C0  }
0x6a: {  	[spmem:s5] =	stream.indirect_vreg.scatter.add.s32 [tilespmem:s30], [sflag:$0x1], $0x1, v0, vm0, $0x4038;
	[tilespmem:$0x4C0] =	vst v63  }
0x6b: {  	v0 =	vld.msk [tilespmem:s31+$0x0 ss:$0x1], $0xffff;
	_ =	sdelay $0x4  }
0x6c: {  	v0 =	vmin.u32 v0, $0x400;
	_ =	sdelay $0x3  }
0x6d: {  	s8 =	simm.s32 $0x1D0;
	s7 =	simm.s32 $0x400  }
0x6e: {  	[spmem:s5] =	stream.indirect_vreg.scatter.add.s32 [tilespmem:s7], [sflag:$0x1], $0x1, v0, vm0, $0x4038;
	[tilespmem:$0x4C0] =	vst v63  }
0x6f: {  	v0 =	vld.msk [tilespmem:s8+$0x0 ss:$0x1], $0xffff;
	_ =	sdelay $0x4  }
0x70: {  	v0 =	vmin.u32 v0, $0x400;
	_ =	sdelay $0x3  }
0x71: {  	s10 =	simm.s32 $0x1E0;
	s9 =	simm.s32 $0x410  }
0x72: {  	[spmem:s5] =	stream.indirect_vreg.scatter.add.s32 [tilespmem:s9], [sflag:$0x1], $0x1, v0, vm0, $0x4038;
	[tilespmem:$0x4C0] =	vst v63  }
0x73: {  	v0 =	vld.msk [tilespmem:s10+$0x0 ss:$0x1], $0xffff;
	_ =	sdelay $0x4  }
0x74: {  	v0 =	vmin.u32 v0, $0x400;
	_ =	sdelay $0x3  }
0x75: {  	s11 =	simm.s32 $0x420;
	s12 =	simm.s32 $0x1F0  }
0x76: {  	[spmem:s5] =	stream.indirect_vreg.scatter.add.s32 [tilespmem:s11], [sflag:$0x1], $0x1, v0, vm0, $0x4038;
	[tilespmem:$0x4C0] =	vst v63  }
0x77: {  	v0 =	vld.msk [tilespmem:s12+$0x0 ss:$0x1], $0xffff;
	_ =	sdelay $0x4  }
0x78: {  	v0 =	vmin.u32 v0, $0x400;
	_ =	sdelay $0x3  }
0x79: {  	s13 =	simm.s32 $0x430;
	s14 =	simm.s32 $0x200  }
0x7a: {  	[spmem:s5] =	stream.indirect_vreg.scatter.add.s32 [tilespmem:s13], [sflag:$0x1], $0x1, v0, vm0, $0x4038;
	[tilespmem:$0x4C0] =	vst v63  }
0x7b: {  	v0 =	vld.msk [tilespmem:s14+$0x0 ss:$0x1], $0xffff;
	_ =	sdelay $0x4  }
0x7c: {  	v0 =	vmin.u32 v0, $0x400;
	_ =	sdelay $0x3  }
0x7d: {  	s15 =	simm.s32 $0x440;
	s16 =	simm.s32 $0x210  }
0x7e: {  	[spmem:s5] =	stream.indirect_vreg.scatter.add.s32 [tilespmem:s15], [sflag:$0x1], $0x1, v0, vm0, $0x4038;
	[tilespmem:$0x4C0] =	vst v63  }
0x7f: {  	v0 =	vld.msk [tilespmem:s16+$0x0 ss:$0x1], $0xffff;
	_ =	sdelay $0x4  }
0x80: {  	v0 =	vmin.u32 v0, $0x400;
	_ =	sdelay $0x3  }
0x81: {  	s17 =	simm.s32 $0x450;
	s18 =	simm.s32 $0x220  }
0x82: {  	[spmem:s5] =	stream.indirect_vreg.scatter.add.s32 [tilespmem:s17], [sflag:$0x1], $0x1, v0, vm0, $0x4038;
	[tilespmem:$0x4C0] =	vst v63  }
0x83: {  	v0 =	vld.msk [tilespmem:s18+$0x0 ss:$0x1], $0xffff;
	_ =	sdelay $0x4  }
0x84: {  	v0 =	vmin.u32 v0, $0x400;
	_ =	sdelay $0x3  }
0x85: {  	s19 =	simm.s32 $0x460;
	s20 =	simm.s32 $0x230  }
0x86: {  	[spmem:s5] =	stream.indirect_vreg.scatter.add.s32 [tilespmem:s19], [sflag:$0x1], $0x1, v0, vm0, $0x4038;
	[tilespmem:$0x4C0] =	vst v63  }
0x87: {  	v0 =	vld.msk [tilespmem:s20+$0x0 ss:$0x1], $0xffff;
	_ =	sdelay $0x4  }
0x88: {  	v0 =	vmin.u32 v0, $0x400;
	_ =	sdelay $0x3  }
0x89: {  	s21 =	simm.s32 $0x470;
	s22 =	simm.s32 $0x240  }
0x8a: {  	[spmem:s5] =	stream.indirect_vreg.scatter.add.s32 [tilespmem:s21], [sflag:$0x1], $0x1, v0, vm0, $0x4038;
	[tilespmem:$0x4C0] =	vst v63  }
0x8b: {  	v0 =	vld.msk [tilespmem:s22+$0x0 ss:$0x1], $0xffff;
	_ =	sdelay $0x4  }
0x8c: {  	v0 =	vmin.u32 v0, $0x400;
	_ =	sdelay $0x3  }
0x8d: {  	s23 =	simm.s32 $0x480;
	s24 =	simm.s32 $0x250  }
0x8e: {  	[spmem:s5] =	stream.indirect_vreg.scatter.add.s32 [tilespmem:s23], [sflag:$0x1], $0x1, v0, vm0, $0x4038;
	[tilespmem:$0x4C0] =	vst v63  }
0x8f: {  	v0 =	vld.msk [tilespmem:s24+$0x0 ss:$0x1], $0xffff;
	_ =	sdelay $0x4  }
0x90: {  	v0 =	vmin.u32 v0, $0x400;
	_ =	sdelay $0x3  }
0x91: {  	s25 =	simm.s32 $0x490;
	s26 =	simm.s32 $0x260  }
0x92: {  	[spmem:s5] =	stream.indirect_vreg.scatter.add.s32 [tilespmem:s25], [sflag:$0x1], $0x1, v0, vm0, $0x4038;
	[tilespmem:$0x4C0] =	vst v63  }
0x93: {  	v0 =	vld.msk [tilespmem:s26+$0x0 ss:$0x1], $0xffff;
	_ =	sdelay $0x4  }
0x94: {  	v0 =	vmin.u32 v0, $0x400;
	_ =	sdelay $0x3  }
0x95: {  	s28 =	simm.s32 $0x4A0;
	s29 =	simm.s32 $0x270  }
0x96: {  	[spmem:s5] =	stream.indirect_vreg.scatter.add.s32 [tilespmem:s28], [sflag:$0x1], $0x1, v0, vm0, $0x4038;
	[tilespmem:$0x4C0] =	vst v63  }
0x97: {  	v0 =	vld.msk [tilespmem:s29+$0x0 ss:$0x1], $0xffff;
	_ =	sdelay $0x4  }
0x98: {  	v0 =	vmin.u32 v0, $0x400;
	_ =	sdelay $0x3  }
0x99: {  	s30 =	simm.s32 $0x4B0  }
0x9a: {  	[spmem:s5] =	stream.indirect_vreg.scatter.add.s32 [tilespmem:s30], [sflag:$0x1], $0x1, v0, vm0, $0x4038;
	[tilespmem:$0x4C0] =	vst v63  }
0x9b: {  	_ =	swait.ge [sflag:s3], $0x120  }
0x9c: {  	[sflag:s3] =	ssyncset.done $0x0  }
0x9d: {  	[sflag:s3] =	ssyncadd.s32 $0xFFFFFEE0  }
0x9e: {  	_ =	sfence.sel $0x180000  }
0x9f: {  	[bflag:$0x0] =	sbarrier.arrive $0xFFFF  }
0xa0: {  	[sflag:s4] =	ssyncpa.u1 $0x1  }
0xa1: {  	[sflag:s3] =	ssyncpa.u1 $0x1  }
0xa2: {  	_ =	sfence.stream.spmem  }
0xa3: {  	s31 =	simm.s32 $0x3D;
	[bflag:$0x0] =	sbarrier.arrive $0xFFFF  }
0xa4: {  	s3 =	simm.s32 @p0 $0x3D;
	[sflag:s31] =	ssyncpa.u1 $0x0  }
0xa5: {  	[sflag:s3] =	ssyncpa.u1 @p0 $0x1  }
0xa6: {  	[bflag:$0x0] =	sbarrier.arrive @p0 $0xFFFF  }
0xa7: {  	_ =	strace @p0 $0x90000062  }
0xa8: {  	s3 =	simm.s32 @!p0 $0x1C3D;
	[bflag:$0x2] =	sbarrier.arrive @p0 $0xFFFF  }
0xa9: {  	[hbm:s1], [sflag:s3] =	dma.local @!p0 [spmem:s2], $0x80  }
0xaa: {  	s1 =	simm.s32 @!p0 $0x3D  }
0xab: {  	_ =	swait.ge @!p0 [sflag:s1], $0x80  }
0xac: {  	[sflag:s1] =	ssyncset.done @!p0 $0x0  }
0xad: {  	[sflag:s1] =	ssyncadd.s32 @!p0 $0xFFFFFF80  }
0xae: {  	[sflag:s1] =	ssyncpa.u1 @!p0 $0x1  }
0xaf: {  	[bflag:$0x0] =	sbarrier.arrive @!p0 $0xFFFF  }
0xb0: {  	_ =	strace @!p0 $0x90000062  }
0xb1: {  	s0 =	sadd.s32 @!p0 $0x100000, s0;
	[bflag:$0x2] =	sbarrier.arrive @!p0 $0xFFFF  }
0xb2: {  	[sflag:s0] =	ssyncadd.tile.s32 @!p0 $0x1;
	_ =	shalt  }
.Lfunc_end3:
_tile_overlayer_lowered:
.L_overlay_start_3:
0xb3: {  	(tag) =	ssettag $0x3  }
0xb4: {  	s0 =	rddreg [dreg:$0x0];
	s2 =	stileid.u32  }
0xb5: {  	s1 =	rddreg [dreg:$0x1];
	p0 =	sne.s32 s2, $0x0  }
0xb6: {  	s3 =	rddreg [dreg:$0x2];
	[bflag:$0x3] =	sbarrier.arrive $0xFFFF;
	s2 =	simm.s32 @!p0 $0x1C01  }
0xb7: {  	[timem:s3], [sflag:s2] =	dma.local @!p0 [hbm:s0], s1  }
0xb8: {  	s0 =	simm.s32 @!p0 $0x1  }
0xb9: {  	_ =	swait.ge @!p0 [sflag:s0], s1  }
0xba: {  	s1 =	ssub.s32 @!p0 $0x0, s1;
	[sflag:s0] =	ssyncset.done @!p0 $0x0  }
0xbb: {  	[sflag:s0] =	ssyncadd.s32 @!p0 s1  }
0xbc: {  	[bflag:$0x3] =	sbarrier.arrive $0xFFFF  }
0xbd: {  	_ =	shalt  }

// kernel: scatter_offload_async_start.5
scs
__scs_entry_jumppad:
0x0: {  	(pc) =	sbr.rel $0x88, $3  }
0x1: {  	(tag) =	ssettag $0x0;
	lr =	simm.s32 $0x1  }
0x2: {  	[smem:$0x3F9F] =	sst lr;
	_ =	strace $0xD0000000  }
0x3: {  	_ = 	snop  }
0x4: {  	_ = 	snop  }
0x5: {  	_ = 	snop  }
0x6: {  	_ = 	snop  }
0x7: {  	_ = 	snop  }
__scs_overlays_trampoline_lowered:
0x8: {  	[smem:$0x3FAE] =	sst s0  }
0x9: {  	[smem:$0x3FAF] =	sst s1  }
0xa: {  	[smem:$0x3FB0] =	sst s2  }
0xb: {  	[smem:$0x3FB1] =	sst s3  }
0xc: {  	[smem:$0x3FB2] =	sst s4  }
0xd: {  	[smem:$0x3FB3] =	sst s5  }
0xe: {  	[smem:$0x3FB4] =	sst s6  }
0xf: {  	[smem:$0x3FB5] =	sst s7  }
0x10: {  	[smem:$0x3FB6] =	sst s8  }
0x11: {  	[smem:$0x3FB7] =	sst s9;
	s0 =	simm.s32 @!p0 $0x0  }
0x12: {  	s1 =	sld [smem:$0x3F9D];
	s0 =	simm.s32 @p0 $0x1  }
0x13: {  	[smem:$0x3FB8] =	sst s0;
	s0 =	simm.s32 @!p1 $0x0  }
0x14: {  	s2 =	sld [smem:$0x3F9C];
	s0 =	simm.s32 @p1 $0x1  }
0x15: {  	[smem:$0x3FB9] =	sst s0;
	s0 =	simm.s32 @!p2 $0x0  }
0x16: {  	s3 =	sld [smem:$0x3FDB];
	s0 =	simm.s32 @p2 $0x1  }
0x17: {  	s4 =	simm.s32 $0x1BF5;
	[smem:$0x3FBB] =	sst s0  }
0x18: {  	s0 =	sld [smem:$0x3F9E];
	_ =	swait.ge [sflag:s4], $0x0  }
0x19: {  	s7 =	sld [smem:$0x3F9F]  }
0x1a: {  	s8 =	sadd.s32 $0xFFFFE003, lr  }
0x1b: {  	s9 =	sadd.s32 $0xFFFFFEF7, lr;
	s5 =	simm.s32 $0xFFFFFFFF;
	p2 =	slt.u32 s8, $0xFFFFF086  }
0x1c: {  	p1 =	slt.u32 s9, $0xF7A;
	s5 =	simm.s32 @!p2 $0x0  }
0x1d: {  	s5 =	simm.s32 @p1 $0x1;
	p0 =	seq.s32 s7, s2  }
0x1e: {  	s7 =	smul.u32 @!p0 $0xF7A, s2;
	p2 =	seq.s32 @!p0 s5, $0x0  }
0x1f: {  	s9 =	smul.u32 $0xF7A, s1;
	s8 =	simm.s32 @!p0 $0x1BF5;
	p2 =	por !p2, p0  }
0x20: {  	[sflag:s8] =	ssyncset.s32 @!p0 $0xFFFFF086;
	s6 =	sadd.s32 @!p0 s3, s7;
	s7 =	simm.s32 @!p0 $0x108  }
0x21: {  	s3 =	sadd.s32 s3, s9;
	s6 =	sadd.s32 @!p0 $0x88, s6;
	s7 =	simm.s32 @p2 $0x1082  }
0x22: {  	[simem:s7], [sflag:s8] =	dma.local @!p0 [hbm:s6], $0xF7A  }
0x23: {  	s9 =	sor.u32 $0xD0000000, s2;
	s6 =	simm.s32 $0x108;
	_ =	swait.ge @!p0 [sflag:s8], $0x0  }
0x24: {  	s3 =	sadd.s32 $0x88, s3;
	s6 =	simm.s32 @!p1 $0x1082;
	[sflag:s4] =	ssyncset.s32 $0xFFFFF086  }
0x25: {  	[simem:s6], [sflag:s4] =	dma.local [hbm:s3], $0xF7A  }
0x26: {  	[smem:$0x3F9F] =	sst s1;
	(tag) =	ssettag s2;
	_ =	strace s9  }
0x27: {  	s1 =	sld [smem:$0x3FAF]  }
0x28: {  	s2 =	sld [smem:$0x3FB0]  }
0x29: {  	s4 =	sld [smem:$0x3FB2]  }
0x2a: {  	p0 =	seq.s32 s5, $0x0;
	s5 =	sld [smem:$0x3FB3]  }
0x2b: {  	s6 =	sld [smem:$0x3FB4]  }
0x2c: {  	s7 =	sld [smem:$0x3FB5]  }
0x2d: {  	s3 =	simm.s32 $0x108;
	s8 =	sld [smem:$0x3FB6]  }
0x2e: {  	s3 =	simm.s32 @!p0 $0x1082;
	s9 =	sld [smem:$0x3FB7]  }
0x2f: {  	lr =	sadd.s32 s0, s3;
	s0 =	sld [smem:$0x3FAE]  }
0x30: {  	s3 =	sld [smem:$0x3FB1]  }
0x31: {  	[smem:$0x3FBA] =	sst s10  }
0x32: {  	s10 =	sld [smem:$0x3FB8];
	_ =	sdelay $0x3  }
0x33: {  	p0 =	seq.s32 s10, $0x1;
	s10 =	sld [smem:$0x3FBA];
	_ =	sdelay $0x3  }
0x34: {  	[smem:$0x3FBA] =	sst s10  }
0x35: {  	s10 =	sld [smem:$0x3FB9];
	_ =	sdelay $0x3  }
0x36: {  	p1 =	seq.s32 s10, $0x1;
	s10 =	sld [smem:$0x3FBA];
	_ =	sdelay $0x3  }
0x37: {  	[smem:$0x3FBA] =	sst s10  }
0x38: {  	s10 =	sld [smem:$0x3FBB]  }
0x39: {  	_ = 	snop;
	(pc) =	sbr.ind lr, $3  }
0x3a: {  	_ = 	snop  }
0x3b: {  	_ = 	snop  }
0x3c: {  	p2 =	seq.s32 s10, $0x1;
	s10 =	sld [smem:$0x3FBA]  }
0x3d: {  	_ =	shalt  }
0x3e: {  	_ =	shalt  }
0x3f: {  	_ =	shalt  }
0x40: {  	_ =	shalt  }
0x41: {  	_ =	shalt  }
0x42: {  	_ =	shalt  }
0x43: {  	_ =	shalt  }
0x44: {  	_ =	shalt  }
0x45: {  	_ =	shalt  }
0x46: {  	_ =	shalt  }
0x47: {  	_ =	shalt  }
0x48: {  	_ =	shalt  }
0x49: {  	_ =	shalt  }
0x4a: {  	_ =	shalt  }
0x4b: {  	_ =	shalt  }
0x4c: {  	_ =	shalt  }
0x4d: {  	_ =	shalt  }
0x4e: {  	_ =	shalt  }
0x4f: {  	_ =	shalt  }
0x50: {  	_ =	shalt  }
0x51: {  	_ =	shalt  }
0x52: {  	_ =	shalt  }
0x53: {  	_ =	shalt  }
0x54: {  	_ =	shalt  }
0x55: {  	_ =	shalt  }
0x56: {  	_ =	shalt  }
0x57: {  	_ =	shalt  }
0x58: {  	_ =	shalt  }
0x59: {  	_ =	shalt  }
0x5a: {  	_ =	shalt  }
0x5b: {  	_ =	shalt  }
0x5c: {  	_ =	shalt  }
0x5d: {  	_ =	shalt  }
0x5e: {  	_ =	shalt  }
0x5f: {  	_ =	shalt  }
0x60: {  	_ =	shalt  }
0x61: {  	_ =	shalt  }
0x62: {  	_ =	shalt  }
0x63: {  	_ =	shalt  }
0x64: {  	_ =	shalt  }
0x65: {  	_ =	shalt  }
0x66: {  	_ =	shalt  }
0x67: {  	_ =	shalt  }
0x68: {  	_ =	shalt  }
0x69: {  	_ =	shalt  }
0x6a: {  	_ =	shalt  }
0x6b: {  	_ =	shalt  }
0x6c: {  	_ =	shalt  }
0x6d: {  	_ =	shalt  }
0x6e: {  	_ =	shalt  }
0x6f: {  	_ =	shalt  }
0x70: {  	_ =	shalt  }
0x71: {  	_ =	shalt  }
0x72: {  	_ =	shalt  }
0x73: {  	_ =	shalt  }
0x74: {  	_ =	shalt  }
0x75: {  	_ =	shalt  }
0x76: {  	_ =	shalt  }
0x77: {  	_ =	shalt  }
0x78: {  	_ =	shalt  }
0x79: {  	_ =	shalt  }
0x7a: {  	_ =	shalt  }
0x7b: {  	_ =	shalt  }
0x7c: {  	_ =	shalt  }
0x7d: {  	_ =	shalt  }
0x7e: {  	_ =	shalt  }
0x7f: {  	_ =	shalt  }
0x80: {  	_ =	shalt  }
0x81: {  	_ =	shalt  }
0x82: {  	_ =	shalt  }
0x83: {  	_ =	shalt  }
0x84: {  	_ =	shalt  }
0x85: {  	_ =	shalt  }
0x86: {  	_ =	shalt  }
0x87: {  	_ =	shalt  }
.Lfunc_end0:
.L_simem_size_0:
called_computation.5_lowered:
.L_overlay_start_0:
0x88: {  	s0 =	sld [smem:$0x3FD9]  }
0x89: {  	s1 =	sld [smem:$0x3FFE];
	_ =	sdelay $0x3  }
0x8a: {  	s0 =	sadd.s32 s1, s0  }
0x8b: {  	[smem:$0x3FC6] =	sst s0  }
0x8c: {  	_ = 	snop  }
0x8d: {  	(tm) =	ssettm $0x1  }
0x8e: {  	s14 =	sld [smem:$0x3FFB];
	_ =	sdelay $0x3  }
0x8f: {  	_ =	strace s14  }
0x90: {  	s0 =	sld [smem:$0x3FFC];
	_ =	sdelay $0x3  }
0x91: {  	_ =	strace s0  }
0x92: {  	s0 =	sld [smem:$0x3FFD];
	_ =	sdelay $0x3  }
0x93: {  	_ =	strace s0  }
0x94: {  	_ =	strace $0x8FFFFFFF  }
0x95: {  	s15 =	sld [smem:$0x3FDB];
	_ =	sdelay $0x1  }
0x96: {  	s16 =	simm.s32 $_scs_section_size  }
0x97: {  	s2 =	simm.s32 $_size__tile_overlayer_lowered;
	s3 =	simm.s32 $_tile_overlayer_lowered  }
0x98: {  	s4 =	simm.s32 $0x1BFF;
	s17 =	sshll.u32 s3, $0x1;
	s1 =	sadd.s32 s16, s15  }
0x99: {  	s18 =	simm.s32 $0x0;
	s2 =	sshll.u32 s2, $0x1;
	s3 =	sadd.s32 s17, s1  }
0x9a: {  	[timem:s18], [sflag:s4] =	dma.local [hbm:s3], s2  }
0x9b: {  	_ =	swait.ge [sflag:s4], s2  }
0x9c: {  	s2 =	ssub.s32 $0x0, s2;
	[sflag:s4] =	ssyncset.done $0x0  }
0x9d: {  	[sflag:s4] =	ssyncadd.s32 s2;
	_ =	sdelay $0x1  }
0x9e: {  	s19 =	simm.s32 $0x1B8B  }
0x9f: {  	_ =	swait.ge [sflag:s19], $0x1  }
0xa0: {  	[sflag:s19] =	ssyncset.done $0x0  }
0xa1: {  	s21 =	simm.s32 $0x1B8E;
	s20 =	sld [smem:$0x3FFE];
	[sflag:s19] =	ssyncadd.s32 $0xFFFFFFFF  }
0xa2: {  	s22 =	simm.s32 $execute0_lowered;
	[smem:$0x3FD2] =	sst s21  }
0xa3: {  	s3 =	sshll.u32 s22, $0x1;
	_ =	strace $0x80000064;
	[dreg:$0x1] =	wrdreg $0xFFFFFFFF  }
0xa4: {  	s23 =	simm.s32 $_size_execute0_lowered;
	s3 =	sadd.s32 s1, s3;
	[dreg:$0x0] =	wrdreg $0x0  }
0xa5: {  	s4 =	sshll.u32 s23, $0x1;
	[dreg:$0x2] =	wrdreg s3  }
0xa6: {  	[dreg:$0x3] =	wrdreg s4  }
0xa7: {  	[dreg:$0x4] =	wrdreg $0xC0  }
0xa8: {  	s24 =	simm.s32 $execute1_lowered;
	_ =	task [dreg:s18], $0x5FFFF  }
0xa9: {  	s3 =	sshll.u32 s24, $0x1;
	[dreg:$0x1] =	wrdreg $0xFFFFFFFF  }
0xaa: {  	s1 =	sadd.s32 s1, s3;
	[dreg:$0x0] =	wrdreg $0x60  }
0xab: {  	[dreg:$0x2] =	wrdreg s1  }
0xac: {  	[dreg:$0x3] =	wrdreg s20  }
0xad: {  	[dreg:$0x4] =	wrdreg $0x9  }
0xae: {  	_ =	task.clear_ibuf [dreg:s18], $0x5FFFF;
	_ =	strace $0x90000064  }
0xaf: {  	s25 =	simm.s32 $0x9;
	_ =	strace $0x80000066  }
0xb0: {  	_ =	swait.ge [sflag:s25], $0x1  }
0xb1: {  	[sflag:s25] =	ssyncadd.s32 $0xFFFFFFFF  }
0xb2: {  	_ =	strace $0x90000066  }
0xb3: {  	_ =	strace $0x80000067;
	[dreg:$0x1] =	wrdreg $0xFFFFFFFF  }
0xb4: {  	[dreg:$0x0] =	wrdreg $0x2030  }
0xb5: {  	[dreg:$0x2] =	wrdreg s20  }
0xb6: {  	[dreg:$0x3] =	wrdreg $0xA  }
0xb7: {  	_ =	task.clear_ibuf [dreg:s18], $0x4FFFF;
	_ =	strace $0x90000067  }
0xb8: {  	s26 =	simm.s32 $0xA;
	_ =	strace $0x80000069  }
0xb9: {  	_ =	swait.ge [sflag:s26], $0x1  }
0xba: {  	[sflag:s26] =	ssyncadd.s32 $0xFFFFFFFF  }
0xbb: {  	_ =	strace $0x90000069  }
0xbc: {  	_ =	sfence  }
0xbd: {  	s28 =	sld [smem:$0x0];
	_ =	sdelay $0x1  }
0xbe: {  	s29 =	srdreg.scid  }
0xbf: {  	s30 =	sshll.u32 s29, $0xD;
	s31 =	sshrl.u32 s29, $0x2  }
0xc0: {  	s2 =	sand.u32 $0x1, s29;
	s3 =	sand.u32 $0x4000, s30;
	s1 =	sadd.s32 s31, s28  }
0xc1: {  	s2 =	sor.u32 s3, s2;
	s1 =	sshll.u32 s1, $0x11  }
0xc2: {  	s1 =	sor.u32 s1, s2  }
0xc3: {  	s1 =	sadd.s32 $0x8F2B, s1  }
0xc4: {  	[sflag:s1] =	ssyncadd.remote.s32 $0x1  }
0xc5: {  	_ =	sfence.sel $0xFFFF  }
0xc6: {  	[dreg:$0x0] =	wrdreg $0xFFFFFFFF;
	(pc) =	sbr.abs _section_cstart, $3  }
0xc7: {  	[dreg:$0x1] =	wrdreg $0xFFFFFFFF  }
0xc8: {  	_ =	task.clear_ibuf [dreg:s18], $0x2FFFF;
	_ =	strace $0x9FFFFFFF  }
0xc9: {  	(tm) =	ssettm $0x7FFFFFFF  }
tec
execute0_lowered:
.L_overlay_start_1:
0x0: {  	(tag) =	ssettag $0x1  }
0x1: {  	s2 =	rddreg [dreg:$0x0]  }
0x2: {  	s8 =	rddreg [dreg:$0x1]  }
0x3: {  	s0 =	rddreg [dreg:$0x2];
	s3 =	stileid.u32  }
0x4: {  	[bflag:$0x3] =	sbarrier.arrive $0xFFFF;
	s1 =	simm.s32 $_size_execute1_lowered;
	p0 =	sne.s32 s3, $0x0  }
0x5: {  	s1 =	sshll.u32 s1, $0x1;
	s4 =	simm.s32 @!p0 $0x1C3F;
	s5 =	simm.s32 @!p0 $0x4060  }
0x6: {  	[timem:s5], [sflag:s4] =	dma.local @!p0 [hbm:s2], s1  }
0x7: {  	s4 =	sshll.u32 s3, $0x6  }
0x8: {  	s29 =	ssub.s32 $0x400, s4  }
0x9: {  	s6 =	simm.s32 $0x1;
	s30 =	sshll.u32 s3, $0x3;
	s31 =	sand.u32 $0x3C0, s29  }
0xa: {  	s7 =	sadd.s32 s30, s8;
	s2 =	simm.s32 $0x1;
	p1 =	sne.s32 s31, $0x0  }
0xb: {  	s3 =	simm.s32 $0x2;
	s5 =	sshrl.u32 s29, $0xA;
	s6 =	simm.s32 @!p1 $0x0  }
0xc: {  	s7 =	sadd.s32 $0x6E800, s7;
	_ =	strace $0x80000065;
	s5 =	sadd.s32 s6, s5  }
0xd: {  	[sflag:s2] =	ssyncpa.u1 $0x0;
	s6 =	simm.s32 $0x0;
	p2 =	sle.u32 s5, $0x0  }
0xe: {  	[sflag:s3] =	ssyncpa.u1 $0x0;
	p1 =	sle.u32 s5, $0xFFFFFFFF;
	s9 =	sxor.u32 @!p2 $0xFFFFFFFF, s6  }
0xf: {  	s10 =	simm.s32 @!p1 $0x1;
	s11 =	simm.s32 @!p2 $0x0;
	s9 =	sand.u32 @!p2 $0x40, s9  }
0x10: {  	[tilespmem:s9], [sflag:$0x1] =	stream.linear.gather @!p2 [hbm4b:s7+s11], $0x40, $0x38;
	[tilespmem:$0x100] =	vst v63  }
0x11: {  	_ =	swait.ge @!p1 [sflag:s10], $0x40  }
0x12: {  	[sflag:s10] =	ssyncset.done @!p1 $0x0  }
0x13: {  	s12 =	sand.u32 @!p1 $0x40, s6;
	s9 =	sadd.s32 $0x1, s5;
	[sflag:s10] =	ssyncadd.s32 @!p1 $0xFFFFFFC0  }
0x14: {  	p3 =	sne.s32 s9, $0x0;
	v3 =	vld @!p1 [tilespmem:s12+$0x30]  }
.Ltmp0:
0x15: {  	_ = 	snop;
	(pc) =	sbr.rel @!p3 .LBB2_2-.Ltmp0, $4  }
0x16: {  	v2 =	vld @!p1 [tilespmem:s12+$0x20]  }
0x17: {  	p6 =	por $0x1, $0x1;
	v1 =	vld @!p1 [tilespmem:s12+$0x0]  }
0x18: {  	s8 =	sadd.s32 $0x200, s8;
	s14 =	sor.u32 @!p1 $0x80, s12;
	p2 =	por p6, p6;
	v0 =	vld @!p1 [tilespmem:s12+$0x10]  }
0x19: {  	s11 =	sadd.s32 @!p1 $0x0, s8;
	s13 =	simm.s32 @!p2 $0x2;
	s10 =	simm.s32 $0x1;
	[tilespmem:s12+$0xB0] =	vst @!p1 v3  }
.LBB2_1:
0x1a: {  	p4 =	slt.u32 s10, $0x2  }
0x1b: {  	p3 =	sne.s32 s10, s9;
	[tilespmem:s12+$0xA0] =	vst @!p1 v2;
	s6 =	sadd.s32 $0x40, s6;
	s15 =	smov.u32 s10  }
0x1c: {  	s10 =	sadd.s32 $0x1, s10;
	s16 =	simm.s32 @!p1 $0x0;
	p5 =	sge.u32 s15, s5;
	[tilespmem:s12+$0x80] =	vst @!p1 v1  }
0x1d: {  	s15 =	sadd.s32 $0xFFFFFFFF, s15;
	s17 =	sxor.u32 @!p5 $0xFFFFFFFF, s6;
	[tilespmem:s12+$0x90] =	vst @!p1 v0  }
0x1e: {  	[hbm4b:s11+s16] =	stream.linear.scatter @!p1 [tilespmem:s14], [sflag:$0x2], $0x40, $0x38;
	[tilespmem:$0x100] =	vst v63  }
0x1f: {  	s12 =	sand.u32 @!p5 $0x40, s17;
	p1 =	sge.u32 s15, s5;
	_ =	swait.ge @!p2 [sflag:s13], $0x40  }
0x20: {  	s14 =	simm.s32 @!p1 $0x1;
	s11 =	sshrl.u32 @!p1 s4, $0x3;
	[sflag:s13] =	ssyncset.done @!p2 $0x0  }
0x21: {  	s15 =	simm.s32 @!p5 $0x0;
	s11 =	sadd.s32 @!p1 s8, s11;
	[sflag:s13] =	ssyncadd.s32 @!p2 $0xFFFFFFC0  }
0x22: {  	[tilespmem:s12], [sflag:$0x1] =	stream.linear.gather @!p5 [hbm4b:s7+s15], $0x40, $0x38;
	[tilespmem:$0x100] =	vst v63  }
0x23: {  	p2 =	por p4, p4;
	_ =	swait.ge @!p1 [sflag:s14], $0x40  }
0x24: {  	[sflag:s14] =	ssyncset.done @!p1 $0x0  }
0x25: {  	s12 =	sand.u32 @!p1 $0x40, s6;
	[sflag:s14] =	ssyncadd.s32 @!p1 $0xFFFFFFC0  }
0x26: {  	s14 =	sor.u32 @!p1 $0x80, s12;
	v3 =	vld @!p1 [tilespmem:s12+$0x30]  }
.Ltmp1:
0x27: {  	v2 =	vld @!p1 [tilespmem:s12+$0x20];
	(pc) =	sbr.rel @p3 .LBB2_1-.Ltmp1, $3  }
0x28: {  	v1 =	vld @!p1 [tilespmem:s12+$0x0]  }
0x29: {  	v0 =	vld @!p1 [tilespmem:s12+$0x10];
	_ =	sdelay $0x1  }
0x2a: {  	s13 =	simm.s32 @!p2 $0x2;
	[tilespmem:s12+$0xB0] =	vst @!p1 v3  }
.LBB2_2:
0x2b: {  	_ = 	snop  }
0x2c: {  	[tilespmem:s12+$0xA0] =	vst @!p1 v2  }
0x2d: {  	[tilespmem:s12+$0x80] =	vst @!p1 v1  }
0x2e: {  	s4 =	simm.s32 @!p1 $0x0;
	[tilespmem:s12+$0x90] =	vst @!p1 v0  }
0x2f: {  	[hbm4b:s11+s4] =	stream.linear.scatter @!p1 [tilespmem:s14], [sflag:$0x2], $0x40, $0x38;
	[tilespmem:$0x100] =	vst v63  }
0x30: {  	_ =	swait.ge @!p2 [sflag:s13], $0x40  }
0x31: {  	[sflag:s13] =	ssyncset.done @!p2 $0x0  }
0x32: {  	[sflag:s13] =	ssyncadd.s32 @!p2 $0xFFFFFFC0  }
0x33: {  	_ =	sfence.sel $0x180000  }
0x34: {  	[bflag:$0x0] =	sbarrier.arrive $0xFFFF  }
0x35: {  	[sflag:s2] =	ssyncpa.u1 $0x1  }
0x36: {  	[sflag:s3] =	ssyncpa.u1 $0x1  }
0x37: {  	_ =	strace $0x90000065  }
0x38: {  	s0 =	sadd.s32 @!p0 $0x100000, s0;
	[bflag:$0x2] =	sbarrier.arrive $0xFFFF  }
0x39: {  	[sflag:s0] =	ssyncadd.tile.s32 @!p0 $0x1;
	s0 =	simm.s32 @!p0 $0x3F  }
0x3a: {  	_ =	swait.ge @!p0 [sflag:s0], s1  }
0x3b: {  	s1 =	ssub.s32 @!p0 $0x0, s1;
	[sflag:s0] =	ssyncset.done @!p0 $0x0  }
0x3c: {  	[sflag:s0] =	ssyncadd.s32 @!p0 s1  }
0x3d: {  	[bflag:$0x3] =	sbarrier.arrive $0xFFFF  }
0x3e: {  	_ =	shalt  }
.Lfunc_end2:
execute1_lowered:
.L_overlay_start_2:
0x3f: {  	(tag) =	ssettag $0x2  }
0x40: {  	s5 =	rddreg [dreg:$0x0]  }
0x41: {  	s0 =	rddreg [dreg:$0x1];
	_ =	strace $0x80000068;
	s6 =	stileid.u32  }
0x42: {  	s3 =	simm.s32 $0x3E;
	s1 =	sadd.s32 $0x200, s5;
	p0 =	sne.s32 s6, $0x0  }
0x43: {  	[sflag:s3] =	ssyncpa.u1 $0x0;
	s4 =	simm.s32 @!p0 $0x1C3E;
	s2 =	simm.s32 @!p0 $0x0  }
0x44: {  	[spmem:s2], [sflag:s4] =	dma.local @!p0 [hbm:s1], $0x80  }
0x45: {  	s4 =	simm.s32 @!p0 $0x3E  }
0x46: {  	_ =	swait.ge @!p0 [sflag:s4], $0x80  }
0x47: {  	[sflag:s4] =	ssyncset.done @!p0 $0x0  }
0x48: {  	s9 =	simm.s32 $0x160;
	[sflag:s4] =	ssyncadd.s32 @!p0 $0xFFFFFF80  }
0x49: {  	s6 =	smul.u32 $0x24, s6;
	s7 =	sadd.s32 $0x49A00, s5;
	[bflag:$0x0] =	sbarrier.arrive $0xFFFF  }
0x4a: {  	s8 =	sadd.s32 $0x6E400, s5;
	[sflag:s3] =	ssyncpa.u1 $0x1;
	s3 =	simm.s32 $0x1  }
0x4b: {  	s5 =	simm.s32 $0x0;
	s4 =	simm.s32 $0x2;
	[sflag:s3] =	ssyncpa.u1 $0x0  }
0x4c: {  	s7 =	sadd.s32 s7, s6;
	(ifvalue) =	ssetifvalue $0x400;
	[sflag:s4] =	ssyncpa.u1 $0x0  }
0x4d: {  	[tilespmem:s9], [sflag:$0x2] =	stream.linear.gather [hbm4b:s7+s5], $0x120, $0x38;
	[tilespmem:$0x4C0] =	vst v63  }
0x4e: {  	s19 =	simm.s32 $0x3A0;
	s6 =	sadd.s32 s8, s6  }
0x4f: {  	[tilespmem:s19], [sflag:$0x2] =	stream.linear.gather [hbm4b:s6+s5], $0x120, $0x38;
	[tilespmem:$0x4C0] =	vst v63  }
0x50: {  	_ =	swait.ge [sflag:s4], $0x240  }
0x51: {  	[sflag:s4] =	ssyncset.done $0x0  }
0x52: {  	[sflag:s4] =	ssyncadd.s32 $0xFFFFFDC0  }
0x53: {  	v0 =	vld.msk [tilespmem:s9+$0x0 ss:$0x1], $0xffff;
	_ =	sdelay $0x4  }
0x54: {  	v0 =	vmin.u32 v0, $0x400;
	_ =	sdelay $0x3  }
0x55: {  	vm0 =	vmmov $0xffff;
	s20 =	simm.s32 $0x170  }
0x56: {  	[spmem:s5] =	stream.indirect_vreg.scatter.add.s32 [tilespmem:s19], [sflag:$0x1], $0x1, v0, vm0, $0x4038;
	[tilespmem:$0x4C0] =	vst v63  }
0x57: {  	v0 =	vld.msk [tilespmem:s20+$0x0 ss:$0x1], $0xffff;
	_ =	sdelay $0x4  }
0x58: {  	v0 =	vmin.u32 v0, $0x400;
	_ =	sdelay $0x3  }
0x59: {  	s21 =	simm.s32 $0x3B0;
	s22 =	simm.s32 $0x180  }
0x5a: {  	[spmem:s5] =	stream.indirect_vreg.scatter.add.s32 [tilespmem:s21], [sflag:$0x1], $0x1, v0, vm0, $0x4038;
	[tilespmem:$0x4C0] =	vst v63  }
0x5b: {  	v0 =	vld.msk [tilespmem:s22+$0x0 ss:$0x1], $0xffff;
	_ =	sdelay $0x4  }
0x5c: {  	v0 =	vmin.u32 v0, $0x400;
	_ =	sdelay $0x3  }
0x5d: {  	s23 =	simm.s32 $0x3C0;
	s24 =	simm.s32 $0x190  }
0x5e: {  	[spmem:s5] =	stream.indirect_vreg.scatter.add.s32 [tilespmem:s23], [sflag:$0x1], $0x1, v0, vm0, $0x4038;
	[tilespmem:$0x4C0] =	vst v63  }
0x5f: {  	v0 =	vld.msk [tilespmem:s24+$0x0 ss:$0x1], $0xffff;
	_ =	sdelay $0x4  }
0x60: {  	v0 =	vmin.u32 v0, $0x400;
	_ =	sdelay $0x3  }
0x61: {  	s25 =	simm.s32 $0x3D0;
	s26 =	simm.s32 $0x1A0  }
0x62: {  	[spmem:s5] =	stream.indirect_vreg.scatter.add.s32 [tilespmem:s25], [sflag:$0x1], $0x1, v0, vm0, $0x4038;
	[tilespmem:$0x4C0] =	vst v63  }
0x63: {  	v0 =	vld.msk [tilespmem:s26+$0x0 ss:$0x1], $0xffff;
	_ =	sdelay $0x4  }
0x64: {  	v0 =	vmin.u32 v0, $0x400;
	_ =	sdelay $0x3  }
0x65: {  	s28 =	simm.s32 $0x3E0;
	s29 =	simm.s32 $0x1B0  }
0x66: {  	[spmem:s5] =	stream.indirect_vreg.scatter.add.s32 [tilespmem:s28], [sflag:$0x1], $0x1, v0, vm0, $0x4038;
	[tilespmem:$0x4C0] =	vst v63  }
0x67: {  	v0 =	vld.msk [tilespmem:s29+$0x0 ss:$0x1], $0xffff;
	_ =	sdelay $0x4  }
0x68: {  	v0 =	vmin.u32 v0, $0x400;
	_ =	sdelay $0x3  }
0x69: {  	s30 =	simm.s32 $0x3F0;
	s31 =	simm.s32 $0x1C0  }
0x6a: {  	[spmem:s5] =	stream.indirect_vreg.scatter.add.s32 [tilespmem:s30], [sflag:$0x1], $0x1, v0, vm0, $0x4038;
	[tilespmem:$0x4C0] =	vst v63  }
0x6b: {  	v0 =	vld.msk [tilespmem:s31+$0x0 ss:$0x1], $0xffff;
	_ =	sdelay $0x4  }
0x6c: {  	v0 =	vmin.u32 v0, $0x400;
	_ =	sdelay $0x3  }
0x6d: {  	s8 =	simm.s32 $0x1D0;
	s7 =	simm.s32 $0x400  }
0x6e: {  	[spmem:s5] =	stream.indirect_vreg.scatter.add.s32 [tilespmem:s7], [sflag:$0x1], $0x1, v0, vm0, $0x4038;
	[tilespmem:$0x4C0] =	vst v63  }
0x6f: {  	v0 =	vld.msk [tilespmem:s8+$0x0 ss:$0x1], $0xffff;
	_ =	sdelay $0x4  }
0x70: {  	v0 =	vmin.u32 v0, $0x400;
	_ =	sdelay $0x3  }
0x71: {  	s10 =	simm.s32 $0x1E0;
	s9 =	simm.s32 $0x410  }
0x72: {  	[spmem:s5] =	stream.indirect_vreg.scatter.add.s32 [tilespmem:s9], [sflag:$0x1], $0x1, v0, vm0, $0x4038;
	[tilespmem:$0x4C0] =	vst v63  }
0x73: {  	v0 =	vld.msk [tilespmem:s10+$0x0 ss:$0x1], $0xffff;
	_ =	sdelay $0x4  }
0x74: {  	v0 =	vmin.u32 v0, $0x400;
	_ =	sdelay $0x3  }
0x75: {  	s11 =	simm.s32 $0x420;
	s12 =	simm.s32 $0x1F0  }
0x76: {  	[spmem:s5] =	stream.indirect_vreg.scatter.add.s32 [tilespmem:s11], [sflag:$0x1], $0x1, v0, vm0, $0x4038;
	[tilespmem:$0x4C0] =	vst v63  }
0x77: {  	v0 =	vld.msk [tilespmem:s12+$0x0 ss:$0x1], $0xffff;
	_ =	sdelay $0x4  }
0x78: {  	v0 =	vmin.u32 v0, $0x400;
	_ =	sdelay $0x3  }
0x79: {  	s13 =	simm.s32 $0x430;
	s14 =	simm.s32 $0x200  }
0x7a: {  	[spmem:s5] =	stream.indirect_vreg.scatter.add.s32 [tilespmem:s13], [sflag:$0x1], $0x1, v0, vm0, $0x4038;
	[tilespmem:$0x4C0] =	vst v63  }
0x7b: {  	v0 =	vld.msk [tilespmem:s14+$0x0 ss:$0x1], $0xffff;
	_ =	sdelay $0x4  }
0x7c: {  	v0 =	vmin.u32 v0, $0x400;
	_ =	sdelay $0x3  }
0x7d: {  	s15 =	simm.s32 $0x440;
	s16 =	simm.s32 $0x210  }
0x7e: {  	[spmem:s5] =	stream.indirect_vreg.scatter.add.s32 [tilespmem:s15], [sflag:$0x1], $0x1, v0, vm0, $0x4038;
	[tilespmem:$0x4C0] =	vst v63  }
0x7f: {  	v0 =	vld.msk [tilespmem:s16+$0x0 ss:$0x1], $0xffff;
	_ =	sdelay $0x4  }
0x80: {  	v0 =	vmin.u32 v0, $0x400;
	_ =	sdelay $0x3  }
0x81: {  	s17 =	simm.s32 $0x450;
	s18 =	simm.s32 $0x220  }
0x82: {  	[spmem:s5] =	stream.indirect_vreg.scatter.add.s32 [tilespmem:s17], [sflag:$0x1], $0x1, v0, vm0, $0x4038;
	[tilespmem:$0x4C0] =	vst v63  }
0x83: {  	v0 =	vld.msk [tilespmem:s18+$0x0 ss:$0x1], $0xffff;
	_ =	sdelay $0x4  }
0x84: {  	v0 =	vmin.u32 v0, $0x400;
	_ =	sdelay $0x3  }
0x85: {  	s19 =	simm.s32 $0x460;
	s20 =	simm.s32 $0x230  }
0x86: {  	[spmem:s5] =	stream.indirect_vreg.scatter.add.s32 [tilespmem:s19], [sflag:$0x1], $0x1, v0, vm0, $0x4038;
	[tilespmem:$0x4C0] =	vst v63  }
0x87: {  	v0 =	vld.msk [tilespmem:s20+$0x0 ss:$0x1], $0xffff;
	_ =	sdelay $0x4  }
0x88: {  	v0 =	vmin.u32 v0, $0x400;
	_ =	sdelay $0x3  }
0x89: {  	s21 =	simm.s32 $0x470;
	s22 =	simm.s32 $0x240  }
0x8a: {  	[spmem:s5] =	stream.indirect_vreg.scatter.add.s32 [tilespmem:s21], [sflag:$0x1], $0x1, v0, vm0, $0x4038;
	[tilespmem:$0x4C0] =	vst v63  }
0x8b: {  	v0 =	vld.msk [tilespmem:s22+$0x0 ss:$0x1], $0xffff;
	_ =	sdelay $0x4  }
0x8c: {  	v0 =	vmin.u32 v0, $0x400;
	_ =	sdelay $0x3  }
0x8d: {  	s23 =	simm.s32 $0x480;
	s24 =	simm.s32 $0x250  }
0x8e: {  	[spmem:s5] =	stream.indirect_vreg.scatter.add.s32 [tilespmem:s23], [sflag:$0x1], $0x1, v0, vm0, $0x4038;
	[tilespmem:$0x4C0] =	vst v63  }
0x8f: {  	v0 =	vld.msk [tilespmem:s24+$0x0 ss:$0x1], $0xffff;
	_ =	sdelay $0x4  }
0x90: {  	v0 =	vmin.u32 v0, $0x400;
	_ =	sdelay $0x3  }
0x91: {  	s25 =	simm.s32 $0x490;
	s26 =	simm.s32 $0x260  }
0x92: {  	[spmem:s5] =	stream.indirect_vreg.scatter.add.s32 [tilespmem:s25], [sflag:$0x1], $0x1, v0, vm0, $0x4038;
	[tilespmem:$0x4C0] =	vst v63  }
0x93: {  	v0 =	vld.msk [tilespmem:s26+$0x0 ss:$0x1], $0xffff;
	_ =	sdelay $0x4  }
0x94: {  	v0 =	vmin.u32 v0, $0x400;
	_ =	sdelay $0x3  }
0x95: {  	s28 =	simm.s32 $0x4A0;
	s29 =	simm.s32 $0x270  }
0x96: {  	[spmem:s5] =	stream.indirect_vreg.scatter.add.s32 [tilespmem:s28], [sflag:$0x1], $0x1, v0, vm0, $0x4038;
	[tilespmem:$0x4C0] =	vst v63  }
0x97: {  	v0 =	vld.msk [tilespmem:s29+$0x0 ss:$0x1], $0xffff;
	_ =	sdelay $0x4  }
0x98: {  	v0 =	vmin.u32 v0, $0x400;
	_ =	sdelay $0x3  }
0x99: {  	s30 =	simm.s32 $0x4B0  }
0x9a: {  	[spmem:s5] =	stream.indirect_vreg.scatter.add.s32 [tilespmem:s30], [sflag:$0x1], $0x1, v0, vm0, $0x4038;
	[tilespmem:$0x4C0] =	vst v63  }
0x9b: {  	_ =	swait.ge [sflag:s3], $0x120  }
0x9c: {  	[sflag:s3] =	ssyncset.done $0x0  }
0x9d: {  	[sflag:s3] =	ssyncadd.s32 $0xFFFFFEE0  }
0x9e: {  	_ =	sfence.sel $0x180000  }
0x9f: {  	[bflag:$0x0] =	sbarrier.arrive $0xFFFF  }
0xa0: {  	[sflag:s4] =	ssyncpa.u1 $0x1  }
0xa1: {  	[sflag:s3] =	ssyncpa.u1 $0x1  }
0xa2: {  	_ =	sfence.stream.spmem  }
0xa3: {  	s31 =	simm.s32 $0x3D;
	[bflag:$0x0] =	sbarrier.arrive $0xFFFF  }
0xa4: {  	s3 =	simm.s32 @p0 $0x3D;
	[sflag:s31] =	ssyncpa.u1 $0x0  }
0xa5: {  	[sflag:s3] =	ssyncpa.u1 @p0 $0x1  }
0xa6: {  	[bflag:$0x0] =	sbarrier.arrive @p0 $0xFFFF  }
0xa7: {  	_ =	strace @p0 $0x90000068  }
0xa8: {  	s3 =	simm.s32 @!p0 $0x1C3D;
	[bflag:$0x2] =	sbarrier.arrive @p0 $0xFFFF  }
0xa9: {  	[hbm:s1], [sflag:s3] =	dma.local @!p0 [spmem:s2], $0x80  }
0xaa: {  	s1 =	simm.s32 @!p0 $0x3D  }
0xab: {  	_ =	swait.ge @!p0 [sflag:s1], $0x80  }
0xac: {  	[sflag:s1] =	ssyncset.done @!p0 $0x0  }
0xad: {  	[sflag:s1] =	ssyncadd.s32 @!p0 $0xFFFFFF80  }
0xae: {  	[sflag:s1] =	ssyncpa.u1 @!p0 $0x1  }
0xaf: {  	[bflag:$0x0] =	sbarrier.arrive @!p0 $0xFFFF  }
0xb0: {  	_ =	strace @!p0 $0x90000068  }
0xb1: {  	s0 =	sadd.s32 @!p0 $0x100000, s0;
	[bflag:$0x2] =	sbarrier.arrive @!p0 $0xFFFF  }
0xb2: {  	[sflag:s0] =	ssyncadd.tile.s32 @!p0 $0x1;
	_ =	shalt  }
.Lfunc_end3:
_tile_overlayer_lowered:
.L_overlay_start_3:
0xb3: {  	(tag) =	ssettag $0x3  }
0xb4: {  	s0 =	rddreg [dreg:$0x0];
	s2 =	stileid.u32  }
0xb5: {  	s1 =	rddreg [dreg:$0x1];
	p0 =	sne.s32 s2, $0x0  }
0xb6: {  	s3 =	rddreg [dreg:$0x2];
	[bflag:$0x3] =	sbarrier.arrive $0xFFFF;
	s2 =	simm.s32 @!p0 $0x1C01  }
0xb7: {  	[timem:s3], [sflag:s2] =	dma.local @!p0 [hbm:s0], s1  }
0xb8: {  	s0 =	simm.s32 @!p0 $0x1  }
0xb9: {  	_ =	swait.ge @!p0 [sflag:s0], s1  }
0xba: {  	s1 =	ssub.s32 @!p0 $0x0, s1;
	[sflag:s0] =	ssyncset.done @!p0 $0x0  }
0xbb: {  	[sflag:s0] =	ssyncadd.s32 @!p0 s1  }
0xbc: {  	[bflag:$0x3] =	sbarrier.arrive $0xFFFF  }
0xbd: {  	_ =	shalt  }

// kernel: scatter_offload_async_start.6
scs
__scs_entry_jumppad:
0x0: {  	(pc) =	sbr.rel $0x88, $3  }
0x1: {  	(tag) =	ssettag $0x0;
	lr =	simm.s32 $0x1  }
0x2: {  	[smem:$0x3F9F] =	sst lr;
	_ =	strace $0xD0000000  }
0x3: {  	_ = 	snop  }
0x4: {  	_ = 	snop  }
0x5: {  	_ = 	snop  }
0x6: {  	_ = 	snop  }
0x7: {  	_ = 	snop  }
__scs_overlays_trampoline_lowered:
0x8: {  	[smem:$0x3FAE] =	sst s0  }
0x9: {  	[smem:$0x3FAF] =	sst s1  }
0xa: {  	[smem:$0x3FB0] =	sst s2  }
0xb: {  	[smem:$0x3FB1] =	sst s3  }
0xc: {  	[smem:$0x3FB2] =	sst s4  }
0xd: {  	[smem:$0x3FB3] =	sst s5  }
0xe: {  	[smem:$0x3FB4] =	sst s6  }
0xf: {  	[smem:$0x3FB5] =	sst s7  }
0x10: {  	[smem:$0x3FB6] =	sst s8  }
0x11: {  	[smem:$0x3FB7] =	sst s9;
	s0 =	simm.s32 @!p0 $0x0  }
0x12: {  	s1 =	sld [smem:$0x3F9D];
	s0 =	simm.s32 @p0 $0x1  }
0x13: {  	[smem:$0x3FB8] =	sst s0;
	s0 =	simm.s32 @!p1 $0x0  }
0x14: {  	s2 =	sld [smem:$0x3F9C];
	s0 =	simm.s32 @p1 $0x1  }
0x15: {  	[smem:$0x3FB9] =	sst s0;
	s0 =	simm.s32 @!p2 $0x0  }
0x16: {  	s3 =	sld [smem:$0x3FDB];
	s0 =	simm.s32 @p2 $0x1  }
0x17: {  	s4 =	simm.s32 $0x1BF5;
	[smem:$0x3FBB] =	sst s0  }
0x18: {  	s0 =	sld [smem:$0x3F9E];
	_ =	swait.ge [sflag:s4], $0x0  }
0x19: {  	s7 =	sld [smem:$0x3F9F]  }
0x1a: {  	s8 =	sadd.s32 $0xFFFFE003, lr  }
0x1b: {  	s9 =	sadd.s32 $0xFFFFFEF7, lr;
	s5 =	simm.s32 $0xFFFFFFFF;
	p2 =	slt.u32 s8, $0xFFFFF086  }
0x1c: {  	p1 =	slt.u32 s9, $0xF7A;
	s5 =	simm.s32 @!p2 $0x0  }
0x1d: {  	s5 =	simm.s32 @p1 $0x1;
	p0 =	seq.s32 s7, s2  }
0x1e: {  	s7 =	smul.u32 @!p0 $0xF7A, s2;
	p2 =	seq.s32 @!p0 s5, $0x0  }
0x1f: {  	s9 =	smul.u32 $0xF7A, s1;
	s8 =	simm.s32 @!p0 $0x1BF5;
	p2 =	por !p2, p0  }
0x20: {  	[sflag:s8] =	ssyncset.s32 @!p0 $0xFFFFF086;
	s6 =	sadd.s32 @!p0 s3, s7;
	s7 =	simm.s32 @!p0 $0x108  }
0x21: {  	s3 =	sadd.s32 s3, s9;
	s6 =	sadd.s32 @!p0 $0x88, s6;
	s7 =	simm.s32 @p2 $0x1082  }
0x22: {  	[simem:s7], [sflag:s8] =	dma.local @!p0 [hbm:s6], $0xF7A  }
0x23: {  	s9 =	sor.u32 $0xD0000000, s2;
	s6 =	simm.s32 $0x108;
	_ =	swait.ge @!p0 [sflag:s8], $0x0  }
0x24: {  	s3 =	sadd.s32 $0x88, s3;
	s6 =	simm.s32 @!p1 $0x1082;
	[sflag:s4] =	ssyncset.s32 $0xFFFFF086  }
0x25: {  	[simem:s6], [sflag:s4] =	dma.local [hbm:s3], $0xF7A  }
0x26: {  	[smem:$0x3F9F] =	sst s1;
	(tag) =	ssettag s2;
	_ =	strace s9  }
0x27: {  	s1 =	sld [smem:$0x3FAF]  }
0x28: {  	s2 =	sld [smem:$0x3FB0]  }
0x29: {  	s4 =	sld [smem:$0x3FB2]  }
0x2a: {  	p0 =	seq.s32 s5, $0x0;
	s5 =	sld [smem:$0x3FB3]  }
0x2b: {  	s6 =	sld [smem:$0x3FB4]  }
0x2c: {  	s7 =	sld [smem:$0x3FB5]  }
0x2d: {  	s3 =	simm.s32 $0x108;
	s8 =	sld [smem:$0x3FB6]  }
0x2e: {  	s3 =	simm.s32 @!p0 $0x1082;
	s9 =	sld [smem:$0x3FB7]  }
0x2f: {  	lr =	sadd.s32 s0, s3;
	s0 =	sld [smem:$0x3FAE]  }
0x30: {  	s3 =	sld [smem:$0x3FB1]  }
0x31: {  	[smem:$0x3FBA] =	sst s10  }
0x32: {  	s10 =	sld [smem:$0x3FB8];
	_ =	sdelay $0x3  }
0x33: {  	p0 =	seq.s32 s10, $0x1;
	s10 =	sld [smem:$0x3FBA];
	_ =	sdelay $0x3  }
0x34: {  	[smem:$0x3FBA] =	sst s10  }
0x35: {  	s10 =	sld [smem:$0x3FB9];
	_ =	sdelay $0x3  }
0x36: {  	p1 =	seq.s32 s10, $0x1;
	s10 =	sld [smem:$0x3FBA];
	_ =	sdelay $0x3  }
0x37: {  	[smem:$0x3FBA] =	sst s10  }
0x38: {  	s10 =	sld [smem:$0x3FBB]  }
0x39: {  	_ = 	snop;
	(pc) =	sbr.ind lr, $3  }
0x3a: {  	_ = 	snop  }
0x3b: {  	_ = 	snop  }
0x3c: {  	p2 =	seq.s32 s10, $0x1;
	s10 =	sld [smem:$0x3FBA]  }
0x3d: {  	_ =	shalt  }
0x3e: {  	_ =	shalt  }
0x3f: {  	_ =	shalt  }
0x40: {  	_ =	shalt  }
0x41: {  	_ =	shalt  }
0x42: {  	_ =	shalt  }
0x43: {  	_ =	shalt  }
0x44: {  	_ =	shalt  }
0x45: {  	_ =	shalt  }
0x46: {  	_ =	shalt  }
0x47: {  	_ =	shalt  }
0x48: {  	_ =	shalt  }
0x49: {  	_ =	shalt  }
0x4a: {  	_ =	shalt  }
0x4b: {  	_ =	shalt  }
0x4c: {  	_ =	shalt  }
0x4d: {  	_ =	shalt  }
0x4e: {  	_ =	shalt  }
0x4f: {  	_ =	shalt  }
0x50: {  	_ =	shalt  }
0x51: {  	_ =	shalt  }
0x52: {  	_ =	shalt  }
0x53: {  	_ =	shalt  }
0x54: {  	_ =	shalt  }
0x55: {  	_ =	shalt  }
0x56: {  	_ =	shalt  }
0x57: {  	_ =	shalt  }
0x58: {  	_ =	shalt  }
0x59: {  	_ =	shalt  }
0x5a: {  	_ =	shalt  }
0x5b: {  	_ =	shalt  }
0x5c: {  	_ =	shalt  }
0x5d: {  	_ =	shalt  }
0x5e: {  	_ =	shalt  }
0x5f: {  	_ =	shalt  }
0x60: {  	_ =	shalt  }
0x61: {  	_ =	shalt  }
0x62: {  	_ =	shalt  }
0x63: {  	_ =	shalt  }
0x64: {  	_ =	shalt  }
0x65: {  	_ =	shalt  }
0x66: {  	_ =	shalt  }
0x67: {  	_ =	shalt  }
0x68: {  	_ =	shalt  }
0x69: {  	_ =	shalt  }
0x6a: {  	_ =	shalt  }
0x6b: {  	_ =	shalt  }
0x6c: {  	_ =	shalt  }
0x6d: {  	_ =	shalt  }
0x6e: {  	_ =	shalt  }
0x6f: {  	_ =	shalt  }
0x70: {  	_ =	shalt  }
0x71: {  	_ =	shalt  }
0x72: {  	_ =	shalt  }
0x73: {  	_ =	shalt  }
0x74: {  	_ =	shalt  }
0x75: {  	_ =	shalt  }
0x76: {  	_ =	shalt  }
0x77: {  	_ =	shalt  }
0x78: {  	_ =	shalt  }
0x79: {  	_ =	shalt  }
0x7a: {  	_ =	shalt  }
0x7b: {  	_ =	shalt  }
0x7c: {  	_ =	shalt  }
0x7d: {  	_ =	shalt  }
0x7e: {  	_ =	shalt  }
0x7f: {  	_ =	shalt  }
0x80: {  	_ =	shalt  }
0x81: {  	_ =	shalt  }
0x82: {  	_ =	shalt  }
0x83: {  	_ =	shalt  }
0x84: {  	_ =	shalt  }
0x85: {  	_ =	shalt  }
0x86: {  	_ =	shalt  }
0x87: {  	_ =	shalt  }
.Lfunc_end0:
.L_simem_size_0:
called_computation.6_lowered:
.L_overlay_start_0:
0x88: {  	s0 =	sld [smem:$0x3FD9]  }
0x89: {  	s1 =	sld [smem:$0x3FFE];
	_ =	sdelay $0x3  }
0x8a: {  	s0 =	sadd.s32 s1, s0  }
0x8b: {  	[smem:$0x3FC6] =	sst s0  }
0x8c: {  	_ = 	snop  }
0x8d: {  	(tm) =	ssettm $0x1  }
0x8e: {  	s14 =	sld [smem:$0x3FFB];
	_ =	sdelay $0x3  }
0x8f: {  	_ =	strace s14  }
0x90: {  	s0 =	sld [smem:$0x3FFC];
	_ =	sdelay $0x3  }
0x91: {  	_ =	strace s0  }
0x92: {  	s0 =	sld [smem:$0x3FFD];
	_ =	sdelay $0x3  }
0x93: {  	_ =	strace s0  }
0x94: {  	_ =	strace $0x8FFFFFFF  }
0x95: {  	s15 =	sld [smem:$0x3FDB];
	_ =	sdelay $0x1  }
0x96: {  	s16 =	simm.s32 $_scs_section_size  }
0x97: {  	s2 =	simm.s32 $_size__tile_overlayer_lowered;
	s3 =	simm.s32 $_tile_overlayer_lowered  }
0x98: {  	s4 =	simm.s32 $0x1BFF;
	s17 =	sshll.u32 s3, $0x1;
	s1 =	sadd.s32 s16, s15  }
0x99: {  	s18 =	simm.s32 $0x0;
	s2 =	sshll.u32 s2, $0x1;
	s3 =	sadd.s32 s17, s1  }
0x9a: {  	[timem:s18], [sflag:s4] =	dma.local [hbm:s3], s2  }
0x9b: {  	_ =	swait.ge [sflag:s4], s2  }
0x9c: {  	s2 =	ssub.s32 $0x0, s2;
	[sflag:s4] =	ssyncset.done $0x0  }
0x9d: {  	[sflag:s4] =	ssyncadd.s32 s2;
	_ =	sdelay $0x1  }
0x9e: {  	s19 =	simm.s32 $0x1B8B  }
0x9f: {  	_ =	swait.ge [sflag:s19], $0x1  }
0xa0: {  	[sflag:s19] =	ssyncset.done $0x0  }
0xa1: {  	s21 =	simm.s32 $0x1B8E;
	s20 =	sld [smem:$0x3FFE];
	[sflag:s19] =	ssyncadd.s32 $0xFFFFFFFF  }
0xa2: {  	s22 =	simm.s32 $execute0_lowered;
	[smem:$0x3FD2] =	sst s21  }
0xa3: {  	s3 =	sshll.u32 s22, $0x1;
	_ =	strace $0x8000006A;
	[dreg:$0x1] =	wrdreg $0xFFFFFFFF  }
0xa4: {  	s23 =	simm.s32 $_size_execute0_lowered;
	s3 =	sadd.s32 s1, s3;
	[dreg:$0x0] =	wrdreg $0x0  }
0xa5: {  	s4 =	sshll.u32 s23, $0x1;
	[dreg:$0x2] =	wrdreg s3  }
0xa6: {  	[dreg:$0x3] =	wrdreg s4  }
0xa7: {  	[dreg:$0x4] =	wrdreg $0xC0  }
0xa8: {  	s24 =	simm.s32 $execute1_lowered;
	_ =	task [dreg:s18], $0x5FFFF  }
0xa9: {  	s3 =	sshll.u32 s24, $0x1;
	[dreg:$0x1] =	wrdreg $0xFFFFFFFF  }
0xaa: {  	s1 =	sadd.s32 s1, s3;
	[dreg:$0x0] =	wrdreg $0x60  }
0xab: {  	[dreg:$0x2] =	wrdreg s1  }
0xac: {  	[dreg:$0x3] =	wrdreg s20  }
0xad: {  	[dreg:$0x4] =	wrdreg $0x9  }
0xae: {  	_ =	task.clear_ibuf [dreg:s18], $0x5FFFF;
	_ =	strace $0x9000006A  }
0xaf: {  	s25 =	simm.s32 $0x9;
	_ =	strace $0x8000006C  }
0xb0: {  	_ =	swait.ge [sflag:s25], $0x1  }
0xb1: {  	[sflag:s25] =	ssyncadd.s32 $0xFFFFFFFF  }
0xb2: {  	_ =	strace $0x9000006C  }
0xb3: {  	_ =	strace $0x8000006D;
	[dreg:$0x1] =	wrdreg $0xFFFFFFFF  }
0xb4: {  	[dreg:$0x0] =	wrdreg $0x2030  }
0xb5: {  	[dreg:$0x2] =	wrdreg s20  }
0xb6: {  	[dreg:$0x3] =	wrdreg $0xA  }
0xb7: {  	_ =	task.clear_ibuf [dreg:s18], $0x4FFFF;
	_ =	strace $0x9000006D  }
0xb8: {  	s26 =	simm.s32 $0xA;
	_ =	strace $0x8000006F  }
0xb9: {  	_ =	swait.ge [sflag:s26], $0x1  }
0xba: {  	[sflag:s26] =	ssyncadd.s32 $0xFFFFFFFF  }
0xbb: {  	_ =	strace $0x9000006F  }
0xbc: {  	_ =	sfence  }
0xbd: {  	s28 =	sld [smem:$0x0];
	_ =	sdelay $0x1  }
0xbe: {  	s29 =	srdreg.scid  }
0xbf: {  	s30 =	sshll.u32 s29, $0xD;
	s31 =	sshrl.u32 s29, $0x2  }
0xc0: {  	s2 =	sand.u32 $0x1, s29;
	s3 =	sand.u32 $0x4000, s30;
	s1 =	sadd.s32 s31, s28  }
0xc1: {  	s2 =	sor.u32 s3, s2;
	s1 =	sshll.u32 s1, $0x11  }
0xc2: {  	s1 =	sor.u32 s1, s2  }
0xc3: {  	s1 =	sadd.s32 $0x8F2B, s1  }
0xc4: {  	[sflag:s1] =	ssyncadd.remote.s32 $0x1  }
0xc5: {  	_ =	sfence.sel $0xFFFF  }
0xc6: {  	[dreg:$0x0] =	wrdreg $0xFFFFFFFF;
	(pc) =	sbr.abs _section_cstart, $3  }
0xc7: {  	[dreg:$0x1] =	wrdreg $0xFFFFFFFF  }
0xc8: {  	_ =	task.clear_ibuf [dreg:s18], $0x2FFFF;
	_ =	strace $0x9FFFFFFF  }
0xc9: {  	(tm) =	ssettm $0x7FFFFFFF  }
tec
execute0_lowered:
.L_overlay_start_1:
0x0: {  	(tag) =	ssettag $0x1  }
0x1: {  	s2 =	rddreg [dreg:$0x0]  }
0x2: {  	s8 =	rddreg [dreg:$0x1]  }
0x3: {  	s0 =	rddreg [dreg:$0x2];
	s3 =	stileid.u32  }
0x4: {  	[bflag:$0x3] =	sbarrier.arrive $0xFFFF;
	s1 =	simm.s32 $_size_execute1_lowered;
	p0 =	sne.s32 s3, $0x0  }
0x5: {  	s1 =	sshll.u32 s1, $0x1;
	s4 =	simm.s32 @!p0 $0x1C3F;
	s5 =	simm.s32 @!p0 $0x4060  }
0x6: {  	[timem:s5], [sflag:s4] =	dma.local @!p0 [hbm:s2], s1  }
0x7: {  	s4 =	sshll.u32 s3, $0x6  }
0x8: {  	s29 =	ssub.s32 $0x400, s4  }
0x9: {  	s6 =	simm.s32 $0x1;
	s30 =	sshll.u32 s3, $0x3;
	s31 =	sand.u32 $0x3C0, s29  }
0xa: {  	s7 =	sadd.s32 s30, s8;
	s2 =	simm.s32 $0x1;
	p1 =	sne.s32 s31, $0x0  }
0xb: {  	s3 =	simm.s32 $0x2;
	s5 =	sshrl.u32 s29, $0xA;
	s6 =	simm.s32 @!p1 $0x0  }
0xc: {  	s7 =	sadd.s32 $0x6E800, s7;
	_ =	strace $0x8000006B;
	s5 =	sadd.s32 s6, s5  }
0xd: {  	[sflag:s2] =	ssyncpa.u1 $0x0;
	s6 =	simm.s32 $0x0;
	p2 =	sle.u32 s5, $0x0  }
0xe: {  	[sflag:s3] =	ssyncpa.u1 $0x0;
	p1 =	sle.u32 s5, $0xFFFFFFFF;
	s9 =	sxor.u32 @!p2 $0xFFFFFFFF, s6  }
0xf: {  	s10 =	simm.s32 @!p1 $0x1;
	s11 =	simm.s32 @!p2 $0x0;
	s9 =	sand.u32 @!p2 $0x40, s9  }
0x10: {  	[tilespmem:s9], [sflag:$0x1] =	stream.linear.gather @!p2 [hbm4b:s7+s11], $0x40, $0x38;
	[tilespmem:$0x100] =	vst v63  }
0x11: {  	_ =	swait.ge @!p1 [sflag:s10], $0x40  }
0x12: {  	[sflag:s10] =	ssyncset.done @!p1 $0x0  }
0x13: {  	s12 =	sand.u32 @!p1 $0x40, s6;
	s9 =	sadd.s32 $0x1, s5;
	[sflag:s10] =	ssyncadd.s32 @!p1 $0xFFFFFFC0  }
0x14: {  	p3 =	sne.s32 s9, $0x0;
	v3 =	vld @!p1 [tilespmem:s12+$0x30]  }
.Ltmp0:
0x15: {  	_ = 	snop;
	(pc) =	sbr.rel @!p3 .LBB2_2-.Ltmp0, $4  }
0x16: {  	v2 =	vld @!p1 [tilespmem:s12+$0x20]  }
0x17: {  	p6 =	por $0x1, $0x1;
	v1 =	vld @!p1 [tilespmem:s12+$0x0]  }
0x18: {  	s8 =	sadd.s32 $0x200, s8;
	s14 =	sor.u32 @!p1 $0x80, s12;
	p2 =	por p6, p6;
	v0 =	vld @!p1 [tilespmem:s12+$0x10]  }
0x19: {  	s11 =	sadd.s32 @!p1 $0x0, s8;
	s13 =	simm.s32 @!p2 $0x2;
	s10 =	simm.s32 $0x1;
	[tilespmem:s12+$0xB0] =	vst @!p1 v3  }
.LBB2_1:
0x1a: {  	p4 =	slt.u32 s10, $0x2  }
0x1b: {  	p3 =	sne.s32 s10, s9;
	[tilespmem:s12+$0xA0] =	vst @!p1 v2;
	s6 =	sadd.s32 $0x40, s6;
	s15 =	smov.u32 s10  }
0x1c: {  	s10 =	sadd.s32 $0x1, s10;
	s16 =	simm.s32 @!p1 $0x0;
	p5 =	sge.u32 s15, s5;
	[tilespmem:s12+$0x80] =	vst @!p1 v1  }
0x1d: {  	s15 =	sadd.s32 $0xFFFFFFFF, s15;
	s17 =	sxor.u32 @!p5 $0xFFFFFFFF, s6;
	[tilespmem:s12+$0x90] =	vst @!p1 v0  }
0x1e: {  	[hbm4b:s11+s16] =	stream.linear.scatter @!p1 [tilespmem:s14], [sflag:$0x2], $0x40, $0x38;
	[tilespmem:$0x100] =	vst v63  }
0x1f: {  	s12 =	sand.u32 @!p5 $0x40, s17;
	p1 =	sge.u32 s15, s5;
	_ =	swait.ge @!p2 [sflag:s13], $0x40  }
0x20: {  	s14 =	simm.s32 @!p1 $0x1;
	s11 =	sshrl.u32 @!p1 s4, $0x3;
	[sflag:s13] =	ssyncset.done @!p2 $0x0  }
0x21: {  	s15 =	simm.s32 @!p5 $0x0;
	s11 =	sadd.s32 @!p1 s8, s11;
	[sflag:s13] =	ssyncadd.s32 @!p2 $0xFFFFFFC0  }
0x22: {  	[tilespmem:s12], [sflag:$0x1] =	stream.linear.gather @!p5 [hbm4b:s7+s15], $0x40, $0x38;
	[tilespmem:$0x100] =	vst v63  }
0x23: {  	p2 =	por p4, p4;
	_ =	swait.ge @!p1 [sflag:s14], $0x40  }
0x24: {  	[sflag:s14] =	ssyncset.done @!p1 $0x0  }
0x25: {  	s12 =	sand.u32 @!p1 $0x40, s6;
	[sflag:s14] =	ssyncadd.s32 @!p1 $0xFFFFFFC0  }
0x26: {  	s14 =	sor.u32 @!p1 $0x80, s12;
	v3 =	vld @!p1 [tilespmem:s12+$0x30]  }
.Ltmp1:
0x27: {  	v2 =	vld @!p1 [tilespmem:s12+$0x20];
	(pc) =	sbr.rel @p3 .LBB2_1-.Ltmp1, $3  }
0x28: {  	v1 =	vld @!p1 [tilespmem:s12+$0x0]  }
0x29: {  	v0 =	vld @!p1 [tilespmem:s12+$0x10];
	_ =	sdelay $0x1  }
0x2a: {  	s13 =	simm.s32 @!p2 $0x2;
	[tilespmem:s12+$0xB0] =	vst @!p1 v3  }
.LBB2_2:
0x2b: {  	_ = 	snop  }
0x2c: {  	[tilespmem:s12+$0xA0] =	vst @!p1 v2  }
0x2d: {  	[tilespmem:s12+$0x80] =	vst @!p1 v1  }
0x2e: {  	s4 =	simm.s32 @!p1 $0x0;
	[tilespmem:s12+$0x90] =	vst @!p1 v0  }
0x2f: {  	[hbm4b:s11+s4] =	stream.linear.scatter @!p1 [tilespmem:s14], [sflag:$0x2], $0x40, $0x38;
	[tilespmem:$0x100] =	vst v63  }
0x30: {  	_ =	swait.ge @!p2 [sflag:s13], $0x40  }
0x31: {  	[sflag:s13] =	ssyncset.done @!p2 $0x0  }
0x32: {  	[sflag:s13] =	ssyncadd.s32 @!p2 $0xFFFFFFC0  }
0x33: {  	_ =	sfence.sel $0x180000  }
0x34: {  	[bflag:$0x0] =	sbarrier.arrive $0xFFFF  }
0x35: {  	[sflag:s2] =	ssyncpa.u1 $0x1  }
0x36: {  	[sflag:s3] =	ssyncpa.u1 $0x1  }
0x37: {  	_ =	strace $0x9000006B  }
0x38: {  	s0 =	sadd.s32 @!p0 $0x100000, s0;
	[bflag:$0x2] =	sbarrier.arrive $0xFFFF  }
0x39: {  	[sflag:s0] =	ssyncadd.tile.s32 @!p0 $0x1;
	s0 =	simm.s32 @!p0 $0x3F  }
0x3a: {  	_ =	swait.ge @!p0 [sflag:s0], s1  }
0x3b: {  	s1 =	ssub.s32 @!p0 $0x0, s1;
	[sflag:s0] =	ssyncset.done @!p0 $0x0  }
0x3c: {  	[sflag:s0] =	ssyncadd.s32 @!p0 s1  }
0x3d: {  	[bflag:$0x3] =	sbarrier.arrive $0xFFFF  }
0x3e: {  	_ =	shalt  }
.Lfunc_end2:
execute1_lowered:
.L_overlay_start_2:
0x3f: {  	(tag) =	ssettag $0x2  }
0x40: {  	s5 =	rddreg [dreg:$0x0]  }
0x41: {  	s0 =	rddreg [dreg:$0x1];
	_ =	strace $0x8000006E;
	s6 =	stileid.u32  }
0x42: {  	s3 =	simm.s32 $0x3E;
	s1 =	sadd.s32 $0x200, s5;
	p0 =	sne.s32 s6, $0x0  }
0x43: {  	[sflag:s3] =	ssyncpa.u1 $0x0;
	s4 =	simm.s32 @!p0 $0x1C3E;
	s2 =	simm.s32 @!p0 $0x0  }
0x44: {  	[spmem:s2], [sflag:s4] =	dma.local @!p0 [hbm:s1], $0x80  }
0x45: {  	s4 =	simm.s32 @!p0 $0x3E  }
0x46: {  	_ =	swait.ge @!p0 [sflag:s4], $0x80  }
0x47: {  	[sflag:s4] =	ssyncset.done @!p0 $0x0  }
0x48: {  	s9 =	simm.s32 $0x160;
	[sflag:s4] =	ssyncadd.s32 @!p0 $0xFFFFFF80  }
0x49: {  	s6 =	smul.u32 $0x24, s6;
	s7 =	sadd.s32 $0x6E000, s5;
	[bflag:$0x0] =	sbarrier.arrive $0xFFFF  }
0x4a: {  	s8 =	sadd.s32 $0x6E400, s5;
	[sflag:s3] =	ssyncpa.u1 $0x1;
	s3 =	simm.s32 $0x1  }
0x4b: {  	s5 =	simm.s32 $0x0;
	s4 =	simm.s32 $0x2;
	[sflag:s3] =	ssyncpa.u1 $0x0  }
0x4c: {  	s7 =	sadd.s32 s7, s6;
	(ifvalue) =	ssetifvalue $0x400;
	[sflag:s4] =	ssyncpa.u1 $0x0  }
0x4d: {  	[tilespmem:s9], [sflag:$0x2] =	stream.linear.gather [hbm4b:s7+s5], $0x120, $0x38;
	[tilespmem:$0x4C0] =	vst v63  }
0x4e: {  	s19 =	simm.s32 $0x3A0;
	s6 =	sadd.s32 s8, s6  }
0x4f: {  	[tilespmem:s19], [sflag:$0x2] =	stream.linear.gather [hbm4b:s6+s5], $0x120, $0x38;
	[tilespmem:$0x4C0] =	vst v63  }
0x50: {  	_ =	swait.ge [sflag:s4], $0x240  }
0x51: {  	[sflag:s4] =	ssyncset.done $0x0  }
0x52: {  	[sflag:s4] =	ssyncadd.s32 $0xFFFFFDC0  }
0x53: {  	v0 =	vld.msk [tilespmem:s9+$0x0 ss:$0x1], $0xffff;
	_ =	sdelay $0x4  }
0x54: {  	v0 =	vmin.u32 v0, $0x400;
	_ =	sdelay $0x3  }
0x55: {  	vm0 =	vmmov $0xffff;
	s20 =	simm.s32 $0x170  }
0x56: {  	[spmem:s5] =	stream.indirect_vreg.scatter.add.s32 [tilespmem:s19], [sflag:$0x1], $0x1, v0, vm0, $0x4038;
	[tilespmem:$0x4C0] =	vst v63  }
0x57: {  	v0 =	vld.msk [tilespmem:s20+$0x0 ss:$0x1], $0xffff;
	_ =	sdelay $0x4  }
0x58: {  	v0 =	vmin.u32 v0, $0x400;
	_ =	sdelay $0x3  }
0x59: {  	s21 =	simm.s32 $0x3B0;
	s22 =	simm.s32 $0x180  }
0x5a: {  	[spmem:s5] =	stream.indirect_vreg.scatter.add.s32 [tilespmem:s21], [sflag:$0x1], $0x1, v0, vm0, $0x4038;
	[tilespmem:$0x4C0] =	vst v63  }
0x5b: {  	v0 =	vld.msk [tilespmem:s22+$0x0 ss:$0x1], $0xffff;
	_ =	sdelay $0x4  }
0x5c: {  	v0 =	vmin.u32 v0, $0x400;
	_ =	sdelay $0x3  }
0x5d: {  	s23 =	simm.s32 $0x3C0;
	s24 =	simm.s32 $0x190  }
0x5e: {  	[spmem:s5] =	stream.indirect_vreg.scatter.add.s32 [tilespmem:s23], [sflag:$0x1], $0x1, v0, vm0, $0x4038;
	[tilespmem:$0x4C0] =	vst v63  }
0x5f: {  	v0 =	vld.msk [tilespmem:s24+$0x0 ss:$0x1], $0xffff;
	_ =	sdelay $0x4  }
0x60: {  	v0 =	vmin.u32 v0, $0x400;
	_ =	sdelay $0x3  }
0x61: {  	s25 =	simm.s32 $0x3D0;
	s26 =	simm.s32 $0x1A0  }
0x62: {  	[spmem:s5] =	stream.indirect_vreg.scatter.add.s32 [tilespmem:s25], [sflag:$0x1], $0x1, v0, vm0, $0x4038;
	[tilespmem:$0x4C0] =	vst v63  }
0x63: {  	v0 =	vld.msk [tilespmem:s26+$0x0 ss:$0x1], $0xffff;
	_ =	sdelay $0x4  }
0x64: {  	v0 =	vmin.u32 v0, $0x400;
	_ =	sdelay $0x3  }
0x65: {  	s28 =	simm.s32 $0x3E0;
	s29 =	simm.s32 $0x1B0  }
0x66: {  	[spmem:s5] =	stream.indirect_vreg.scatter.add.s32 [tilespmem:s28], [sflag:$0x1], $0x1, v0, vm0, $0x4038;
	[tilespmem:$0x4C0] =	vst v63  }
0x67: {  	v0 =	vld.msk [tilespmem:s29+$0x0 ss:$0x1], $0xffff;
	_ =	sdelay $0x4  }
0x68: {  	v0 =	vmin.u32 v0, $0x400;
	_ =	sdelay $0x3  }
0x69: {  	s30 =	simm.s32 $0x3F0;
	s31 =	simm.s32 $0x1C0  }
0x6a: {  	[spmem:s5] =	stream.indirect_vreg.scatter.add.s32 [tilespmem:s30], [sflag:$0x1], $0x1, v0, vm0, $0x4038;
	[tilespmem:$0x4C0] =	vst v63  }
0x6b: {  	v0 =	vld.msk [tilespmem:s31+$0x0 ss:$0x1], $0xffff;
	_ =	sdelay $0x4  }
0x6c: {  	v0 =	vmin.u32 v0, $0x400;
	_ =	sdelay $0x3  }
0x6d: {  	s8 =	simm.s32 $0x1D0;
	s7 =	simm.s32 $0x400  }
0x6e: {  	[spmem:s5] =	stream.indirect_vreg.scatter.add.s32 [tilespmem:s7], [sflag:$0x1], $0x1, v0, vm0, $0x4038;
	[tilespmem:$0x4C0] =	vst v63  }
0x6f: {  	v0 =	vld.msk [tilespmem:s8+$0x0 ss:$0x1], $0xffff;
	_ =	sdelay $0x4  }
0x70: {  	v0 =	vmin.u32 v0, $0x400;
	_ =	sdelay $0x3  }
0x71: {  	s10 =	simm.s32 $0x1E0;
	s9 =	simm.s32 $0x410  }
0x72: {  	[spmem:s5] =	stream.indirect_vreg.scatter.add.s32 [tilespmem:s9], [sflag:$0x1], $0x1, v0, vm0, $0x4038;
	[tilespmem:$0x4C0] =	vst v63  }
0x73: {  	v0 =	vld.msk [tilespmem:s10+$0x0 ss:$0x1], $0xffff;
	_ =	sdelay $0x4  }
0x74: {  	v0 =	vmin.u32 v0, $0x400;
	_ =	sdelay $0x3  }
0x75: {  	s11 =	simm.s32 $0x420;
	s12 =	simm.s32 $0x1F0  }
0x76: {  	[spmem:s5] =	stream.indirect_vreg.scatter.add.s32 [tilespmem:s11], [sflag:$0x1], $0x1, v0, vm0, $0x4038;
	[tilespmem:$0x4C0] =	vst v63  }
0x77: {  	v0 =	vld.msk [tilespmem:s12+$0x0 ss:$0x1], $0xffff;
	_ =	sdelay $0x4  }
0x78: {  	v0 =	vmin.u32 v0, $0x400;
	_ =	sdelay $0x3  }
0x79: {  	s13 =	simm.s32 $0x430;
	s14 =	simm.s32 $0x200  }
0x7a: {  	[spmem:s5] =	stream.indirect_vreg.scatter.add.s32 [tilespmem:s13], [sflag:$0x1], $0x1, v0, vm0, $0x4038;
	[tilespmem:$0x4C0] =	vst v63  }
0x7b: {  	v0 =	vld.msk [tilespmem:s14+$0x0 ss:$0x1], $0xffff;
	_ =	sdelay $0x4  }
0x7c: {  	v0 =	vmin.u32 v0, $0x400;
	_ =	sdelay $0x3  }
0x7d: {  	s15 =	simm.s32 $0x440;
	s16 =	simm.s32 $0x210  }
0x7e: {  	[spmem:s5] =	stream.indirect_vreg.scatter.add.s32 [tilespmem:s15], [sflag:$0x1], $0x1, v0, vm0, $0x4038;
	[tilespmem:$0x4C0] =	vst v63  }
0x7f: {  	v0 =	vld.msk [tilespmem:s16+$0x0 ss:$0x1], $0xffff;
	_ =	sdelay $0x4  }
0x80: {  	v0 =	vmin.u32 v0, $0x400;
	_ =	sdelay $0x3  }
0x81: {  	s17 =	simm.s32 $0x450;
	s18 =	simm.s32 $0x220  }
0x82: {  	[spmem:s5] =	stream.indirect_vreg.scatter.add.s32 [tilespmem:s17], [sflag:$0x1], $0x1, v0, vm0, $0x4038;
	[tilespmem:$0x4C0] =	vst v63  }
0x83: {  	v0 =	vld.msk [tilespmem:s18+$0x0 ss:$0x1], $0xffff;
	_ =	sdelay $0x4  }
0x84: {  	v0 =	vmin.u32 v0, $0x400;
	_ =	sdelay $0x3  }
0x85: {  	s19 =	simm.s32 $0x460;
	s20 =	simm.s32 $0x230  }
0x86: {  	[spmem:s5] =	stream.indirect_vreg.scatter.add.s32 [tilespmem:s19], [sflag:$0x1], $0x1, v0, vm0, $0x4038;
	[tilespmem:$0x4C0] =	vst v63  }
0x87: {  	v0 =	vld.msk [tilespmem:s20+$0x0 ss:$0x1], $0xffff;
	_ =	sdelay $0x4  }
0x88: {  	v0 =	vmin.u32 v0, $0x400;
	_ =	sdelay $0x3  }
0x89: {  	s21 =	simm.s32 $0x470;
	s22 =	simm.s32 $0x240  }
0x8a: {  	[spmem:s5] =	stream.indirect_vreg.scatter.add.s32 [tilespmem:s21], [sflag:$0x1], $0x1, v0, vm0, $0x4038;
	[tilespmem:$0x4C0] =	vst v63  }
0x8b: {  	v0 =	vld.msk [tilespmem:s22+$0x0 ss:$0x1], $0xffff;
	_ =	sdelay $0x4  }
0x8c: {  	v0 =	vmin.u32 v0, $0x400;
	_ =	sdelay $0x3  }
0x8d: {  	s23 =	simm.s32 $0x480;
	s24 =	simm.s32 $0x250  }
0x8e: {  	[spmem:s5] =	stream.indirect_vreg.scatter.add.s32 [tilespmem:s23], [sflag:$0x1], $0x1, v0, vm0, $0x4038;
	[tilespmem:$0x4C0] =	vst v63  }
0x8f: {  	v0 =	vld.msk [tilespmem:s24+$0x0 ss:$0x1], $0xffff;
	_ =	sdelay $0x4  }
0x90: {  	v0 =	vmin.u32 v0, $0x400;
	_ =	sdelay $0x3  }
0x91: {  	s25 =	simm.s32 $0x490;
	s26 =	simm.s32 $0x260  }
0x92: {  	[spmem:s5] =	stream.indirect_vreg.scatter.add.s32 [tilespmem:s25], [sflag:$0x1], $0x1, v0, vm0, $0x4038;
	[tilespmem:$0x4C0] =	vst v63  }
0x93: {  	v0 =	vld.msk [tilespmem:s26+$0x0 ss:$0x1], $0xffff;
	_ =	sdelay $0x4  }
0x94: {  	v0 =	vmin.u32 v0, $0x400;
	_ =	sdelay $0x3  }
0x95: {  	s28 =	simm.s32 $0x4A0;
	s29 =	simm.s32 $0x270  }
0x96: {  	[spmem:s5] =	stream.indirect_vreg.scatter.add.s32 [tilespmem:s28], [sflag:$0x1], $0x1, v0, vm0, $0x4038;
	[tilespmem:$0x4C0] =	vst v63  }
0x97: {  	v0 =	vld.msk [tilespmem:s29+$0x0 ss:$0x1], $0xffff;
	_ =	sdelay $0x4  }
0x98: {  	v0 =	vmin.u32 v0, $0x400;
	_ =	sdelay $0x3  }
0x99: {  	s30 =	simm.s32 $0x4B0  }
0x9a: {  	[spmem:s5] =	stream.indirect_vreg.scatter.add.s32 [tilespmem:s30], [sflag:$0x1], $0x1, v0, vm0, $0x4038;
	[tilespmem:$0x4C0] =	vst v63  }
0x9b: {  	_ =	swait.ge [sflag:s3], $0x120  }
0x9c: {  	[sflag:s3] =	ssyncset.done $0x0  }
0x9d: {  	[sflag:s3] =	ssyncadd.s32 $0xFFFFFEE0  }
0x9e: {  	_ =	sfence.sel $0x180000  }
0x9f: {  	[bflag:$0x0] =	sbarrier.arrive $0xFFFF  }
0xa0: {  	[sflag:s4] =	ssyncpa.u1 $0x1  }
0xa1: {  	[sflag:s3] =	ssyncpa.u1 $0x1  }
0xa2: {  	_ =	sfence.stream.spmem  }
0xa3: {  	s31 =	simm.s32 $0x3D;
	[bflag:$0x0] =	sbarrier.arrive $0xFFFF  }
0xa4: {  	s3 =	simm.s32 @p0 $0x3D;
	[sflag:s31] =	ssyncpa.u1 $0x0  }
0xa5: {  	[sflag:s3] =	ssyncpa.u1 @p0 $0x1  }
0xa6: {  	[bflag:$0x0] =	sbarrier.arrive @p0 $0xFFFF  }
0xa7: {  	_ =	strace @p0 $0x9000006E  }
0xa8: {  	s3 =	simm.s32 @!p0 $0x1C3D;
	[bflag:$0x2] =	sbarrier.arrive @p0 $0xFFFF  }
0xa9: {  	[hbm:s1], [sflag:s3] =	dma.local @!p0 [spmem:s2], $0x80  }
0xaa: {  	s1 =	simm.s32 @!p0 $0x3D  }
0xab: {  	_ =	swait.ge @!p0 [sflag:s1], $0x80  }
0xac: {  	[sflag:s1] =	ssyncset.done @!p0 $0x0  }
0xad: {  	[sflag:s1] =	ssyncadd.s32 @!p0 $0xFFFFFF80  }
0xae: {  	[sflag:s1] =	ssyncpa.u1 @!p0 $0x1  }
0xaf: {  	[bflag:$0x0] =	sbarrier.arrive @!p0 $0xFFFF  }
0xb0: {  	_ =	strace @!p0 $0x9000006E  }
0xb1: {  	s0 =	sadd.s32 @!p0 $0x100000, s0;
	[bflag:$0x2] =	sbarrier.arrive @!p0 $0xFFFF  }
0xb2: {  	[sflag:s0] =	ssyncadd.tile.s32 @!p0 $0x1;
	_ =	shalt  }
.Lfunc_end3:
_tile_overlayer_lowered:
.L_overlay_start_3:
0xb3: {  	(tag) =	ssettag $0x3  }
0xb4: {  	s0 =	rddreg [dreg:$0x0];
	s2 =	stileid.u32  }
0xb5: {  	s1 =	rddreg [dreg:$0x1];
	p0 =	sne.s32 s2, $0x0  }
0xb6: {  	s3 =	rddreg [dreg:$0x2];
	[bflag:$0x3] =	sbarrier.arrive $0xFFFF;
	s2 =	simm.s32 @!p0 $0x1C01  }
0xb7: {  	[timem:s3], [sflag:s2] =	dma.local @!p0 [hbm:s0], s1  }
0xb8: {  	s0 =	simm.s32 @!p0 $0x1  }
0xb9: {  	_ =	swait.ge @!p0 [sflag:s0], s1  }
0xba: {  	s1 =	ssub.s32 @!p0 $0x0, s1;
	[sflag:s0] =	ssyncset.done @!p0 $0x0  }
0xbb: {  	[sflag:s0] =	ssyncadd.s32 @!p0 s1  }
0xbc: {  	[bflag:$0x3] =	sbarrier.arrive $0xFFFF  }
0xbd: {  	_ =	shalt  }

// kernel: scatter_offload_async_start.7
scs
__scs_entry_jumppad:
0x0: {  	(pc) =	sbr.rel $0x88, $3  }
0x1: {  	(tag) =	ssettag $0x0;
	lr =	simm.s32 $0x1  }
0x2: {  	[smem:$0x3F9F] =	sst lr;
	_ =	strace $0xD0000000  }
0x3: {  	_ = 	snop  }
0x4: {  	_ = 	snop  }
0x5: {  	_ = 	snop  }
0x6: {  	_ = 	snop  }
0x7: {  	_ = 	snop  }
__scs_overlays_trampoline_lowered:
0x8: {  	[smem:$0x3FAE] =	sst s0  }
0x9: {  	[smem:$0x3FAF] =	sst s1  }
0xa: {  	[smem:$0x3FB0] =	sst s2  }
0xb: {  	[smem:$0x3FB1] =	sst s3  }
0xc: {  	[smem:$0x3FB2] =	sst s4  }
0xd: {  	[smem:$0x3FB3] =	sst s5  }
0xe: {  	[smem:$0x3FB4] =	sst s6  }
0xf: {  	[smem:$0x3FB5] =	sst s7  }
0x10: {  	[smem:$0x3FB6] =	sst s8  }
0x11: {  	[smem:$0x3FB7] =	sst s9;
	s0 =	simm.s32 @!p0 $0x0  }
0x12: {  	s1 =	sld [smem:$0x3F9D];
	s0 =	simm.s32 @p0 $0x1  }
0x13: {  	[smem:$0x3FB8] =	sst s0;
	s0 =	simm.s32 @!p1 $0x0  }
0x14: {  	s2 =	sld [smem:$0x3F9C];
	s0 =	simm.s32 @p1 $0x1  }
0x15: {  	[smem:$0x3FB9] =	sst s0;
	s0 =	simm.s32 @!p2 $0x0  }
0x16: {  	s3 =	sld [smem:$0x3FDB];
	s0 =	simm.s32 @p2 $0x1  }
0x17: {  	s4 =	simm.s32 $0x1BF5;
	[smem:$0x3FBB] =	sst s0  }
0x18: {  	s0 =	sld [smem:$0x3F9E];
	_ =	swait.ge [sflag:s4], $0x0  }
0x19: {  	s7 =	sld [smem:$0x3F9F]  }
0x1a: {  	s8 =	sadd.s32 $0xFFFFE003, lr  }
0x1b: {  	s9 =	sadd.s32 $0xFFFFFEF7, lr;
	s5 =	simm.s32 $0xFFFFFFFF;
	p2 =	slt.u32 s8, $0xFFFFF086  }
0x1c: {  	p1 =	slt.u32 s9, $0xF7A;
	s5 =	simm.s32 @!p2 $0x0  }
0x1d: {  	s5 =	simm.s32 @p1 $0x1;
	p0 =	seq.s32 s7, s2  }
0x1e: {  	s7 =	smul.u32 @!p0 $0xF7A, s2;
	p2 =	seq.s32 @!p0 s5, $0x0  }
0x1f: {  	s9 =	smul.u32 $0xF7A, s1;
	s8 =	simm.s32 @!p0 $0x1BF5;
	p2 =	por !p2, p0  }
0x20: {  	[sflag:s8] =	ssyncset.s32 @!p0 $0xFFFFF086;
	s6 =	sadd.s32 @!p0 s3, s7;
	s7 =	simm.s32 @!p0 $0x108  }
0x21: {  	s3 =	sadd.s32 s3, s9;
	s6 =	sadd.s32 @!p0 $0x88, s6;
	s7 =	simm.s32 @p2 $0x1082  }
0x22: {  	[simem:s7], [sflag:s8] =	dma.local @!p0 [hbm:s6], $0xF7A  }
0x23: {  	s9 =	sor.u32 $0xD0000000, s2;
	s6 =	simm.s32 $0x108;
	_ =	swait.ge @!p0 [sflag:s8], $0x0  }
0x24: {  	s3 =	sadd.s32 $0x88, s3;
	s6 =	simm.s32 @!p1 $0x1082;
	[sflag:s4] =	ssyncset.s32 $0xFFFFF086  }
0x25: {  	[simem:s6], [sflag:s4] =	dma.local [hbm:s3], $0xF7A  }
0x26: {  	[smem:$0x3F9F] =	sst s1;
	(tag) =	ssettag s2;
	_ =	strace s9  }
0x27: {  	s1 =	sld [smem:$0x3FAF]  }
0x28: {  	s2 =	sld [smem:$0x3FB0]  }
0x29: {  	s4 =	sld [smem:$0x3FB2]  }
0x2a: {  	p0 =	seq.s32 s5, $0x0;
	s5 =	sld [smem:$0x3FB3]  }
0x2b: {  	s6 =	sld [smem:$0x3FB4]  }
0x2c: {  	s7 =	sld [smem:$0x3FB5]  }
0x2d: {  	s3 =	simm.s32 $0x108;
	s8 =	sld [smem:$0x3FB6]  }
0x2e: {  	s3 =	simm.s32 @!p0 $0x1082;
	s9 =	sld [smem:$0x3FB7]  }
0x2f: {  	lr =	sadd.s32 s0, s3;
	s0 =	sld [smem:$0x3FAE]  }
0x30: {  	s3 =	sld [smem:$0x3FB1]  }
0x31: {  	[smem:$0x3FBA] =	sst s10  }
0x32: {  	s10 =	sld [smem:$0x3FB8];
	_ =	sdelay $0x3  }
0x33: {  	p0 =	seq.s32 s10, $0x1;
	s10 =	sld [smem:$0x3FBA];
	_ =	sdelay $0x3  }
0x34: {  	[smem:$0x3FBA] =	sst s10  }
0x35: {  	s10 =	sld [smem:$0x3FB9];
	_ =	sdelay $0x3  }
0x36: {  	p1 =	seq.s32 s10, $0x1;
	s10 =	sld [smem:$0x3FBA];
	_ =	sdelay $0x3  }
0x37: {  	[smem:$0x3FBA] =	sst s10  }
0x38: {  	s10 =	sld [smem:$0x3FBB]  }
0x39: {  	_ = 	snop;
	(pc) =	sbr.ind lr, $3  }
0x3a: {  	_ = 	snop  }
0x3b: {  	_ = 	snop  }
0x3c: {  	p2 =	seq.s32 s10, $0x1;
	s10 =	sld [smem:$0x3FBA]  }
0x3d: {  	_ =	shalt  }
0x3e: {  	_ =	shalt  }
0x3f: {  	_ =	shalt  }
0x40: {  	_ =	shalt  }
0x41: {  	_ =	shalt  }
0x42: {  	_ =	shalt  }
0x43: {  	_ =	shalt  }
0x44: {  	_ =	shalt  }
0x45: {  	_ =	shalt  }
0x46: {  	_ =	shalt  }
0x47: {  	_ =	shalt  }
0x48: {  	_ =	shalt  }
0x49: {  	_ =	shalt  }
0x4a: {  	_ =	shalt  }
0x4b: {  	_ =	shalt  }
0x4c: {  	_ =	shalt  }
0x4d: {  	_ =	shalt  }
0x4e: {  	_ =	shalt  }
0x4f: {  	_ =	shalt  }
0x50: {  	_ =	shalt  }
0x51: {  	_ =	shalt  }
0x52: {  	_ =	shalt  }
0x53: {  	_ =	shalt  }
0x54: {  	_ =	shalt  }
0x55: {  	_ =	shalt  }
0x56: {  	_ =	shalt  }
0x57: {  	_ =	shalt  }
0x58: {  	_ =	shalt  }
0x59: {  	_ =	shalt  }
0x5a: {  	_ =	shalt  }
0x5b: {  	_ =	shalt  }
0x5c: {  	_ =	shalt  }
0x5d: {  	_ =	shalt  }
0x5e: {  	_ =	shalt  }
0x5f: {  	_ =	shalt  }
0x60: {  	_ =	shalt  }
0x61: {  	_ =	shalt  }
0x62: {  	_ =	shalt  }
0x63: {  	_ =	shalt  }
0x64: {  	_ =	shalt  }
0x65: {  	_ =	shalt  }
0x66: {  	_ =	shalt  }
0x67: {  	_ =	shalt  }
0x68: {  	_ =	shalt  }
0x69: {  	_ =	shalt  }
0x6a: {  	_ =	shalt  }
0x6b: {  	_ =	shalt  }
0x6c: {  	_ =	shalt  }
0x6d: {  	_ =	shalt  }
0x6e: {  	_ =	shalt  }
0x6f: {  	_ =	shalt  }
0x70: {  	_ =	shalt  }
0x71: {  	_ =	shalt  }
0x72: {  	_ =	shalt  }
0x73: {  	_ =	shalt  }
0x74: {  	_ =	shalt  }
0x75: {  	_ =	shalt  }
0x76: {  	_ =	shalt  }
0x77: {  	_ =	shalt  }
0x78: {  	_ =	shalt  }
0x79: {  	_ =	shalt  }
0x7a: {  	_ =	shalt  }
0x7b: {  	_ =	shalt  }
0x7c: {  	_ =	shalt  }
0x7d: {  	_ =	shalt  }
0x7e: {  	_ =	shalt  }
0x7f: {  	_ =	shalt  }
0x80: {  	_ =	shalt  }
0x81: {  	_ =	shalt  }
0x82: {  	_ =	shalt  }
0x83: {  	_ =	shalt  }
0x84: {  	_ =	shalt  }
0x85: {  	_ =	shalt  }
0x86: {  	_ =	shalt  }
0x87: {  	_ =	shalt  }
.Lfunc_end0:
.L_simem_size_0:
called_computation.7_lowered:
.L_overlay_start_0:
0x88: {  	s0 =	sld [smem:$0x3FD9]  }
0x89: {  	s1 =	sld [smem:$0x3FFE];
	_ =	sdelay $0x3  }
0x8a: {  	s0 =	sadd.s32 s1, s0  }
0x8b: {  	[smem:$0x3FC6] =	sst s0  }
0x8c: {  	_ = 	snop  }
0x8d: {  	(tm) =	ssettm $0x1  }
0x8e: {  	s15 =	sld [smem:$0x3FFB];
	_ =	sdelay $0x3  }
0x8f: {  	_ =	strace s15  }
0x90: {  	s0 =	sld [smem:$0x3FFC];
	_ =	sdelay $0x3  }
0x91: {  	_ =	strace s0  }
0x92: {  	s0 =	sld [smem:$0x3FFD];
	_ =	sdelay $0x3  }
0x93: {  	_ =	strace s0  }
0x94: {  	_ =	strace $0x8FFFFFFF  }
0x95: {  	s16 =	sld [smem:$0x3FDB];
	_ =	sdelay $0x1  }
0x96: {  	s17 =	simm.s32 $_scs_section_size  }
0x97: {  	s2 =	simm.s32 $_size__tile_overlayer_lowered;
	s3 =	simm.s32 $_tile_overlayer_lowered  }
0x98: {  	s20 =	simm.s32 $0x1BFF;
	s19 =	sshll.u32 s3, $0x1;
	s0 =	sadd.s32 s17, s16  }
0x99: {  	s4 =	simm.s32 $0x0;
	s18 =	sshll.u32 s2, $0x1;
	s2 =	sadd.s32 s19, s0  }
0x9a: {  	[timem:s4], [sflag:s20] =	dma.local [hbm:s2], s18  }
0x9b: {  	_ =	swait.ge [sflag:s20], s18  }
0x9c: {  	s1 =	ssub.s32 $0x0, s18;
	[sflag:s20] =	ssyncset.done $0x0  }
0x9d: {  	[sflag:s20] =	ssyncadd.s32 s1;
	_ =	sdelay $0x1  }
0x9e: {  	s21 =	simm.s32 $0x1B8B  }
0x9f: {  	_ =	swait.ge [sflag:s21], $0x1  }
0xa0: {  	[sflag:s21] =	ssyncset.done $0x0  }
0xa1: {  	s23 =	simm.s32 $0x1B8E;
	s22 =	sld [smem:$0x3FFE];
	[sflag:s21] =	ssyncadd.s32 $0xFFFFFFFF  }
0xa2: {  	s24 =	simm.s32 $execute0_lowered;
	[smem:$0x3FD2] =	sst s23  }
0xa3: {  	s2 =	sshll.u32 s24, $0x1;
	_ =	strace $0x80000070;
	[dreg:$0x1] =	wrdreg $0xFFFFFFFF  }
0xa4: {  	s25 =	simm.s32 $_size_execute0_lowered;
	s0 =	sadd.s32 s0, s2;
	[dreg:$0x0] =	wrdreg $0x0  }
0xa5: {  	s2 =	sshll.u32 s25, $0x1;
	[dreg:$0x2] =	wrdreg s0  }
0xa6: {  	[dreg:$0x3] =	wrdreg s2  }
0xa7: {  	[dreg:$0x4] =	wrdreg $0xC0  }
0xa8: {  	_ =	task [dreg:s4], $0x5FFFF  }
0xa9: {  	[dreg:$0x1] =	wrdreg $0xFFFFFFFF  }
0xaa: {  	[dreg:$0x0] =	wrdreg $0x60  }
0xab: {  	[dreg:$0x2] =	wrdreg s22  }
0xac: {  	[dreg:$0x3] =	wrdreg $0x9  }
0xad: {  	_ =	task.clear_ibuf [dreg:s4], $0x4FFFF;
	_ =	strace $0x90000070  }
0xae: {  	s26 =	simm.s32 $0x9;
	_ =	strace $0x80000072  }
0xaf: {  	_ =	swait.ge [sflag:s26], $0x1  }
0xb0: {  	[sflag:s26] =	ssyncadd.s32 $0xFFFFFFFF  }
0xb1: {  	_ =	strace $0x90000072  }
0xb2: {  	_ =	sfence  }
0xb3: {  	s28 =	sld [smem:$0x0];
	_ =	sdelay $0x1  }
0xb4: {  	s29 =	srdreg.scid  }
0xb5: {  	s30 =	sshll.u32 s29, $0xD;
	s31 =	sshrl.u32 s29, $0x2  }
0xb6: {  	s1 =	sand.u32 $0x1, s29;
	s2 =	sand.u32 $0x4000, s30;
	s0 =	sadd.s32 s31, s28  }
0xb7: {  	s1 =	sor.u32 s2, s1;
	s0 =	sshll.u32 s0, $0x11  }
0xb8: {  	s0 =	sor.u32 s0, s1  }
0xb9: {  	s0 =	sadd.s32 $0x8F2B, s0  }
0xba: {  	[sflag:s0] =	ssyncadd.remote.s32 $0x1  }
0xbb: {  	_ =	sfence.sel $0xFFFF  }
0xbc: {  	[dreg:$0x0] =	wrdreg $0xFFFFFFFF;
	(pc) =	sbr.abs _section_cstart, $3  }
0xbd: {  	[dreg:$0x1] =	wrdreg $0xFFFFFFFF  }
0xbe: {  	_ =	task.clear_ibuf [dreg:s4], $0x2FFFF;
	_ =	strace $0x9FFFFFFF  }
0xbf: {  	(tm) =	ssettm $0x7FFFFFFF  }
tec
execute0_lowered:
.L_overlay_start_1:
0x0: {  	(tag) =	ssettag $0x1  }
0x1: {  	s5 =	rddreg [dreg:$0x0]  }
0x2: {  	s0 =	rddreg [dreg:$0x1];
	_ =	strace $0x80000071;
	s6 =	stileid.u32  }
0x3: {  	s3 =	simm.s32 $0x3E;
	s1 =	sadd.s32 $0x6E800, s5;
	p0 =	sne.s32 s6, $0x0  }
0x4: {  	[sflag:s3] =	ssyncpa.u1 $0x0;
	s4 =	simm.s32 @!p0 $0x1C3E;
	s2 =	simm.s32 @!p0 $0x0  }
0x5: {  	[spmem:s2], [sflag:s4] =	dma.local @!p0 [hbm:s1], $0x80  }
0x6: {  	s4 =	simm.s32 @!p0 $0x3E  }
0x7: {  	_ =	swait.ge @!p0 [sflag:s4], $0x80  }
0x8: {  	[sflag:s4] =	ssyncset.done @!p0 $0x0  }
0x9: {  	s9 =	simm.s32 $0x160;
	[sflag:s4] =	ssyncadd.s32 @!p0 $0xFFFFFF80  }
0xa: {  	s6 =	smul.u32 $0x24, s6;
	s7 =	sadd.s32 $0x92400, s5;
	[bflag:$0x0] =	sbarrier.arrive $0xFFFF  }
0xb: {  	s8 =	sadd.s32 $0x6E400, s5;
	[sflag:s3] =	ssyncpa.u1 $0x1;
	s3 =	simm.s32 $0x1  }
0xc: {  	s5 =	simm.s32 $0x0;
	s4 =	simm.s32 $0x2;
	[sflag:s3] =	ssyncpa.u1 $0x0  }
0xd: {  	s7 =	sadd.s32 s7, s6;
	(ifvalue) =	ssetifvalue $0x400;
	[sflag:s4] =	ssyncpa.u1 $0x0  }
0xe: {  	[tilespmem:s9], [sflag:$0x2] =	stream.linear.gather [hbm4b:s7+s5], $0x120, $0x38;
	[tilespmem:$0x4C0] =	vst v63  }
0xf: {  	s19 =	simm.s32 $0x3A0;
	s6 =	sadd.s32 s8, s6  }
0x10: {  	[tilespmem:s19], [sflag:$0x2] =	stream.linear.gather [hbm4b:s6+s5], $0x120, $0x38;
	[tilespmem:$0x4C0] =	vst v63  }
0x11: {  	_ =	swait.ge [sflag:s4], $0x240  }
0x12: {  	[sflag:s4] =	ssyncset.done $0x0  }
0x13: {  	[sflag:s4] =	ssyncadd.s32 $0xFFFFFDC0  }
0x14: {  	v0 =	vld.msk [tilespmem:s9+$0x0 ss:$0x1], $0xffff;
	_ =	sdelay $0x4  }
0x15: {  	v0 =	vmin.u32 v0, $0x400;
	_ =	sdelay $0x3  }
0x16: {  	vm0 =	vmmov $0xffff;
	s20 =	simm.s32 $0x170  }
0x17: {  	[spmem:s5] =	stream.indirect_vreg.scatter.add.s32 [tilespmem:s19], [sflag:$0x1], $0x1, v0, vm0, $0x4038;
	[tilespmem:$0x4C0] =	vst v63  }
0x18: {  	v0 =	vld.msk [tilespmem:s20+$0x0 ss:$0x1], $0xffff;
	_ =	sdelay $0x4  }
0x19: {  	v0 =	vmin.u32 v0, $0x400;
	_ =	sdelay $0x3  }
0x1a: {  	s21 =	simm.s32 $0x3B0;
	s22 =	simm.s32 $0x180  }
0x1b: {  	[spmem:s5] =	stream.indirect_vreg.scatter.add.s32 [tilespmem:s21], [sflag:$0x1], $0x1, v0, vm0, $0x4038;
	[tilespmem:$0x4C0] =	vst v63  }
0x1c: {  	v0 =	vld.msk [tilespmem:s22+$0x0 ss:$0x1], $0xffff;
	_ =	sdelay $0x4  }
0x1d: {  	v0 =	vmin.u32 v0, $0x400;
	_ =	sdelay $0x3  }
0x1e: {  	s23 =	simm.s32 $0x3C0;
	s24 =	simm.s32 $0x190  }
0x1f: {  	[spmem:s5] =	stream.indirect_vreg.scatter.add.s32 [tilespmem:s23], [sflag:$0x1], $0x1, v0, vm0, $0x4038;
	[tilespmem:$0x4C0] =	vst v63  }
0x20: {  	v0 =	vld.msk [tilespmem:s24+$0x0 ss:$0x1], $0xffff;
	_ =	sdelay $0x4  }
0x21: {  	v0 =	vmin.u32 v0, $0x400;
	_ =	sdelay $0x3  }
0x22: {  	s25 =	simm.s32 $0x3D0;
	s26 =	simm.s32 $0x1A0  }
0x23: {  	[spmem:s5] =	stream.indirect_vreg.scatter.add.s32 [tilespmem:s25], [sflag:$0x1], $0x1, v0, vm0, $0x4038;
	[tilespmem:$0x4C0] =	vst v63  }
0x24: {  	v0 =	vld.msk [tilespmem:s26+$0x0 ss:$0x1], $0xffff;
	_ =	sdelay $0x4  }
0x25: {  	v0 =	vmin.u32 v0, $0x400;
	_ =	sdelay $0x3  }
0x26: {  	s28 =	simm.s32 $0x3E0;
	s29 =	simm.s32 $0x1B0  }
0x27: {  	[spmem:s5] =	stream.indirect_vreg.scatter.add.s32 [tilespmem:s28], [sflag:$0x1], $0x1, v0, vm0, $0x4038;
	[tilespmem:$0x4C0] =	vst v63  }
0x28: {  	v0 =	vld.msk [tilespmem:s29+$0x0 ss:$0x1], $0xffff;
	_ =	sdelay $0x4  }
0x29: {  	v0 =	vmin.u32 v0, $0x400;
	_ =	sdelay $0x3  }
0x2a: {  	s30 =	simm.s32 $0x3F0;
	s31 =	simm.s32 $0x1C0  }
0x2b: {  	[spmem:s5] =	stream.indirect_vreg.scatter.add.s32 [tilespmem:s30], [sflag:$0x1], $0x1, v0, vm0, $0x4038;
	[tilespmem:$0x4C0] =	vst v63  }
0x2c: {  	v0 =	vld.msk [tilespmem:s31+$0x0 ss:$0x1], $0xffff;
	_ =	sdelay $0x4  }
0x2d: {  	v0 =	vmin.u32 v0, $0x400;
	_ =	sdelay $0x3  }
0x2e: {  	s8 =	simm.s32 $0x1D0;
	s7 =	simm.s32 $0x400  }
0x2f: {  	[spmem:s5] =	stream.indirect_vreg.scatter.add.s32 [tilespmem:s7], [sflag:$0x1], $0x1, v0, vm0, $0x4038;
	[tilespmem:$0x4C0] =	vst v63  }
0x30: {  	v0 =	vld.msk [tilespmem:s8+$0x0 ss:$0x1], $0xffff;
	_ =	sdelay $0x4  }
0x31: {  	v0 =	vmin.u32 v0, $0x400;
	_ =	sdelay $0x3  }
0x32: {  	s10 =	simm.s32 $0x1E0;
	s9 =	simm.s32 $0x410  }
0x33: {  	[spmem:s5] =	stream.indirect_vreg.scatter.add.s32 [tilespmem:s9], [sflag:$0x1], $0x1, v0, vm0, $0x4038;
	[tilespmem:$0x4C0] =	vst v63  }
0x34: {  	v0 =	vld.msk [tilespmem:s10+$0x0 ss:$0x1], $0xffff;
	_ =	sdelay $0x4  }
0x35: {  	v0 =	vmin.u32 v0, $0x400;
	_ =	sdelay $0x3  }
0x36: {  	s11 =	simm.s32 $0x420;
	s12 =	simm.s32 $0x1F0  }
0x37: {  	[spmem:s5] =	stream.indirect_vreg.scatter.add.s32 [tilespmem:s11], [sflag:$0x1], $0x1, v0, vm0, $0x4038;
	[tilespmem:$0x4C0] =	vst v63  }
0x38: {  	v0 =	vld.msk [tilespmem:s12+$0x0 ss:$0x1], $0xffff;
	_ =	sdelay $0x4  }
0x39: {  	v0 =	vmin.u32 v0, $0x400;
	_ =	sdelay $0x3  }
0x3a: {  	s13 =	simm.s32 $0x430;
	s14 =	simm.s32 $0x200  }
0x3b: {  	[spmem:s5] =	stream.indirect_vreg.scatter.add.s32 [tilespmem:s13], [sflag:$0x1], $0x1, v0, vm0, $0x4038;
	[tilespmem:$0x4C0] =	vst v63  }
0x3c: {  	v0 =	vld.msk [tilespmem:s14+$0x0 ss:$0x1], $0xffff;
	_ =	sdelay $0x4  }
0x3d: {  	v0 =	vmin.u32 v0, $0x400;
	_ =	sdelay $0x3  }
0x3e: {  	s15 =	simm.s32 $0x440;
	s16 =	simm.s32 $0x210  }
0x3f: {  	[spmem:s5] =	stream.indirect_vreg.scatter.add.s32 [tilespmem:s15], [sflag:$0x1], $0x1, v0, vm0, $0x4038;
	[tilespmem:$0x4C0] =	vst v63  }
0x40: {  	v0 =	vld.msk [tilespmem:s16+$0x0 ss:$0x1], $0xffff;
	_ =	sdelay $0x4  }
0x41: {  	v0 =	vmin.u32 v0, $0x400;
	_ =	sdelay $0x3  }
0x42: {  	s17 =	simm.s32 $0x450;
	s18 =	simm.s32 $0x220  }
0x43: {  	[spmem:s5] =	stream.indirect_vreg.scatter.add.s32 [tilespmem:s17], [sflag:$0x1], $0x1, v0, vm0, $0x4038;
	[tilespmem:$0x4C0] =	vst v63  }
0x44: {  	v0 =	vld.msk [tilespmem:s18+$0x0 ss:$0x1], $0xffff;
	_ =	sdelay $0x4  }
0x45: {  	v0 =	vmin.u32 v0, $0x400;
	_ =	sdelay $0x3  }
0x46: {  	s19 =	simm.s32 $0x460;
	s20 =	simm.s32 $0x230  }
0x47: {  	[spmem:s5] =	stream.indirect_vreg.scatter.add.s32 [tilespmem:s19], [sflag:$0x1], $0x1, v0, vm0, $0x4038;
	[tilespmem:$0x4C0] =	vst v63  }
0x48: {  	v0 =	vld.msk [tilespmem:s20+$0x0 ss:$0x1], $0xffff;
	_ =	sdelay $0x4  }
0x49: {  	v0 =	vmin.u32 v0, $0x400;
	_ =	sdelay $0x3  }
0x4a: {  	s21 =	simm.s32 $0x470;
	s22 =	simm.s32 $0x240  }
0x4b: {  	[spmem:s5] =	stream.indirect_vreg.scatter.add.s32 [tilespmem:s21], [sflag:$0x1], $0x1, v0, vm0, $0x4038;
	[tilespmem:$0x4C0] =	vst v63  }
0x4c: {  	v0 =	vld.msk [tilespmem:s22+$0x0 ss:$0x1], $0xffff;
	_ =	sdelay $0x4  }
0x4d: {  	v0 =	vmin.u32 v0, $0x400;
	_ =	sdelay $0x3  }
0x4e: {  	s23 =	simm.s32 $0x480;
	s24 =	simm.s32 $0x250  }
0x4f: {  	[spmem:s5] =	stream.indirect_vreg.scatter.add.s32 [tilespmem:s23], [sflag:$0x1], $0x1, v0, vm0, $0x4038;
	[tilespmem:$0x4C0] =	vst v63  }
0x50: {  	v0 =	vld.msk [tilespmem:s24+$0x0 ss:$0x1], $0xffff;
	_ =	sdelay $0x4  }
0x51: {  	v0 =	vmin.u32 v0, $0x400;
	_ =	sdelay $0x3  }
0x52: {  	s25 =	simm.s32 $0x490;
	s26 =	simm.s32 $0x260  }
0x53: {  	[spmem:s5] =	stream.indirect_vreg.scatter.add.s32 [tilespmem:s25], [sflag:$0x1], $0x1, v0, vm0, $0x4038;
	[tilespmem:$0x4C0] =	vst v63  }
0x54: {  	v0 =	vld.msk [tilespmem:s26+$0x0 ss:$0x1], $0xffff;
	_ =	sdelay $0x4  }
0x55: {  	v0 =	vmin.u32 v0, $0x400;
	_ =	sdelay $0x3  }
0x56: {  	s28 =	simm.s32 $0x4A0;
	s29 =	simm.s32 $0x270  }
0x57: {  	[spmem:s5] =	stream.indirect_vreg.scatter.add.s32 [tilespmem:s28], [sflag:$0x1], $0x1, v0, vm0, $0x4038;
	[tilespmem:$0x4C0] =	vst v63  }
0x58: {  	v0 =	vld.msk [tilespmem:s29+$0x0 ss:$0x1], $0xffff;
	_ =	sdelay $0x4  }
0x59: {  	v0 =	vmin.u32 v0, $0x400;
	_ =	sdelay $0x3  }
0x5a: {  	s30 =	simm.s32 $0x4B0  }
0x5b: {  	[spmem:s5] =	stream.indirect_vreg.scatter.add.s32 [tilespmem:s30], [sflag:$0x1], $0x1, v0, vm0, $0x4038;
	[tilespmem:$0x4C0] =	vst v63  }
0x5c: {  	_ =	swait.ge [sflag:s3], $0x120  }
0x5d: {  	[sflag:s3] =	ssyncset.done $0x0  }
0x5e: {  	[sflag:s3] =	ssyncadd.s32 $0xFFFFFEE0  }
0x5f: {  	_ =	sfence.sel $0x180000  }
0x60: {  	[bflag:$0x0] =	sbarrier.arrive $0xFFFF  }
0x61: {  	[sflag:s4] =	ssyncpa.u1 $0x1  }
0x62: {  	[sflag:s3] =	ssyncpa.u1 $0x1  }
0x63: {  	_ =	sfence.stream.spmem  }
0x64: {  	s31 =	simm.s32 $0x3D;
	[bflag:$0x0] =	sbarrier.arrive $0xFFFF  }
0x65: {  	s3 =	simm.s32 @p0 $0x3D;
	[sflag:s31] =	ssyncpa.u1 $0x0  }
0x66: {  	[sflag:s3] =	ssyncpa.u1 @p0 $0x1  }
0x67: {  	[bflag:$0x0] =	sbarrier.arrive @p0 $0xFFFF  }
0x68: {  	_ =	strace @p0 $0x90000071  }
0x69: {  	s3 =	simm.s32 @!p0 $0x1C3D;
	[bflag:$0x2] =	sbarrier.arrive @p0 $0xFFFF  }
0x6a: {  	[hbm:s1], [sflag:s3] =	dma.local @!p0 [spmem:s2], $0x80  }
0x6b: {  	s1 =	simm.s32 @!p0 $0x3D  }
0x6c: {  	_ =	swait.ge @!p0 [sflag:s1], $0x80  }
0x6d: {  	[sflag:s1] =	ssyncset.done @!p0 $0x0  }
0x6e: {  	[sflag:s1] =	ssyncadd.s32 @!p0 $0xFFFFFF80  }
0x6f: {  	[sflag:s1] =	ssyncpa.u1 @!p0 $0x1  }
0x70: {  	[bflag:$0x0] =	sbarrier.arrive @!p0 $0xFFFF  }
0x71: {  	_ =	strace @!p0 $0x90000071  }
0x72: {  	s0 =	sadd.s32 @!p0 $0x100000, s0;
	[bflag:$0x2] =	sbarrier.arrive @!p0 $0xFFFF  }
0x73: {  	[sflag:s0] =	ssyncadd.tile.s32 @!p0 $0x1;
	_ =	shalt  }
.Lfunc_end2:
_tile_overlayer_lowered:
.L_overlay_start_2:
0x74: {  	(tag) =	ssettag $0x2  }
0x75: {  	s0 =	rddreg [dreg:$0x0];
	s2 =	stileid.u32  }
0x76: {  	s1 =	rddreg [dreg:$0x1];
	p0 =	sne.s32 s2, $0x0  }
0x77: {  	s3 =	rddreg [dreg:$0x2];
	[bflag:$0x3] =	sbarrier.arrive $0xFFFF;
	s2 =	simm.s32 @!p0 $0x1C01  }
0x78: {  	[timem:s3], [sflag:s2] =	dma.local @!p0 [hbm:s0], s1  }
0x79: {  	s0 =	simm.s32 @!p0 $0x1  }
0x7a: {  	_ =	swait.ge @!p0 [sflag:s0], s1  }
0x7b: {  	s1 =	ssub.s32 @!p0 $0x0, s1;
	[sflag:s0] =	ssyncset.done @!p0 $0x0  }
0x7c: {  	[sflag:s0] =	ssyncadd.s32 @!p0 s1  }
0x7d: {  	[bflag:$0x3] =	sbarrier.arrive $0xFFFF  }
0x7e: {  	_ =	shalt  }

// kernel: scatter_offload_async_start
scs
__scs_entry_jumppad:
0x0: {  	(pc) =	sbr.rel $0x88, $3  }
0x1: {  	(tag) =	ssettag $0x0;
	lr =	simm.s32 $0x1  }
0x2: {  	[smem:$0x3F9F] =	sst lr;
	_ =	strace $0xD0000000  }
0x3: {  	_ = 	snop  }
0x4: {  	_ = 	snop  }
0x5: {  	_ = 	snop  }
0x6: {  	_ = 	snop  }
0x7: {  	_ = 	snop  }
__scs_overlays_trampoline_lowered:
0x8: {  	[smem:$0x3FAE] =	sst s0  }
0x9: {  	[smem:$0x3FAF] =	sst s1  }
0xa: {  	[smem:$0x3FB0] =	sst s2  }
0xb: {  	[smem:$0x3FB1] =	sst s3  }
0xc: {  	[smem:$0x3FB2] =	sst s4  }
0xd: {  	[smem:$0x3FB3] =	sst s5  }
0xe: {  	[smem:$0x3FB4] =	sst s6  }
0xf: {  	[smem:$0x3FB5] =	sst s7  }
0x10: {  	[smem:$0x3FB6] =	sst s8  }
0x11: {  	[smem:$0x3FB7] =	sst s9;
	s0 =	simm.s32 @!p0 $0x0  }
0x12: {  	s1 =	sld [smem:$0x3F9D];
	s0 =	simm.s32 @p0 $0x1  }
0x13: {  	[smem:$0x3FB8] =	sst s0;
	s0 =	simm.s32 @!p1 $0x0  }
0x14: {  	s2 =	sld [smem:$0x3F9C];
	s0 =	simm.s32 @p1 $0x1  }
0x15: {  	[smem:$0x3FB9] =	sst s0;
	s0 =	simm.s32 @!p2 $0x0  }
0x16: {  	s3 =	sld [smem:$0x3FDB];
	s0 =	simm.s32 @p2 $0x1  }
0x17: {  	s4 =	simm.s32 $0x1BF5;
	[smem:$0x3FBB] =	sst s0  }
0x18: {  	s0 =	sld [smem:$0x3F9E];
	_ =	swait.ge [sflag:s4], $0x0  }
0x19: {  	s7 =	sld [smem:$0x3F9F]  }
0x1a: {  	s8 =	sadd.s32 $0xFFFFE003, lr  }
0x1b: {  	s9 =	sadd.s32 $0xFFFFFEF7, lr;
	s5 =	simm.s32 $0xFFFFFFFF;
	p2 =	slt.u32 s8, $0xFFFFF086  }
0x1c: {  	p1 =	slt.u32 s9, $0xF7A;
	s5 =	simm.s32 @!p2 $0x0  }
0x1d: {  	s5 =	simm.s32 @p1 $0x1;
	p0 =	seq.s32 s7, s2  }
0x1e: {  	s7 =	smul.u32 @!p0 $0xF7A, s2;
	p2 =	seq.s32 @!p0 s5, $0x0  }
0x1f: {  	s9 =	smul.u32 $0xF7A, s1;
	s8 =	simm.s32 @!p0 $0x1BF5;
	p2 =	por !p2, p0  }
0x20: {  	[sflag:s8] =	ssyncset.s32 @!p0 $0xFFFFF086;
	s6 =	sadd.s32 @!p0 s3, s7;
	s7 =	simm.s32 @!p0 $0x108  }
0x21: {  	s3 =	sadd.s32 s3, s9;
	s6 =	sadd.s32 @!p0 $0x88, s6;
	s7 =	simm.s32 @p2 $0x1082  }
0x22: {  	[simem:s7], [sflag:s8] =	dma.local @!p0 [hbm:s6], $0xF7A  }
0x23: {  	s9 =	sor.u32 $0xD0000000, s2;
	s6 =	simm.s32 $0x108;
	_ =	swait.ge @!p0 [sflag:s8], $0x0  }
0x24: {  	s3 =	sadd.s32 $0x88, s3;
	s6 =	simm.s32 @!p1 $0x1082;
	[sflag:s4] =	ssyncset.s32 $0xFFFFF086  }
0x25: {  	[simem:s6], [sflag:s4] =	dma.local [hbm:s3], $0xF7A  }
0x26: {  	[smem:$0x3F9F] =	sst s1;
	(tag) =	ssettag s2;
	_ =	strace s9  }
0x27: {  	s1 =	sld [smem:$0x3FAF]  }
0x28: {  	s2 =	sld [smem:$0x3FB0]  }
0x29: {  	s4 =	sld [smem:$0x3FB2]  }
0x2a: {  	p0 =	seq.s32 s5, $0x0;
	s5 =	sld [smem:$0x3FB3]  }
0x2b: {  	s6 =	sld [smem:$0x3FB4]  }
0x2c: {  	s7 =	sld [smem:$0x3FB5]  }
0x2d: {  	s3 =	simm.s32 $0x108;
	s8 =	sld [smem:$0x3FB6]  }
0x2e: {  	s3 =	simm.s32 @!p0 $0x1082;
	s9 =	sld [smem:$0x3FB7]  }
0x2f: {  	lr =	sadd.s32 s0, s3;
	s0 =	sld [smem:$0x3FAE]  }
0x30: {  	s3 =	sld [smem:$0x3FB1]  }
0x31: {  	[smem:$0x3FBA] =	sst s10  }
0x32: {  	s10 =	sld [smem:$0x3FB8];
	_ =	sdelay $0x3  }
0x33: {  	p0 =	seq.s32 s10, $0x1;
	s10 =	sld [smem:$0x3FBA];
	_ =	sdelay $0x3  }
0x34: {  	[smem:$0x3FBA] =	sst s10  }
0x35: {  	s10 =	sld [smem:$0x3FB9];
	_ =	sdelay $0x3  }
0x36: {  	p1 =	seq.s32 s10, $0x1;
	s10 =	sld [smem:$0x3FBA];
	_ =	sdelay $0x3  }
0x37: {  	[smem:$0x3FBA] =	sst s10  }
0x38: {  	s10 =	sld [smem:$0x3FBB]  }
0x39: {  	_ = 	snop;
	(pc) =	sbr.ind lr, $3  }
0x3a: {  	_ = 	snop  }
0x3b: {  	_ = 	snop  }
0x3c: {  	p2 =	seq.s32 s10, $0x1;
	s10 =	sld [smem:$0x3FBA]  }
0x3d: {  	_ =	shalt  }
0x3e: {  	_ =	shalt  }
0x3f: {  	_ =	shalt  }
0x40: {  	_ =	shalt  }
0x41: {  	_ =	shalt  }
0x42: {  	_ =	shalt  }
0x43: {  	_ =	shalt  }
0x44: {  	_ =	shalt  }
0x45: {  	_ =	shalt  }
0x46: {  	_ =	shalt  }
0x47: {  	_ =	shalt  }
0x48: {  	_ =	shalt  }
0x49: {  	_ =	shalt  }
0x4a: {  	_ =	shalt  }
0x4b: {  	_ =	shalt  }
0x4c: {  	_ =	shalt  }
0x4d: {  	_ =	shalt  }
0x4e: {  	_ =	shalt  }
0x4f: {  	_ =	shalt  }
0x50: {  	_ =	shalt  }
0x51: {  	_ =	shalt  }
0x52: {  	_ =	shalt  }
0x53: {  	_ =	shalt  }
0x54: {  	_ =	shalt  }
0x55: {  	_ =	shalt  }
0x56: {  	_ =	shalt  }
0x57: {  	_ =	shalt  }
0x58: {  	_ =	shalt  }
0x59: {  	_ =	shalt  }
0x5a: {  	_ =	shalt  }
0x5b: {  	_ =	shalt  }
0x5c: {  	_ =	shalt  }
0x5d: {  	_ =	shalt  }
0x5e: {  	_ =	shalt  }
0x5f: {  	_ =	shalt  }
0x60: {  	_ =	shalt  }
0x61: {  	_ =	shalt  }
0x62: {  	_ =	shalt  }
0x63: {  	_ =	shalt  }
0x64: {  	_ =	shalt  }
0x65: {  	_ =	shalt  }
0x66: {  	_ =	shalt  }
0x67: {  	_ =	shalt  }
0x68: {  	_ =	shalt  }
0x69: {  	_ =	shalt  }
0x6a: {  	_ =	shalt  }
0x6b: {  	_ =	shalt  }
0x6c: {  	_ =	shalt  }
0x6d: {  	_ =	shalt  }
0x6e: {  	_ =	shalt  }
0x6f: {  	_ =	shalt  }
0x70: {  	_ =	shalt  }
0x71: {  	_ =	shalt  }
0x72: {  	_ =	shalt  }
0x73: {  	_ =	shalt  }
0x74: {  	_ =	shalt  }
0x75: {  	_ =	shalt  }
0x76: {  	_ =	shalt  }
0x77: {  	_ =	shalt  }
0x78: {  	_ =	shalt  }
0x79: {  	_ =	shalt  }
0x7a: {  	_ =	shalt  }
0x7b: {  	_ =	shalt  }
0x7c: {  	_ =	shalt  }
0x7d: {  	_ =	shalt  }
0x7e: {  	_ =	shalt  }
0x7f: {  	_ =	shalt  }
0x80: {  	_ =	shalt  }
0x81: {  	_ =	shalt  }
0x82: {  	_ =	shalt  }
0x83: {  	_ =	shalt  }
0x84: {  	_ =	shalt  }
0x85: {  	_ =	shalt  }
0x86: {  	_ =	shalt  }
0x87: {  	_ =	shalt  }
.Lfunc_end0:
.L_simem_size_0:
called_computation_lowered:
.L_overlay_start_0:
0x88: {  	s0 =	sld [smem:$0x3FD9]  }
0x89: {  	s1 =	sld [smem:$0x3FFE];
	_ =	sdelay $0x3  }
0x8a: {  	s0 =	sadd.s32 s1, s0  }
0x8b: {  	[smem:$0x3FC6] =	sst s0  }
0x8c: {  	_ = 	snop  }
0x8d: {  	(tm) =	ssettm $0x1  }
0x8e: {  	s14 =	sld [smem:$0x3FFB];
	_ =	sdelay $0x3  }
0x8f: {  	_ =	strace s14  }
0x90: {  	s0 =	sld [smem:$0x3FFC];
	_ =	sdelay $0x3  }
0x91: {  	_ =	strace s0  }
0x92: {  	s0 =	sld [smem:$0x3FFD];
	_ =	sdelay $0x3  }
0x93: {  	_ =	strace s0  }
0x94: {  	_ =	strace $0x8FFFFFFF  }
0x95: {  	s15 =	sld [smem:$0x3FDB];
	_ =	sdelay $0x1  }
0x96: {  	s16 =	simm.s32 $_scs_section_size  }
0x97: {  	s2 =	simm.s32 $_size__tile_overlayer_lowered;
	s3 =	simm.s32 $_tile_overlayer_lowered  }
0x98: {  	s4 =	simm.s32 $0x1BFF;
	s17 =	sshll.u32 s3, $0x1;
	s1 =	sadd.s32 s16, s15  }
0x99: {  	s18 =	simm.s32 $0x0;
	s2 =	sshll.u32 s2, $0x1;
	s3 =	sadd.s32 s17, s1  }
0x9a: {  	[timem:s18], [sflag:s4] =	dma.local [hbm:s3], s2  }
0x9b: {  	_ =	swait.ge [sflag:s4], s2  }
0x9c: {  	s2 =	ssub.s32 $0x0, s2;
	[sflag:s4] =	ssyncset.done $0x0  }
0x9d: {  	[sflag:s4] =	ssyncadd.s32 s2;
	_ =	sdelay $0x1  }
0x9e: {  	s19 =	simm.s32 $0x1B8B  }
0x9f: {  	_ =	swait.ge [sflag:s19], $0x1  }
0xa0: {  	[sflag:s19] =	ssyncset.done $0x0  }
0xa1: {  	s21 =	simm.s32 $0x1B8E;
	s20 =	sld [smem:$0x3FFE];
	[sflag:s19] =	ssyncadd.s32 $0xFFFFFFFF  }
0xa2: {  	s22 =	simm.s32 $execute0_lowered;
	[smem:$0x3FD2] =	sst s21  }
0xa3: {  	s3 =	sshll.u32 s22, $0x1;
	_ =	strace $0x80000052;
	[dreg:$0x1] =	wrdreg $0xFFFFFFFF  }
0xa4: {  	s23 =	simm.s32 $_size_execute0_lowered;
	s3 =	sadd.s32 s1, s3;
	[dreg:$0x0] =	wrdreg $0x0  }
0xa5: {  	s4 =	sshll.u32 s23, $0x1;
	[dreg:$0x2] =	wrdreg s3  }
0xa6: {  	[dreg:$0x3] =	wrdreg s4  }
0xa7: {  	[dreg:$0x4] =	wrdreg $0xC0  }
0xa8: {  	s24 =	simm.s32 $execute1_lowered;
	_ =	task [dreg:s18], $0x5FFFF  }
0xa9: {  	s3 =	sshll.u32 s24, $0x1;
	[dreg:$0x1] =	wrdreg $0xFFFFFFFF  }
0xaa: {  	s1 =	sadd.s32 s1, s3;
	[dreg:$0x0] =	wrdreg $0x60  }
0xab: {  	[dreg:$0x2] =	wrdreg s1  }
0xac: {  	[dreg:$0x3] =	wrdreg s20  }
0xad: {  	[dreg:$0x4] =	wrdreg $0x9  }
0xae: {  	_ =	task.clear_ibuf [dreg:s18], $0x5FFFF;
	_ =	strace $0x90000052  }
0xaf: {  	s25 =	simm.s32 $0x9;
	_ =	strace $0x80000054  }
0xb0: {  	_ =	swait.ge [sflag:s25], $0x1  }
0xb1: {  	[sflag:s25] =	ssyncadd.s32 $0xFFFFFFFF  }
0xb2: {  	_ =	strace $0x90000054  }
0xb3: {  	_ =	strace $0x80000055;
	[dreg:$0x1] =	wrdreg $0xFFFFFFFF  }
0xb4: {  	[dreg:$0x0] =	wrdreg $0x2030  }
0xb5: {  	[dreg:$0x2] =	wrdreg s20  }
0xb6: {  	[dreg:$0x3] =	wrdreg $0xA  }
0xb7: {  	_ =	task.clear_ibuf [dreg:s18], $0x4FFFF;
	_ =	strace $0x90000055  }
0xb8: {  	s26 =	simm.s32 $0xA;
	_ =	strace $0x80000057  }
0xb9: {  	_ =	swait.ge [sflag:s26], $0x1  }
0xba: {  	[sflag:s26] =	ssyncadd.s32 $0xFFFFFFFF  }
0xbb: {  	_ =	strace $0x90000057  }
0xbc: {  	_ =	sfence  }
0xbd: {  	s28 =	sld [smem:$0x0];
	_ =	sdelay $0x1  }
0xbe: {  	s29 =	srdreg.scid  }
0xbf: {  	s30 =	sshll.u32 s29, $0xD;
	s31 =	sshrl.u32 s29, $0x2  }
0xc0: {  	s2 =	sand.u32 $0x1, s29;
	s3 =	sand.u32 $0x4000, s30;
	s1 =	sadd.s32 s31, s28  }
0xc1: {  	s2 =	sor.u32 s3, s2;
	s1 =	sshll.u32 s1, $0x11  }
0xc2: {  	s1 =	sor.u32 s1, s2  }
0xc3: {  	s1 =	sadd.s32 $0x8F2B, s1  }
0xc4: {  	[sflag:s1] =	ssyncadd.remote.s32 $0x1  }
0xc5: {  	_ =	sfence.sel $0xFFFF  }
0xc6: {  	[dreg:$0x0] =	wrdreg $0xFFFFFFFF;
	(pc) =	sbr.abs _section_cstart, $3  }
0xc7: {  	[dreg:$0x1] =	wrdreg $0xFFFFFFFF  }
0xc8: {  	_ =	task.clear_ibuf [dreg:s18], $0x2FFFF;
	_ =	strace $0x9FFFFFFF  }
0xc9: {  	(tm) =	ssettm $0x7FFFFFFF  }
tec
execute0_lowered:
.L_overlay_start_1:
0x0: {  	(tag) =	ssettag $0x1  }
0x1: {  	s2 =	rddreg [dreg:$0x0]  }
0x2: {  	s8 =	rddreg [dreg:$0x1]  }
0x3: {  	s0 =	rddreg [dreg:$0x2];
	s3 =	stileid.u32  }
0x4: {  	[bflag:$0x3] =	sbarrier.arrive $0xFFFF;
	s1 =	simm.s32 $_size_execute1_lowered;
	p0 =	sne.s32 s3, $0x0  }
0x5: {  	s1 =	sshll.u32 s1, $0x1;
	s4 =	simm.s32 @!p0 $0x1C3F;
	s5 =	simm.s32 @!p0 $0x4060  }
0x6: {  	[timem:s5], [sflag:s4] =	dma.local @!p0 [hbm:s2], s1  }
0x7: {  	s4 =	sshll.u32 s3, $0x6  }
0x8: {  	s29 =	ssub.s32 $0x400, s4  }
0x9: {  	s6 =	simm.s32 $0x1;
	s30 =	sshll.u32 s3, $0x3;
	s31 =	sand.u32 $0x3C0, s29  }
0xa: {  	s7 =	sadd.s32 s30, s8;
	s2 =	simm.s32 $0x1;
	p1 =	sne.s32 s31, $0x0  }
0xb: {  	s3 =	simm.s32 $0x2;
	s5 =	sshrl.u32 s29, $0xA;
	s6 =	simm.s32 @!p1 $0x0  }
0xc: {  	s7 =	sadd.s32 $0x6E800, s7;
	_ =	strace $0x80000053;
	s5 =	sadd.s32 s6, s5  }
0xd: {  	[sflag:s2] =	ssyncpa.u1 $0x0;
	s6 =	simm.s32 $0x0;
	p2 =	sle.u32 s5, $0x0  }
0xe: {  	[sflag:s3] =	ssyncpa.u1 $0x0;
	p1 =	sle.u32 s5, $0xFFFFFFFF;
	s9 =	sxor.u32 @!p2 $0xFFFFFFFF, s6  }
0xf: {  	s10 =	simm.s32 @!p1 $0x1;
	s11 =	simm.s32 @!p2 $0x0;
	s9 =	sand.u32 @!p2 $0x40, s9  }
0x10: {  	[tilespmem:s9], [sflag:$0x1] =	stream.linear.gather @!p2 [hbm4b:s7+s11], $0x40, $0x38;
	[tilespmem:$0x100] =	vst v63  }
0x11: {  	_ =	swait.ge @!p1 [sflag:s10], $0x40  }
0x12: {  	[sflag:s10] =	ssyncset.done @!p1 $0x0  }
0x13: {  	s12 =	sand.u32 @!p1 $0x40, s6;
	s9 =	sadd.s32 $0x1, s5;
	[sflag:s10] =	ssyncadd.s32 @!p1 $0xFFFFFFC0  }
0x14: {  	p3 =	sne.s32 s9, $0x0;
	v3 =	vld @!p1 [tilespmem:s12+$0x30]  }
.Ltmp0:
0x15: {  	_ = 	snop;
	(pc) =	sbr.rel @!p3 .LBB2_2-.Ltmp0, $4  }
0x16: {  	v2 =	vld @!p1 [tilespmem:s12+$0x20]  }
0x17: {  	p6 =	por $0x1, $0x1;
	v1 =	vld @!p1 [tilespmem:s12+$0x0]  }
0x18: {  	s8 =	sadd.s32 $0x6EA00, s8;
	s14 =	sor.u32 @!p1 $0x80, s12;
	p2 =	por p6, p6;
	v0 =	vld @!p1 [tilespmem:s12+$0x10]  }
0x19: {  	s11 =	sadd.s32 @!p1 $0x0, s8;
	s13 =	simm.s32 @!p2 $0x2;
	s10 =	simm.s32 $0x1;
	[tilespmem:s12+$0xB0] =	vst @!p1 v3  }
.LBB2_1:
0x1a: {  	p4 =	slt.u32 s10, $0x2  }
0x1b: {  	p3 =	sne.s32 s10, s9;
	[tilespmem:s12+$0xA0] =	vst @!p1 v2;
	s6 =	sadd.s32 $0x40, s6;
	s15 =	smov.u32 s10  }
0x1c: {  	s10 =	sadd.s32 $0x1, s10;
	s16 =	simm.s32 @!p1 $0x0;
	p5 =	sge.u32 s15, s5;
	[tilespmem:s12+$0x80] =	vst @!p1 v1  }
0x1d: {  	s15 =	sadd.s32 $0xFFFFFFFF, s15;
	s17 =	sxor.u32 @!p5 $0xFFFFFFFF, s6;
	[tilespmem:s12+$0x90] =	vst @!p1 v0  }
0x1e: {  	[hbm4b:s11+s16] =	stream.linear.scatter @!p1 [tilespmem:s14], [sflag:$0x2], $0x40, $0x38;
	[tilespmem:$0x100] =	vst v63  }
0x1f: {  	s12 =	sand.u32 @!p5 $0x40, s17;
	p1 =	sge.u32 s15, s5;
	_ =	swait.ge @!p2 [sflag:s13], $0x40  }
0x20: {  	s14 =	simm.s32 @!p1 $0x1;
	s11 =	sshrl.u32 @!p1 s4, $0x3;
	[sflag:s13] =	ssyncset.done @!p2 $0x0  }
0x21: {  	s15 =	simm.s32 @!p5 $0x0;
	s11 =	sadd.s32 @!p1 s8, s11;
	[sflag:s13] =	ssyncadd.s32 @!p2 $0xFFFFFFC0  }
0x22: {  	[tilespmem:s12], [sflag:$0x1] =	stream.linear.gather @!p5 [hbm4b:s7+s15], $0x40, $0x38;
	[tilespmem:$0x100] =	vst v63  }
0x23: {  	p2 =	por p4, p4;
	_ =	swait.ge @!p1 [sflag:s14], $0x40  }
0x24: {  	[sflag:s14] =	ssyncset.done @!p1 $0x0  }
0x25: {  	s12 =	sand.u32 @!p1 $0x40, s6;
	[sflag:s14] =	ssyncadd.s32 @!p1 $0xFFFFFFC0  }
0x26: {  	s14 =	sor.u32 @!p1 $0x80, s12;
	v3 =	vld @!p1 [tilespmem:s12+$0x30]  }
.Ltmp1:
0x27: {  	v2 =	vld @!p1 [tilespmem:s12+$0x20];
	(pc) =	sbr.rel @p3 .LBB2_1-.Ltmp1, $3  }
0x28: {  	v1 =	vld @!p1 [tilespmem:s12+$0x0]  }
0x29: {  	v0 =	vld @!p1 [tilespmem:s12+$0x10];
	_ =	sdelay $0x1  }
0x2a: {  	s13 =	simm.s32 @!p2 $0x2;
	[tilespmem:s12+$0xB0] =	vst @!p1 v3  }
.LBB2_2:
0x2b: {  	_ = 	snop  }
0x2c: {  	[tilespmem:s12+$0xA0] =	vst @!p1 v2  }
0x2d: {  	[tilespmem:s12+$0x80] =	vst @!p1 v1  }
0x2e: {  	s4 =	simm.s32 @!p1 $0x0;
	[tilespmem:s12+$0x90] =	vst @!p1 v0  }
0x2f: {  	[hbm4b:s11+s4] =	stream.linear.scatter @!p1 [tilespmem:s14], [sflag:$0x2], $0x40, $0x38;
	[tilespmem:$0x100] =	vst v63  }
0x30: {  	_ =	swait.ge @!p2 [sflag:s13], $0x40  }
0x31: {  	[sflag:s13] =	ssyncset.done @!p2 $0x0  }
0x32: {  	[sflag:s13] =	ssyncadd.s32 @!p2 $0xFFFFFFC0  }
0x33: {  	_ =	sfence.sel $0x180000  }
0x34: {  	[bflag:$0x0] =	sbarrier.arrive $0xFFFF  }
0x35: {  	[sflag:s2] =	ssyncpa.u1 $0x1  }
0x36: {  	[sflag:s3] =	ssyncpa.u1 $0x1  }
0x37: {  	_ =	strace $0x90000053  }
0x38: {  	s0 =	sadd.s32 @!p0 $0x100000, s0;
	[bflag:$0x2] =	sbarrier.arrive $0xFFFF  }
0x39: {  	[sflag:s0] =	ssyncadd.tile.s32 @!p0 $0x1;
	s0 =	simm.s32 @!p0 $0x3F  }
0x3a: {  	_ =	swait.ge @!p0 [sflag:s0], s1  }
0x3b: {  	s1 =	ssub.s32 @!p0 $0x0, s1;
	[sflag:s0] =	ssyncset.done @!p0 $0x0  }
0x3c: {  	[sflag:s0] =	ssyncadd.s32 @!p0 s1  }
0x3d: {  	[bflag:$0x3] =	sbarrier.arrive $0xFFFF  }
0x3e: {  	_ =	shalt  }
.Lfunc_end2:
execute1_lowered:
.L_overlay_start_2:
0x3f: {  	(tag) =	ssettag $0x2  }
0x40: {  	s5 =	rddreg [dreg:$0x0]  }
0x41: {  	s0 =	rddreg [dreg:$0x1];
	_ =	strace $0x80000056;
	s6 =	stileid.u32  }
0x42: {  	s3 =	simm.s32 $0x3E;
	s1 =	sadd.s32 $0x6EA00, s5;
	p0 =	sne.s32 s6, $0x0  }
0x43: {  	[sflag:s3] =	ssyncpa.u1 $0x0;
	s4 =	simm.s32 @!p0 $0x1C3E;
	s2 =	simm.s32 @!p0 $0x0  }
0x44: {  	[spmem:s2], [sflag:s4] =	dma.local @!p0 [hbm:s1], $0x80  }
0x45: {  	s4 =	simm.s32 @!p0 $0x3E  }
0x46: {  	_ =	swait.ge @!p0 [sflag:s4], $0x80  }
0x47: {  	[sflag:s4] =	ssyncset.done @!p0 $0x0  }
0x48: {  	[sflag:s4] =	ssyncadd.s32 @!p0 $0xFFFFFF80  }
0x49: {  	s9 =	simm.s32 $0x160;
	s6 =	smul.u32 $0x24, s6;
	[bflag:$0x0] =	sbarrier.arrive $0xFFFF  }
0x4a: {  	s7 =	sadd.s32 $0x6E400, s5;
	[sflag:s3] =	ssyncpa.u1 $0x1;
	s3 =	simm.s32 $0x1  }
0x4b: {  	s8 =	sadd.s32 s5, s6;
	s4 =	simm.s32 $0x2;
	[sflag:s3] =	ssyncpa.u1 $0x0  }
0x4c: {  	s5 =	simm.s32 $0x0;
	(ifvalue) =	ssetifvalue $0x400;
	[sflag:s4] =	ssyncpa.u1 $0x0  }
0x4d: {  	[tilespmem:s9], [sflag:$0x2] =	stream.linear.gather [hbm4b:s8+s5], $0x120, $0x38;
	[tilespmem:$0x4C0] =	vst v63  }
0x4e: {  	s19 =	simm.s32 $0x3A0;
	s6 =	sadd.s32 s7, s6  }
0x4f: {  	[tilespmem:s19], [sflag:$0x2] =	stream.linear.gather [hbm4b:s6+s5], $0x120, $0x38;
	[tilespmem:$0x4C0] =	vst v63  }
0x50: {  	_ =	swait.ge [sflag:s4], $0x240  }
0x51: {  	[sflag:s4] =	ssyncset.done $0x0  }
0x52: {  	[sflag:s4] =	ssyncadd.s32 $0xFFFFFDC0  }
0x53: {  	v0 =	vld.msk [tilespmem:s9+$0x0 ss:$0x1], $0xffff;
	_ =	sdelay $0x4  }
0x54: {  	v0 =	vmin.u32 v0, $0x400;
	_ =	sdelay $0x3  }
0x55: {  	vm0 =	vmmov $0xffff;
	s20 =	simm.s32 $0x170  }
0x56: {  	[spmem:s5] =	stream.indirect_vreg.scatter.add.s32 [tilespmem:s19], [sflag:$0x1], $0x1, v0, vm0, $0x4038;
	[tilespmem:$0x4C0] =	vst v63  }
0x57: {  	v0 =	vld.msk [tilespmem:s20+$0x0 ss:$0x1], $0xffff;
	_ =	sdelay $0x4  }
0x58: {  	v0 =	vmin.u32 v0, $0x400;
	_ =	sdelay $0x3  }
0x59: {  	s21 =	simm.s32 $0x3B0;
	s22 =	simm.s32 $0x180  }
0x5a: {  	[spmem:s5] =	stream.indirect_vreg.scatter.add.s32 [tilespmem:s21], [sflag:$0x1], $0x1, v0, vm0, $0x4038;
	[tilespmem:$0x4C0] =	vst v63  }
0x5b: {  	v0 =	vld.msk [tilespmem:s22+$0x0 ss:$0x1], $0xffff;
	_ =	sdelay $0x4  }
0x5c: {  	v0 =	vmin.u32 v0, $0x400;
	_ =	sdelay $0x3  }
0x5d: {  	s23 =	simm.s32 $0x3C0;
	s24 =	simm.s32 $0x190  }
0x5e: {  	[spmem:s5] =	stream.indirect_vreg.scatter.add.s32 [tilespmem:s23], [sflag:$0x1], $0x1, v0, vm0, $0x4038;
	[tilespmem:$0x4C0] =	vst v63  }
0x5f: {  	v0 =	vld.msk [tilespmem:s24+$0x0 ss:$0x1], $0xffff;
	_ =	sdelay $0x4  }
0x60: {  	v0 =	vmin.u32 v0, $0x400;
	_ =	sdelay $0x3  }
0x61: {  	s25 =	simm.s32 $0x3D0;
	s26 =	simm.s32 $0x1A0  }
0x62: {  	[spmem:s5] =	stream.indirect_vreg.scatter.add.s32 [tilespmem:s25], [sflag:$0x1], $0x1, v0, vm0, $0x4038;
	[tilespmem:$0x4C0] =	vst v63  }
0x63: {  	v0 =	vld.msk [tilespmem:s26+$0x0 ss:$0x1], $0xffff;
	_ =	sdelay $0x4  }
0x64: {  	v0 =	vmin.u32 v0, $0x400;
	_ =	sdelay $0x3  }
0x65: {  	s28 =	simm.s32 $0x3E0;
	s29 =	simm.s32 $0x1B0  }
0x66: {  	[spmem:s5] =	stream.indirect_vreg.scatter.add.s32 [tilespmem:s28], [sflag:$0x1], $0x1, v0, vm0, $0x4038;
	[tilespmem:$0x4C0] =	vst v63  }
0x67: {  	v0 =	vld.msk [tilespmem:s29+$0x0 ss:$0x1], $0xffff;
	_ =	sdelay $0x4  }
0x68: {  	v0 =	vmin.u32 v0, $0x400;
	_ =	sdelay $0x3  }
0x69: {  	s30 =	simm.s32 $0x3F0;
	s31 =	simm.s32 $0x1C0  }
0x6a: {  	[spmem:s5] =	stream.indirect_vreg.scatter.add.s32 [tilespmem:s30], [sflag:$0x1], $0x1, v0, vm0, $0x4038;
	[tilespmem:$0x4C0] =	vst v63  }
0x6b: {  	v0 =	vld.msk [tilespmem:s31+$0x0 ss:$0x1], $0xffff;
	_ =	sdelay $0x4  }
0x6c: {  	v0 =	vmin.u32 v0, $0x400;
	_ =	sdelay $0x3  }
0x6d: {  	s7 =	simm.s32 $0x400;
	s8 =	simm.s32 $0x1D0  }
0x6e: {  	[spmem:s5] =	stream.indirect_vreg.scatter.add.s32 [tilespmem:s7], [sflag:$0x1], $0x1, v0, vm0, $0x4038;
	[tilespmem:$0x4C0] =	vst v63  }
0x6f: {  	v0 =	vld.msk [tilespmem:s8+$0x0 ss:$0x1], $0xffff;
	_ =	sdelay $0x4  }
0x70: {  	v0 =	vmin.u32 v0, $0x400;
	_ =	sdelay $0x3  }
0x71: {  	s10 =	simm.s32 $0x1E0;
	s9 =	simm.s32 $0x410  }
0x72: {  	[spmem:s5] =	stream.indirect_vreg.scatter.add.s32 [tilespmem:s9], [sflag:$0x1], $0x1, v0, vm0, $0x4038;
	[tilespmem:$0x4C0] =	vst v63  }
0x73: {  	v0 =	vld.msk [tilespmem:s10+$0x0 ss:$0x1], $0xffff;
	_ =	sdelay $0x4  }
0x74: {  	v0 =	vmin.u32 v0, $0x400;
	_ =	sdelay $0x3  }
0x75: {  	s11 =	simm.s32 $0x420;
	s12 =	simm.s32 $0x1F0  }
0x76: {  	[spmem:s5] =	stream.indirect_vreg.scatter.add.s32 [tilespmem:s11], [sflag:$0x1], $0x1, v0, vm0, $0x4038;
	[tilespmem:$0x4C0] =	vst v63  }
0x77: {  	v0 =	vld.msk [tilespmem:s12+$0x0 ss:$0x1], $0xffff;
	_ =	sdelay $0x4  }
0x78: {  	v0 =	vmin.u32 v0, $0x400;
	_ =	sdelay $0x3  }
0x79: {  	s13 =	simm.s32 $0x430;
	s14 =	simm.s32 $0x200  }
0x7a: {  	[spmem:s5] =	stream.indirect_vreg.scatter.add.s32 [tilespmem:s13], [sflag:$0x1], $0x1, v0, vm0, $0x4038;
	[tilespmem:$0x4C0] =	vst v63  }
0x7b: {  	v0 =	vld.msk [tilespmem:s14+$0x0 ss:$0x1], $0xffff;
	_ =	sdelay $0x4  }
0x7c: {  	v0 =	vmin.u32 v0, $0x400;
	_ =	sdelay $0x3  }
0x7d: {  	s15 =	simm.s32 $0x440;
	s16 =	simm.s32 $0x210  }
0x7e: {  	[spmem:s5] =	stream.indirect_vreg.scatter.add.s32 [tilespmem:s15], [sflag:$0x1], $0x1, v0, vm0, $0x4038;
	[tilespmem:$0x4C0] =	vst v63  }
0x7f: {  	v0 =	vld.msk [tilespmem:s16+$0x0 ss:$0x1], $0xffff;
	_ =	sdelay $0x4  }
0x80: {  	v0 =	vmin.u32 v0, $0x400;
	_ =	sdelay $0x3  }
0x81: {  	s17 =	simm.s32 $0x450;
	s18 =	simm.s32 $0x220  }
0x82: {  	[spmem:s5] =	stream.indirect_vreg.scatter.add.s32 [tilespmem:s17], [sflag:$0x1], $0x1, v0, vm0, $0x4038;
	[tilespmem:$0x4C0] =	vst v63  }
0x83: {  	v0 =	vld.msk [tilespmem:s18+$0x0 ss:$0x1], $0xffff;
	_ =	sdelay $0x4  }
0x84: {  	v0 =	vmin.u32 v0, $0x400;
	_ =	sdelay $0x3  }
0x85: {  	s19 =	simm.s32 $0x460;
	s20 =	simm.s32 $0x230  }
0x86: {  	[spmem:s5] =	stream.indirect_vreg.scatter.add.s32 [tilespmem:s19], [sflag:$0x1], $0x1, v0, vm0, $0x4038;
	[tilespmem:$0x4C0] =	vst v63  }
0x87: {  	v0 =	vld.msk [tilespmem:s20+$0x0 ss:$0x1], $0xffff;
	_ =	sdelay $0x4  }
0x88: {  	v0 =	vmin.u32 v0, $0x400;
	_ =	sdelay $0x3  }
0x89: {  	s21 =	simm.s32 $0x470;
	s22 =	simm.s32 $0x240  }
0x8a: {  	[spmem:s5] =	stream.indirect_vreg.scatter.add.s32 [tilespmem:s21], [sflag:$0x1], $0x1, v0, vm0, $0x4038;
	[tilespmem:$0x4C0] =	vst v63  }
0x8b: {  	v0 =	vld.msk [tilespmem:s22+$0x0 ss:$0x1], $0xffff;
	_ =	sdelay $0x4  }
0x8c: {  	v0 =	vmin.u32 v0, $0x400;
	_ =	sdelay $0x3  }
0x8d: {  	s23 =	simm.s32 $0x480;
	s24 =	simm.s32 $0x250  }
0x8e: {  	[spmem:s5] =	stream.indirect_vreg.scatter.add.s32 [tilespmem:s23], [sflag:$0x1], $0x1, v0, vm0, $0x4038;
	[tilespmem:$0x4C0] =	vst v63  }
0x8f: {  	v0 =	vld.msk [tilespmem:s24+$0x0 ss:$0x1], $0xffff;
	_ =	sdelay $0x4  }
0x90: {  	v0 =	vmin.u32 v0, $0x400;
	_ =	sdelay $0x3  }
0x91: {  	s25 =	simm.s32 $0x490;
	s26 =	simm.s32 $0x260  }
0x92: {  	[spmem:s5] =	stream.indirect_vreg.scatter.add.s32 [tilespmem:s25], [sflag:$0x1], $0x1, v0, vm0, $0x4038;
	[tilespmem:$0x4C0] =	vst v63  }
0x93: {  	v0 =	vld.msk [tilespmem:s26+$0x0 ss:$0x1], $0xffff;
	_ =	sdelay $0x4  }
0x94: {  	v0 =	vmin.u32 v0, $0x400;
	_ =	sdelay $0x3  }
0x95: {  	s28 =	simm.s32 $0x4A0;
	s29 =	simm.s32 $0x270  }
0x96: {  	[spmem:s5] =	stream.indirect_vreg.scatter.add.s32 [tilespmem:s28], [sflag:$0x1], $0x1, v0, vm0, $0x4038;
	[tilespmem:$0x4C0] =	vst v63  }
0x97: {  	v0 =	vld.msk [tilespmem:s29+$0x0 ss:$0x1], $0xffff;
	_ =	sdelay $0x4  }
0x98: {  	v0 =	vmin.u32 v0, $0x400;
	_ =	sdelay $0x3  }
0x99: {  	s30 =	simm.s32 $0x4B0  }
0x9a: {  	[spmem:s5] =	stream.indirect_vreg.scatter.add.s32 [tilespmem:s30], [sflag:$0x1], $0x1, v0, vm0, $0x4038;
	[tilespmem:$0x4C0] =	vst v63  }
0x9b: {  	_ =	swait.ge [sflag:s3], $0x120  }
0x9c: {  	[sflag:s3] =	ssyncset.done $0x0  }
0x9d: {  	[sflag:s3] =	ssyncadd.s32 $0xFFFFFEE0  }
0x9e: {  	_ =	sfence.sel $0x180000  }
0x9f: {  	[bflag:$0x0] =	sbarrier.arrive $0xFFFF  }
0xa0: {  	[sflag:s4] =	ssyncpa.u1 $0x1  }
0xa1: {  	[sflag:s3] =	ssyncpa.u1 $0x1  }
0xa2: {  	_ =	sfence.stream.spmem  }
0xa3: {  	s31 =	simm.s32 $0x3D;
	[bflag:$0x0] =	sbarrier.arrive $0xFFFF  }
0xa4: {  	s3 =	simm.s32 @p0 $0x3D;
	[sflag:s31] =	ssyncpa.u1 $0x0  }
0xa5: {  	[sflag:s3] =	ssyncpa.u1 @p0 $0x1  }
0xa6: {  	[bflag:$0x0] =	sbarrier.arrive @p0 $0xFFFF  }
0xa7: {  	_ =	strace @p0 $0x90000056  }
0xa8: {  	s3 =	simm.s32 @!p0 $0x1C3D;
	[bflag:$0x2] =	sbarrier.arrive @p0 $0xFFFF  }
0xa9: {  	[hbm:s1], [sflag:s3] =	dma.local @!p0 [spmem:s2], $0x80  }
0xaa: {  	s1 =	simm.s32 @!p0 $0x3D  }
0xab: {  	_ =	swait.ge @!p0 [sflag:s1], $0x80  }
0xac: {  	[sflag:s1] =	ssyncset.done @!p0 $0x0  }
0xad: {  	[sflag:s1] =	ssyncadd.s32 @!p0 $0xFFFFFF80  }
0xae: {  	[sflag:s1] =	ssyncpa.u1 @!p0 $0x1  }
0xaf: {  	[bflag:$0x0] =	sbarrier.arrive @!p0 $0xFFFF  }
0xb0: {  	_ =	strace @!p0 $0x90000056  }
0xb1: {  	s0 =	sadd.s32 @!p0 $0x100000, s0;
	[bflag:$0x2] =	sbarrier.arrive @!p0 $0xFFFF  }
0xb2: {  	[sflag:s0] =	ssyncadd.tile.s32 @!p0 $0x1;
	_ =	shalt  }
.Lfunc_end3:
_tile_overlayer_lowered:
.L_overlay_start_3:
0xb3: {  	(tag) =	ssettag $0x3  }
0xb4: {  	s0 =	rddreg [dreg:$0x0];
	s2 =	stileid.u32  }
0xb5: {  	s1 =	rddreg [dreg:$0x1];
	p0 =	sne.s32 s2, $0x0  }
0xb6: {  	s3 =	rddreg [dreg:$0x2];
	[bflag:$0x3] =	sbarrier.arrive $0xFFFF;
	s2 =	simm.s32 @!p0 $0x1C01  }
0xb7: {  	[timem:s3], [sflag:s2] =	dma.local @!p0 [hbm:s0], s1  }
0xb8: {  	s0 =	simm.s32 @!p0 $0x1  }
0xb9: {  	_ =	swait.ge @!p0 [sflag:s0], s1  }
0xba: {  	s1 =	ssub.s32 @!p0 $0x0, s1;
	[sflag:s0] =	ssyncset.done @!p0 $0x0  }
0xbb: {  	[sflag:s0] =	ssyncadd.s32 @!p0 s1  }
0xbc: {  	[bflag:$0x3] =	sbarrier.arrive $0xFFFF  }
0xbd: {  	_ =	shalt  }

</sc_bundles>
